<compile_context>
chip_gen: v7x
topology: tpu7x:2x2x1
jax: 0.10.2.dev20260603
libtpu: 0.0.44.dev20260713+nightly
codegen_flags: <defaults>
</compile_context>

<pallas_src>
import math

import jax
import jax.numpy as jnp
from jax import lax
from jax.experimental import pallas as pl
from jax.experimental.pallas import tpu as pltpu
from jax.experimental.pallas import tpu_sc as plsc
import numpy as np

_VOCAB = 1000000
_D = 128
_MAX_LEN = 200
_NUM_LAYERS = 6
_B = 4096
_L = 200

_NC = 2
_NS = 16
_NW = _NC * _NS

_CHUNK = _B // _NW
_SCALE = math.sqrt(float(_D))
_LANES = 16
_VPR = _D // _LANES
_UNROLL = 8


def _sincos_table(max_len, d_model):
    pe = np.zeros((max_len, d_model), dtype=np.float32)
    pos = np.arange(max_len, dtype=np.float64)[:, None]
    i = np.arange(0, d_model, 2, dtype=np.float64)
    pe[:, 0::2] = np.sin(pos / np.power(10000.0, 2.0 * i / d_model)).astype(np.float32)
    pe[:, 1::2] = np.cos(pos / np.power(10000.0, 2.0 * (i + 1.0) / d_model)).astype(np.float32)
    return pe


_PE = _sincos_table(_MAX_LEN, _D)
_TE = _sincos_table(_NUM_LAYERS, _D)


_NB = 2


def _body(table_hbm, idx_hbm, pe_hbm, out_hbm,
          idx_all, g0, g1, o0, o1, pe_v, gs0, gs1, ss0, ss1):
    gbuf, obuf = [g0, g1], [o0, o1]
    gsem, ssem = [gs0, gs1], [ss0, ss1]

    wid = lax.axis_index("s") * _NC + lax.axis_index("c")
    b0 = wid * _CHUNK
    pltpu.sync_copy(pe_hbm, pe_v)
    pltpu.sync_copy(idx_hbm.at[:, pl.ds(b0, _CHUNK)], idx_all)

    for g in range(_NB):
        pltpu.make_async_copy(table_hbm.at[idx_all.at[g]], gbuf[g],
                              gsem[g]).start()

    def chunk(c, g, refill):
        pltpu.make_async_copy(table_hbm.at[idx_all.at[c]], gbuf[g],
                              gsem[g]).wait()

        @pl.when(c >= _NB)
        def _():
            pltpu.make_async_copy(
                obuf[g],
                out_hbm.at[pl.ds(b0, _CHUNK), pl.ds(c - _NB, 1), :],
                ssem[g]).wait()

        vp = [pe_v[c, pl.ds(j * _LANES, _LANES)] for j in range(_VPR)]

        def blk(t, carry2):
            for r in range(_UNROLL):
                i = t * _UNROLL + r
                for j in range(_VPR):
                    sl = pl.ds(j * _LANES, _LANES)
                    obuf[g][i, 0, sl] = gbuf[g][i, sl] * _SCALE + vp[j]
            return carry2

        lax.fori_loop(0, _CHUNK // _UNROLL, blk, 0)

        pltpu.make_async_copy(
            obuf[g], out_hbm.at[pl.ds(b0, _CHUNK), pl.ds(c, 1), :],
            ssem[g]).start()

        if refill:
            @pl.when(c + _NB < _L)
            def _():
                pltpu.make_async_copy(table_hbm.at[idx_all.at[c + _NB]],
                                      gbuf[g], gsem[g]).start()

    def outer(k, carry):
        for u in range(_NB):
            chunk(k * _NB + u, u, refill=True)
        return carry

    lax.fori_loop(0, _L // _NB, outer, 0)

    for c in range(_L - _NB, _L):
        pltpu.make_async_copy(
            obuf[c % _NB], out_hbm.at[pl.ds(b0, _CHUNK), pl.ds(c, 1), :],
            ssem[c % _NB]).wait()


def kernel(embedding, layer_idx, embed_weight):
    pe = jnp.asarray(_PE)
    te_row = jnp.take(jnp.asarray(_TE), layer_idx, axis=0)
    pe_c = pe + te_row[None, :]

    idx_t = embedding.astype(jnp.int32).T

    mesh = plsc.VectorSubcoreMesh(core_axis_name="c", subcore_axis_name="s")
    out = pl.kernel(
        _body,
        out_type=jax.ShapeDtypeStruct((_B, _L, _D), jnp.float32),
        mesh=mesh,
        scratch_types=(
            [pltpu.VMEM((_L, _CHUNK), jnp.int32)]
            + [pltpu.VMEM((_CHUNK, _D), jnp.float32)] * _NB
            + [pltpu.VMEM((_CHUNK, 1, _D), jnp.float32)] * _NB
            + [pltpu.VMEM((_MAX_LEN, _D), jnp.float32)]
            + [pltpu.SemaphoreType.DMA] * (2 * _NB)
        ),
    )(embed_weight, idx_t, pe_c)
    return out

# --- scband reference (transcript-rebuilt; emitter-appended) ---
"""Pipeline reference for scband-embeddings-19224273617196 (READ-ONLY COPY).

The authoritative reference and input builder live on the scoring server;
editing this copy changes nothing except your own understanding.
"""

import jax, jax.numpy as jnp
import numpy as np
import math

VOCAB = 1000000
D_MODEL = 128
MAX_LEN = 200
NUM_LAYERS = 6
B = 4096
L = 200


def _create_positional_encoding(max_len, d_model):
    # Faithful to the torch loop: pe[pos, i] = sin(pos / 10000**(2*i/d_model)),
    #                             pe[pos, i+1] = cos(pos / 10000**(2*(i+1)/d_model))
    pe = np.zeros((max_len, d_model), dtype=np.float32)
    pos = np.arange(max_len, dtype=np.float64)[:, None]
    i = np.arange(0, d_model, 2, dtype=np.float64)
    pe[:, 0::2] = np.sin(pos / np.power(10000.0, 2.0 * i / d_model)).astype(np.float32)
    pe[:, 1::2] = np.cos(pos / np.power(10000.0, 2.0 * (i + 1.0) / d_model)).astype(np.float32)
    return jnp.asarray(pe)[None]  # [1, max_len, d_model]


def setup_inputs(seed: int = 0) -> dict:
    key = jax.random.key(seed)
    k1, k2 = jax.random.split(key)
    embedding = jax.random.randint(k1, (B, L), 0, VOCAB)  # int token ids
    embed_weight = jax.random.normal(k2, (VOCAB, D_MODEL), dtype=jnp.float32)
    return {"embedding": embedding, "layer_idx": 0, "embed_weight": embed_weight}


def reference(embedding, layer_idx, embed_weight):
    d_model = embed_weight.shape[1]
    pe = _create_positional_encoding(MAX_LEN, d_model)      # [1, MAX_LEN, d]
    te = _create_positional_encoding(NUM_LAYERS, d_model)   # [1, NUM_LAYERS, d]
    # layer_idx is always 0 from setup_inputs => embedding lookup path; the
    # else branch (pass-through of int ids) is shape-incompatible and unreachable.
    x = jnp.take(embed_weight, embedding, axis=0) * math.sqrt(d_model)
    x = x + pe[:, :x.shape[1]]
    x = x + jnp.take(te, layer_idx, axis=1)[:, None, :]  # broadcast over seq dim (repeat in torch)
    # dropout is identity at inference
    return x

if __name__ == "__main__":
    import jax
    _d = setup_inputs()
    print(jax.jit(kernel)(*tuple(_d.values())))

</pallas_src>

<mosaic_0001>
#map = affine_map<(d0, d1) -> (0, 0)>
#map1 = affine_map<(d0, d1) -> (0, 0, 0)>
module attributes {stable_mosaic.version = 14 : i64} {
  func.func @_body(%arg0: i32, %arg1: i32, %arg2: memref<1000000x128xf32, #tpu.memory_space<hbm>>, %arg3: memref<200x4096xi32, #tpu.memory_space<hbm>>, %arg4: memref<200x128xf32, #tpu.memory_space<hbm>>, %arg5: memref<4096x200x128xf32, #tpu.memory_space<hbm>>, %arg6: memref<200x128xi32, #tpu.memory_space<vmem>>, %arg7: memref<128x128xf32, #tpu.memory_space<vmem>>, %arg8: memref<128x128xf32, #tpu.memory_space<vmem>>, %arg9: memref<128x1x128xf32, #tpu.memory_space<vmem>>, %arg10: memref<128x1x128xf32, #tpu.memory_space<vmem>>, %arg11: memref<200x128xf32, #tpu.memory_space<vmem>>, %arg12: memref<!tpu.dma_semaphore, #tpu.memory_space<semaphore_mem>>, %arg13: memref<!tpu.dma_semaphore, #tpu.memory_space<semaphore_mem>>, %arg14: memref<!tpu.dma_semaphore, #tpu.memory_space<semaphore_mem>>, %arg15: memref<!tpu.dma_semaphore, #tpu.memory_space<semaphore_mem>>) attributes {dimension_semantics = [#tpu.dimension_semantics<core_parallel>, #tpu.dimension_semantics<subcore_parallel>], iteration_bounds = array<i64: 2, 16>, scalar_prefetch = 0 : i64, scratch_operands = 10 : i64, tpu.core_type = #tpu.core_type<sc_vector_subcore>, window_params = [{transform_indices = #map}, {transform_indices = #map}, {transform_indices = #map}, {transform_indices = #map1}]} {
    %mul3A = arith.constant 2 : i32
    %mul3A_0 = arith.muli %arg1, %mul3A : i32
    %add3A = arith.addi %mul3A_0, %arg0 : i32
    %mul3A_1 = arith.constant 128 : i32
    %mul3A_2 = arith.muli %add3A, %mul3A_1 : i32
    "tpu.region"() ({
      %run_scoped3A = tpu.sem_alloc : memref<!tpu.dma_semaphore, #tpu.memory_space<semaphore_mem>>
      tpu.enqueue_dma source(%arg4 : memref<200x128xf32, #tpu.memory_space<hbm>>) target(%arg11 : memref<200x128xf32, #tpu.memory_space<vmem>>) target_semaphore(%run_scoped3A : memref<!tpu.dma_semaphore, #tpu.memory_space<semaphore_mem>>)
      tpu.wait_dma2 semaphore(%run_scoped3A : memref<!tpu.dma_semaphore, #tpu.memory_space<semaphore_mem>>) src(%arg4 : memref<200x128xf32, #tpu.memory_space<hbm>>) dst(%arg11 : memref<200x128xf32, #tpu.memory_space<vmem>>)
      tpu.yield
    }) : () -> ()
    "tpu.region"() ({
      %run_scoped3A = tpu.sem_alloc : memref<!tpu.dma_semaphore, #tpu.memory_space<semaphore_mem>>
      %dma_start3A_32 = arith.constant 0 : i32
      %dma_start3A_33 = tpu.memref_slice %arg3[%dma_start3A_32, %mul3A_2] : memref<200x4096xi32, #tpu.memory_space<hbm>> -> memref<200x128xi32, #tpu.memory_space<hbm>>
      %dma_start3A_34 = arith.constant 0 : i32
      %dma_start3A_35 = tpu.memref_slice %arg3[%dma_start3A_34, %mul3A_2] : memref<200x4096xi32, #tpu.memory_space<hbm>> -> memref<200x128xi32, #tpu.memory_space<hbm>>
      tpu.enqueue_dma source(%dma_start3A_35 : memref<200x128xi32, #tpu.memory_space<hbm>>) target(%arg6 : memref<200x128xi32, #tpu.memory_space<vmem>>) target_semaphore(%run_scoped3A : memref<!tpu.dma_semaphore, #tpu.memory_space<semaphore_mem>>)
      %dma_wait3A_36 = arith.constant 0 : i32
      %dma_wait3A_37 = tpu.memref_slice %arg3[%dma_wait3A_36, %mul3A_2] : memref<200x4096xi32, #tpu.memory_space<hbm>> -> memref<200x128xi32, #tpu.memory_space<hbm>>
      %dma_wait3A_38 = arith.constant 0 : i32
      %dma_wait3A_39 = tpu.memref_slice %arg3[%dma_wait3A_38, %mul3A_2] : memref<200x4096xi32, #tpu.memory_space<hbm>> -> memref<200x128xi32, #tpu.memory_space<hbm>>
      tpu.wait_dma2 semaphore(%run_scoped3A : memref<!tpu.dma_semaphore, #tpu.memory_space<semaphore_mem>>) src(%dma_wait3A_39 : memref<200x128xi32, #tpu.memory_space<hbm>>) dst(%arg6 : memref<200x128xi32, #tpu.memory_space<vmem>>)
      tpu.yield
    }) : () -> ()
    %dma_start3A = arith.constant 0 : i32
    %dma_start3A_3 = arith.constant 0 : i32
    %dma_start3A_4 = tpu.memref_slice %arg6[%dma_start3A, %dma_start3A_3] : memref<200x128xi32, #tpu.memory_space<vmem>> -> memref<1x128xi32, #tpu.memory_space<vmem>>
    %dma_start3A_5 = tpu.memref_squeeze %dma_start3A_4 : memref<1x128xi32, #tpu.memory_space<vmem>> -> memref<128xi32, #tpu.memory_space<vmem>>
    %dma_start3A_6 = arith.constant 0 : i32
    %dma_start3A_7 = arith.constant 0 : i32
    %dma_start3A_8 = tpu.memref_slice %arg2[%dma_start3A_6, %dma_start3A_7] : memref<1000000x128xf32, #tpu.memory_space<hbm>> -> memref<1000000x128xf32, #tpu.memory_space<hbm>>
    tpu.enqueue_indirect_dma source(%dma_start3A_8 : memref<1000000x128xf32, #tpu.memory_space<hbm>>) target(%arg7 : memref<128x128xf32, #tpu.memory_space<vmem>>) offsets(%dma_start3A_5 : memref<128xi32, #tpu.memory_space<vmem>>) semaphore(%arg12 : memref<!tpu.dma_semaphore, #tpu.memory_space<semaphore_mem>>)
    %dma_start3A_9 = arith.constant 1 : i32
    %dma_start3A_10 = arith.constant 0 : i32
    %dma_start3A_11 = tpu.memref_slice %arg6[%dma_start3A_9, %dma_start3A_10] : memref<200x128xi32, #tpu.memory_space<vmem>> -> memref<1x128xi32, #tpu.memory_space<vmem>>
    %dma_start3A_12 = tpu.memref_squeeze %dma_start3A_11 : memref<1x128xi32, #tpu.memory_space<vmem>> -> memref<128xi32, #tpu.memory_space<vmem>>
    %dma_start3A_13 = arith.constant 0 : i32
    %dma_start3A_14 = arith.constant 0 : i32
    %dma_start3A_15 = tpu.memref_slice %arg2[%dma_start3A_13, %dma_start3A_14] : memref<1000000x128xf32, #tpu.memory_space<hbm>> -> memref<1000000x128xf32, #tpu.memory_space<hbm>>
    tpu.enqueue_indirect_dma source(%dma_start3A_15 : memref<1000000x128xf32, #tpu.memory_space<hbm>>) target(%arg8 : memref<128x128xf32, #tpu.memory_space<vmem>>) offsets(%dma_start3A_12 : memref<128xi32, #tpu.memory_space<vmem>>) semaphore(%arg13 : memref<!tpu.dma_semaphore, #tpu.memory_space<semaphore_mem>>)
    %scan3A = arith.constant 0 : i32
    %scan3A_16 = arith.constant 0 : i32
    %scan3A_17 = arith.constant 100 : i32
    %scan3A_18 = arith.addi %scan3A_16, %scan3A_17 : i32
    %scan3A_19 = arith.constant 1 : i32
    scf.for %scan3A_32 = %scan3A_16 to %scan3A_18 step %scan3A_19  : i32 {
      %mul3A_33 = arith.constant 2 : i32
      %mul3A_34 = arith.muli %scan3A_32, %mul3A_33 : i32
      %add3A_35 = arith.constant 0 : i32
      %add3A_36 = arith.addi %mul3A_34, %add3A_35 : i32
      %dma_wait3A_37 = arith.constant 0 : i32
      %dma_wait3A_38 = tpu.memref_slice %arg6[%add3A_36, %dma_wait3A_37] : memref<200x128xi32, #tpu.memory_space<vmem>> -> memref<1x128xi32, #tpu.memory_space<vmem>>
      %dma_wait3A_39 = tpu.memref_squeeze %dma_wait3A_38 : memref<1x128xi32, #tpu.memory_space<vmem>> -> memref<128xi32, #tpu.memory_space<vmem>>
      %dma_wait3A_40 = arith.constant 0 : i32
      %dma_wait3A_41 = arith.constant 0 : i32
      %dma_wait3A_42 = tpu.memref_slice %arg2[%dma_wait3A_40, %dma_wait3A_41] : memref<1000000x128xf32, #tpu.memory_space<hbm>> -> memref<1000000x128xf32, #tpu.memory_space<hbm>>
      tpu.wait_indirect_dma semaphore(%arg12 : memref<!tpu.dma_semaphore, #tpu.memory_space<semaphore_mem>>) src(%dma_wait3A_42 : memref<1000000x128xf32, #tpu.memory_space<hbm>>) dst(%arg7 : memref<128x128xf32, #tpu.memory_space<vmem>>)
      %ge3A = arith.constant 2 : i32
      %ge3A_43 = arith.cmpi sge, %add3A_36, %ge3A : i32
      %convert_element_type3A = arith.extui %ge3A_43 : i1 to i32
      %cond3A = arith.constant 0 : i32
      %cond3A_44 = arith.cmpi ne, %convert_element_type3A, %cond3A : i32
      scf.if %cond3A_44 {
        %sub3A = arith.constant 2 : i32
        %sub3A_156 = arith.subi %add3A_36, %sub3A : i32
        %dma_wait3A_157 = arith.constant 0 : i32
        %dma_wait3A_158 = tpu.memref_slice %arg5[%mul3A_2, %sub3A_156, %dma_wait3A_157] : memref<4096x200x128xf32, #tpu.memory_space<hbm>> -> memref<128x1x128xf32, #tpu.memory_space<hbm>>
        %dma_wait3A_159 = arith.constant 0 : i32
        %dma_wait3A_160 = tpu.memref_slice %arg5[%mul3A_2, %sub3A_156, %dma_wait3A_159] : memref<4096x200x128xf32, #tpu.memory_space<hbm>> -> memref<128x1x128xf32, #tpu.memory_space<hbm>>
        tpu.wait_dma2 semaphore(%arg14 : memref<!tpu.dma_semaphore, #tpu.memory_space<semaphore_mem>>) src(%arg9 : memref<128x1x128xf32, #tpu.memory_space<vmem>>) dst(%dma_wait3A_160 : memref<128x1x128xf32, #tpu.memory_space<hbm>>)
      } else {
      }
      %get3A = arith.index_cast %add3A_36 : i32 to index
      %get3A_45 = arith.constant 0 : index
      %get3A_46 = tpu.vector_load %arg11[%get3A, %get3A_45] {strides = array<i32>} : memref<200x128xf32, #tpu.memory_space<vmem>>, vector<1x16xf32>,
      %get3A_47 = vector.shape_cast %get3A_46 : vector<1x16xf32> to vector<16xf32>
      %get3A_48 = arith.index_cast %add3A_36 : i32 to index
      %get3A_49 = arith.constant 16 : index
      %get3A_50 = tpu.vector_load %arg11[%get3A_48, %get3A_49] {strides = array<i32>} : memref<200x128xf32, #tpu.memory_space<vmem>>, vector<1x16xf32>,
      %get3A_51 = vector.shape_cast %get3A_50 : vector<1x16xf32> to vector<16xf32>
      %get3A_52 = arith.index_cast %add3A_36 : i32 to index
      %get3A_53 = arith.constant 32 : index
      %get3A_54 = tpu.vector_load %arg11[%get3A_52, %get3A_53] {strides = array<i32>} : memref<200x128xf32, #tpu.memory_space<vmem>>, vector<1x16xf32>,
      %get3A_55 = vector.shape_cast %get3A_54 : vector<1x16xf32> to vector<16xf32>
      %get3A_56 = arith.index_cast %add3A_36 : i32 to index
      %get3A_57 = arith.constant 48 : index
      %get3A_58 = tpu.vector_load %arg11[%get3A_56, %get3A_57] {strides = array<i32>} : memref<200x128xf32, #tpu.memory_space<vmem>>, vector<1x16xf32>,
      %get3A_59 = vector.shape_cast %get3A_58 : vector<1x16xf32> to vector<16xf32>
      %get3A_60 = arith.index_cast %add3A_36 : i32 to index
      %get3A_61 = arith.constant 64 : index
      %get3A_62 = tpu.vector_load %arg11[%get3A_60, %get3A_61] {strides = array<i32>} : memref<200x128xf32, #tpu.memory_space<vmem>>, vector<1x16xf32>,
      %get3A_63 = vector.shape_cast %get3A_62 : vector<1x16xf32> to vector<16xf32>
      %get3A_64 = arith.index_cast %add3A_36 : i32 to index
      %get3A_65 = arith.constant 80 : index
      %get3A_66 = tpu.vector_load %arg11[%get3A_64, %get3A_65] {strides = array<i32>} : memref<200x128xf32, #tpu.memory_space<vmem>>, vector<1x16xf32>,
      %get3A_67 = vector.shape_cast %get3A_66 : vector<1x16xf32> to vector<16xf32>
      %get3A_68 = arith.index_cast %add3A_36 : i32 to index
      %get3A_69 = arith.constant 96 : index
      %get3A_70 = tpu.vector_load %arg11[%get3A_68, %get3A_69] {strides = array<i32>} : memref<200x128xf32, #tpu.memory_space<vmem>>, vector<1x16xf32>,
      %get3A_71 = vector.shape_cast %get3A_70 : vector<1x16xf32> to vector<16xf32>
      %get3A_72 = arith.index_cast %add3A_36 : i32 to index
      %get3A_73 = arith.constant 112 : index
      %get3A_74 = tpu.vector_load %arg11[%get3A_72, %get3A_73] {strides = array<i32>} : memref<200x128xf32, #tpu.memory_space<vmem>>, vector<1x16xf32>,
      %get3A_75 = vector.shape_cast %get3A_74 : vector<1x16xf32> to vector<16xf32>
      %scan3A_76 = arith.constant 0 : i32
      %scan3A_77 = arith.constant 0 : i32
      %scan3A_78 = arith.constant 16 : i32
      %scan3A_79 = arith.addi %scan3A_77, %scan3A_78 : i32
      %scan3A_80 = arith.constant 1 : i32
      scf.for %scan3A_156 = %scan3A_77 to %scan3A_79 step %scan3A_80  : i32 {
        %mul3A_157 = arith.constant 8 : i32
        %mul3A_158 = arith.muli %scan3A_156, %mul3A_157 : i32
        %add3A_159 = arith.constant 0 : i32
        %add3A_160 = arith.addi %mul3A_158, %add3A_159 : i32
        %get3A_161 = arith.index_cast %add3A_160 : i32 to index
        %get3A_162 = arith.constant 0 : index
        %get3A_163 = tpu.vector_load %arg7[%get3A_161, %get3A_162] {strides = array<i32>} : memref<128x128xf32, #tpu.memory_space<vmem>>, vector<1x16xf32>,
        %get3A_164 = vector.shape_cast %get3A_163 : vector<1x16xf32> to vector<16xf32>
        %mul3A_165 = arith.constant 11.3137083 : f32
        %mul3A_166 = vector.broadcast %mul3A_165 : f32 to vector<16xf32>
        %mul3A_167 = arith.mulf %get3A_164, %mul3A_166 : vector<16xf32>
        %add3A_168 = arith.addf %mul3A_167, %get3A_47 : vector<16xf32>
        %swap3A = arith.constant 0 : i32
        %swap3A_169 = arith.index_cast %add3A_160 : i32 to index
        %swap3A_170 = arith.index_cast %swap3A : i32 to index
        %swap3A_171 = arith.constant 0 : index
        %swap3A_172 = tpu.vector_load %arg9[%swap3A_169, %swap3A_170, %swap3A_171] {strides = array<i32>} : memref<128x1x128xf32, #tpu.memory_space<vmem>>, vector<1x1x16xf32>,
        %swap3A_173 = vector.shape_cast %swap3A_172 : vector<1x1x16xf32> to vector<16xf32>
        %swap3A_174 = vector.shape_cast %add3A_168 : vector<16xf32> to vector<1x1x16xf32>
        tpu.vector_store %arg9[%swap3A_169, %swap3A_170, %swap3A_171], %swap3A_174 {strides = array<i32>} : memref<128x1x128xf32, #tpu.memory_space<vmem>>, vector<1x1x16xf32>,
        %get3A_175 = arith.index_cast %add3A_160 : i32 to index
        %get3A_176 = arith.constant 16 : index
        %get3A_177 = tpu.vector_load %arg7[%get3A_175, %get3A_176] {strides = array<i32>} : memref<128x128xf32, #tpu.memory_space<vmem>>, vector<1x16xf32>,
        %get3A_178 = vector.shape_cast %get3A_177 : vector<1x16xf32> to vector<16xf32>
        %mul3A_179 = arith.constant 11.3137083 : f32
        %mul3A_180 = vector.broadcast %mul3A_179 : f32 to vector<16xf32>
        %mul3A_181 = arith.mulf %get3A_178, %mul3A_180 : vector<16xf32>
        %add3A_182 = arith.addf %mul3A_181, %get3A_51 : vector<16xf32>
        %swap3A_183 = arith.constant 0 : i32
        %swap3A_184 = arith.index_cast %add3A_160 : i32 to index
        %swap3A_185 = arith.index_cast %swap3A_183 : i32 to index
        %swap3A_186 = arith.constant 16 : index
        %swap3A_187 = tpu.vector_load %arg9[%swap3A_184, %swap3A_185, %swap3A_186] {strides = array<i32>} : memref<128x1x128xf32, #tpu.memory_space<vmem>>, vector<1x1x16xf32>,
        %swap3A_188 = vector.shape_cast %swap3A_187 : vector<1x1x16xf32> to vector<16xf32>
        %swap3A_189 = vector.shape_cast %add3A_182 : vector<16xf32> to vector<1x1x16xf32>
        tpu.vector_store %arg9[%swap3A_184, %swap3A_185, %swap3A_186], %swap3A_189 {strides = array<i32>} : memref<128x1x128xf32, #tpu.memory_space<vmem>>, vector<1x1x16xf32>,
        %get3A_190 = arith.index_cast %add3A_160 : i32 to index
        %get3A_191 = arith.constant 32 : index
        %get3A_192 = tpu.vector_load %arg7[%get3A_190, %get3A_191] {strides = array<i32>} : memref<128x128xf32, #tpu.memory_space<vmem>>, vector<1x16xf32>,
        %get3A_193 = vector.shape_cast %get3A_192 : vector<1x16xf32> to vector<16xf32>
        %mul3A_194 = arith.constant 11.3137083 : f32
        %mul3A_195 = vector.broadcast %mul3A_194 : f32 to vector<16xf32>
        %mul3A_196 = arith.mulf %get3A_193, %mul3A_195 : vector<16xf32>
        %add3A_197 = arith.addf %mul3A_196, %get3A_55 : vector<16xf32>
        %swap3A_198 = arith.constant 0 : i32
        %swap3A_199 = arith.index_cast %add3A_160 : i32 to index
        %swap3A_200 = arith.index_cast %swap3A_198 : i32 to index
        %swap3A_201 = arith.constant 32 : index
        %swap3A_202 = tpu.vector_load %arg9[%swap3A_199, %swap3A_200, %swap3A_201] {strides = array<i32>} : memref<128x1x128xf32, #tpu.memory_space<vmem>>, vector<1x1x16xf32>,
        %swap3A_203 = vector.shape_cast %swap3A_202 : vector<1x1x16xf32> to vector<16xf32>
        %swap3A_204 = vector.shape_cast %add3A_197 : vector<16xf32> to vector<1x1x16xf32>
        tpu.vector_store %arg9[%swap3A_199, %swap3A_200, %swap3A_201], %swap3A_204 {strides = array<i32>} : memref<128x1x128xf32, #tpu.memory_space<vmem>>, vector<1x1x16xf32>,
        %get3A_205 = arith.index_cast %add3A_160 : i32 to index
        %get3A_206 = arith.constant 48 : index
        %get3A_207 = tpu.vector_load %arg7[%get3A_205, %get3A_206] {strides = array<i32>} : memref<128x128xf32, #tpu.memory_space<vmem>>, vector<1x16xf32>,
        %get3A_208 = vector.shape_cast %get3A_207 : vector<1x16xf32> to vector<16xf32>
        %mul3A_209 = arith.constant 11.3137083 : f32
        %mul3A_210 = vector.broadcast %mul3A_209 : f32 to vector<16xf32>
        %mul3A_211 = arith.mulf %get3A_208, %mul3A_210 : vector<16xf32>
        %add3A_212 = arith.addf %mul3A_211, %get3A_59 : vector<16xf32>
        %swap3A_213 = arith.constant 0 : i32
        %swap3A_214 = arith.index_cast %add3A_160 : i32 to index
        %swap3A_215 = arith.index_cast %swap3A_213 : i32 to index
        %swap3A_216 = arith.constant 48 : index
        %swap3A_217 = tpu.vector_load %arg9[%swap3A_214, %swap3A_215, %swap3A_216] {strides = array<i32>} : memref<128x1x128xf32, #tpu.memory_space<vmem>>, vector<1x1x16xf32>,
        %swap3A_218 = vector.shape_cast %swap3A_217 : vector<1x1x16xf32> to vector<16xf32>
        %swap3A_219 = vector.shape_cast %add3A_212 : vector<16xf32> to vector<1x1x16xf32>
        tpu.vector_store %arg9[%swap3A_214, %swap3A_215, %swap3A_216], %swap3A_219 {strides = array<i32>} : memref<128x1x128xf32, #tpu.memory_space<vmem>>, vector<1x1x16xf32>,
        %get3A_220 = arith.index_cast %add3A_160 : i32 to index
        %get3A_221 = arith.constant 64 : index
        %get3A_222 = tpu.vector_load %arg7[%get3A_220, %get3A_221] {strides = array<i32>} : memref<128x128xf32, #tpu.memory_space<vmem>>, vector<1x16xf32>,
        %get3A_223 = vector.shape_cast %get3A_222 : vector<1x16xf32> to vector<16xf32>
        %mul3A_224 = arith.constant 11.3137083 : f32
        %mul3A_225 = vector.broadcast %mul3A_224 : f32 to vector<16xf32>
        %mul3A_226 = arith.mulf %get3A_223, %mul3A_225 : vector<16xf32>
        %add3A_227 = arith.addf %mul3A_226, %get3A_63 : vector<16xf32>
        %swap3A_228 = arith.constant 0 : i32
        %swap3A_229 = arith.index_cast %add3A_160 : i32 to index
        %swap3A_230 = arith.index_cast %swap3A_228 : i32 to index
        %swap3A_231 = arith.constant 64 : index
        %swap3A_232 = tpu.vector_load %arg9[%swap3A_229, %swap3A_230, %swap3A_231] {strides = array<i32>} : memref<128x1x128xf32, #tpu.memory_space<vmem>>, vector<1x1x16xf32>,
        %swap3A_233 = vector.shape_cast %swap3A_232 : vector<1x1x16xf32> to vector<16xf32>
        %swap3A_234 = vector.shape_cast %add3A_227 : vector<16xf32> to vector<1x1x16xf32>
        tpu.vector_store %arg9[%swap3A_229, %swap3A_230, %swap3A_231], %swap3A_234 {strides = array<i32>} : memref<128x1x128xf32, #tpu.memory_space<vmem>>, vector<1x1x16xf32>,
        %get3A_235 = arith.index_cast %add3A_160 : i32 to index
        %get3A_236 = arith.constant 80 : index
        %get3A_237 = tpu.vector_load %arg7[%get3A_235, %get3A_236] {strides = array<i32>} : memref<128x128xf32, #tpu.memory_space<vmem>>, vector<1x16xf32>,
        %get3A_238 = vector.shape_cast %get3A_237 : vector<1x16xf32> to vector<16xf32>
        %mul3A_239 = arith.constant 11.3137083 : f32
        %mul3A_240 = vector.broadcast %mul3A_239 : f32 to vector<16xf32>
        %mul3A_241 = arith.mulf %get3A_238, %mul3A_240 : vector<16xf32>
        %add3A_242 = arith.addf %mul3A_241, %get3A_67 : vector<16xf32>
        %swap3A_243 = arith.constant 0 : i32
        %swap3A_244 = arith.index_cast %add3A_160 : i32 to index
        %swap3A_245 = arith.index_cast %swap3A_243 : i32 to index
        %swap3A_246 = arith.constant 80 : index
        %swap3A_247 = tpu.vector_load %arg9[%swap3A_244, %swap3A_245, %swap3A_246] {strides = array<i32>} : memref<128x1x128xf32, #tpu.memory_space<vmem>>, vector<1x1x16xf32>,
        %swap3A_248 = vector.shape_cast %swap3A_247 : vector<1x1x16xf32> to vector<16xf32>
        %swap3A_249 = vector.shape_cast %add3A_242 : vector<16xf32> to vector<1x1x16xf32>
        tpu.vector_store %arg9[%swap3A_244, %swap3A_245, %swap3A_246], %swap3A_249 {strides = array<i32>} : memref<128x1x128xf32, #tpu.memory_space<vmem>>, vector<1x1x16xf32>,
        %get3A_250 = arith.index_cast %add3A_160 : i32 to index
        %get3A_251 = arith.constant 96 : index
        %get3A_252 = tpu.vector_load %arg7[%get3A_250, %get3A_251] {strides = array<i32>} : memref<128x128xf32, #tpu.memory_space<vmem>>, vector<1x16xf32>,
        %get3A_253 = vector.shape_cast %get3A_252 : vector<1x16xf32> to vector<16xf32>
        %mul3A_254 = arith.constant 11.3137083 : f32
        %mul3A_255 = vector.broadcast %mul3A_254 : f32 to vector<16xf32>
        %mul3A_256 = arith.mulf %get3A_253, %mul3A_255 : vector<16xf32>
        %add3A_257 = arith.addf %mul3A_256, %get3A_71 : vector<16xf32>
        %swap3A_258 = arith.constant 0 : i32
        %swap3A_259 = arith.index_cast %add3A_160 : i32 to index
        %swap3A_260 = arith.index_cast %swap3A_258 : i32 to index
        %swap3A_261 = arith.constant 96 : index
        %swap3A_262 = tpu.vector_load %arg9[%swap3A_259, %swap3A_260, %swap3A_261] {strides = array<i32>} : memref<128x1x128xf32, #tpu.memory_space<vmem>>, vector<1x1x16xf32>,
        %swap3A_263 = vector.shape_cast %swap3A_262 : vector<1x1x16xf32> to vector<16xf32>
        %swap3A_264 = vector.shape_cast %add3A_257 : vector<16xf32> to vector<1x1x16xf32>
        tpu.vector_store %arg9[%swap3A_259, %swap3A_260, %swap3A_261], %swap3A_264 {strides = array<i32>} : memref<128x1x128xf32, #tpu.memory_space<vmem>>, vector<1x1x16xf32>,
        %get3A_265 = arith.index_cast %add3A_160 : i32 to index
        %get3A_266 = arith.constant 112 : index
        %get3A_267 = tpu.vector_load %arg7[%get3A_265, %get3A_266] {strides = array<i32>} : memref<128x128xf32, #tpu.memory_space<vmem>>, vector<1x16xf32>,
        %get3A_268 = vector.shape_cast %get3A_267 : vector<1x16xf32> to vector<16xf32>
        %mul3A_269 = arith.constant 11.3137083 : f32
        %mul3A_270 = vector.broadcast %mul3A_269 : f32 to vector<16xf32>
        %mul3A_271 = arith.mulf %get3A_268, %mul3A_270 : vector<16xf32>
        %add3A_272 = arith.addf %mul3A_271, %get3A_75 : vector<16xf32>
        %swap3A_273 = arith.constant 0 : i32
        %swap3A_274 = arith.index_cast %add3A_160 : i32 to index
        %swap3A_275 = arith.index_cast %swap3A_273 : i32 to index
        %swap3A_276 = arith.constant 112 : index
        %swap3A_277 = tpu.vector_load %arg9[%swap3A_274, %swap3A_275, %swap3A_276] {strides = array<i32>} : memref<128x1x128xf32, #tpu.memory_space<vmem>>, vector<1x1x16xf32>,
        %swap3A_278 = vector.shape_cast %swap3A_277 : vector<1x1x16xf32> to vector<16xf32>
        %swap3A_279 = vector.shape_cast %add3A_272 : vector<16xf32> to vector<1x1x16xf32>
        tpu.vector_store %arg9[%swap3A_274, %swap3A_275, %swap3A_276], %swap3A_279 {strides = array<i32>} : memref<128x1x128xf32, #tpu.memory_space<vmem>>, vector<1x1x16xf32>,
        %mul3A_280 = arith.constant 8 : i32
        %mul3A_281 = arith.muli %scan3A_156, %mul3A_280 : i32
        %add3A_282 = arith.constant 1 : i32
        %add3A_283 = arith.addi %mul3A_281, %add3A_282 : i32
        %get3A_284 = arith.index_cast %add3A_283 : i32 to index
        %get3A_285 = arith.constant 0 : index
        %get3A_286 = tpu.vector_load %arg7[%get3A_284, %get3A_285] {strides = array<i32>} : memref<128x128xf32, #tpu.memory_space<vmem>>, vector<1x16xf32>,
        %get3A_287 = vector.shape_cast %get3A_286 : vector<1x16xf32> to vector<16xf32>
        %mul3A_288 = arith.constant 11.3137083 : f32
        %mul3A_289 = vector.broadcast %mul3A_288 : f32 to vector<16xf32>
        %mul3A_290 = arith.mulf %get3A_287, %mul3A_289 : vector<16xf32>
        %add3A_291 = arith.addf %mul3A_290, %get3A_47 : vector<16xf32>
        %swap3A_292 = arith.constant 0 : i32
        %swap3A_293 = arith.index_cast %add3A_283 : i32 to index
        %swap3A_294 = arith.index_cast %swap3A_292 : i32 to index
        %swap3A_295 = arith.constant 0 : index
        %swap3A_296 = tpu.vector_load %arg9[%swap3A_293, %swap3A_294, %swap3A_295] {strides = array<i32>} : memref<128x1x128xf32, #tpu.memory_space<vmem>>, vector<1x1x16xf32>,
        %swap3A_297 = vector.shape_cast %swap3A_296 : vector<1x1x16xf32> to vector<16xf32>
        %swap3A_298 = vector.shape_cast %add3A_291 : vector<16xf32> to vector<1x1x16xf32>
        tpu.vector_store %arg9[%swap3A_293, %swap3A_294, %swap3A_295], %swap3A_298 {strides = array<i32>} : memref<128x1x128xf32, #tpu.memory_space<vmem>>, vector<1x1x16xf32>,
        %get3A_299 = arith.index_cast %add3A_283 : i32 to index
        %get3A_300 = arith.constant 16 : index
        %get3A_301 = tpu.vector_load %arg7[%get3A_299, %get3A_300] {strides = array<i32>} : memref<128x128xf32, #tpu.memory_space<vmem>>, vector<1x16xf32>,
        %get3A_302 = vector.shape_cast %get3A_301 : vector<1x16xf32> to vector<16xf32>
        %mul3A_303 = arith.constant 11.3137083 : f32
        %mul3A_304 = vector.broadcast %mul3A_303 : f32 to vector<16xf32>
        %mul3A_305 = arith.mulf %get3A_302, %mul3A_304 : vector<16xf32>
        %add3A_306 = arith.addf %mul3A_305, %get3A_51 : vector<16xf32>
        %swap3A_307 = arith.constant 0 : i32
        %swap3A_308 = arith.index_cast %add3A_283 : i32 to index
        %swap3A_309 = arith.index_cast %swap3A_307 : i32 to index
        %swap3A_310 = arith.constant 16 : index
        %swap3A_311 = tpu.vector_load %arg9[%swap3A_308, %swap3A_309, %swap3A_310] {strides = array<i32>} : memref<128x1x128xf32, #tpu.memory_space<vmem>>, vector<1x1x16xf32>,
        %swap3A_312 = vector.shape_cast %swap3A_311 : vector<1x1x16xf32> to vector<16xf32>
        %swap3A_313 = vector.shape_cast %add3A_306 : vector<16xf32> to vector<1x1x16xf32>
        tpu.vector_store %arg9[%swap3A_308, %swap3A_309, %swap3A_310], %swap3A_313 {strides = array<i32>} : memref<128x1x128xf32, #tpu.memory_space<vmem>>, vector<1x1x16xf32>,
        %get3A_314 = arith.index_cast %add3A_283 : i32 to index
        %get3A_315 = arith.constant 32 : index
        %get3A_316 = tpu.vector_load %arg7[%get3A_314, %get3A_315] {strides = array<i32>} : memref<128x128xf32, #tpu.memory_space<vmem>>, vector<1x16xf32>,
        %get3A_317 = vector.shape_cast %get3A_316 : vector<1x16xf32> to vector<16xf32>
        %mul3A_318 = arith.constant 11.3137083 : f32
        %mul3A_319 = vector.broadcast %mul3A_318 : f32 to vector<16xf32>
        %mul3A_320 = arith.mulf %get3A_317, %mul3A_319 : vector<16xf32>
        %add3A_321 = arith.addf %mul3A_320, %get3A_55 : vector<16xf32>
        %swap3A_322 = arith.constant 0 : i32
        %swap3A_323 = arith.index_cast %add3A_283 : i32 to index
        %swap3A_324 = arith.index_cast %swap3A_322 : i32 to index
        %swap3A_325 = arith.constant 32 : index
        %swap3A_326 = tpu.vector_load %arg9[%swap3A_323, %swap3A_324, %swap3A_325] {strides = array<i32>} : memref<128x1x128xf32, #tpu.memory_space<vmem>>, vector<1x1x16xf32>,
        %swap3A_327 = vector.shape_cast %swap3A_326 : vector<1x1x16xf32> to vector<16xf32>
        %swap3A_328 = vector.shape_cast %add3A_321 : vector<16xf32> to vector<1x1x16xf32>
        tpu.vector_store %arg9[%swap3A_323, %swap3A_324, %swap3A_325], %swap3A_328 {strides = array<i32>} : memref<128x1x128xf32, #tpu.memory_space<vmem>>, vector<1x1x16xf32>,
        %get3A_329 = arith.index_cast %add3A_283 : i32 to index
        %get3A_330 = arith.constant 48 : index
        %get3A_331 = tpu.vector_load %arg7[%get3A_329, %get3A_330] {strides = array<i32>} : memref<128x128xf32, #tpu.memory_space<vmem>>, vector<1x16xf32>,
        %get3A_332 = vector.shape_cast %get3A_331 : vector<1x16xf32> to vector<16xf32>
        %mul3A_333 = arith.constant 11.3137083 : f32
        %mul3A_334 = vector.broadcast %mul3A_333 : f32 to vector<16xf32>
        %mul3A_335 = arith.mulf %get3A_332, %mul3A_334 : vector<16xf32>
        %add3A_336 = arith.addf %mul3A_335, %get3A_59 : vector<16xf32>
        %swap3A_337 = arith.constant 0 : i32
        %swap3A_338 = arith.index_cast %add3A_283 : i32 to index
        %swap3A_339 = arith.index_cast %swap3A_337 : i32 to index
        %swap3A_340 = arith.constant 48 : index
        %swap3A_341 = tpu.vector_load %arg9[%swap3A_338, %swap3A_339, %swap3A_340] {strides = array<i32>} : memref<128x1x128xf32, #tpu.memory_space<vmem>>, vector<1x1x16xf32>,
        %swap3A_342 = vector.shape_cast %swap3A_341 : vector<1x1x16xf32> to vector<16xf32>
        %swap3A_343 = vector.shape_cast %add3A_336 : vector<16xf32> to vector<1x1x16xf32>
        tpu.vector_store %arg9[%swap3A_338, %swap3A_339, %swap3A_340], %swap3A_343 {strides = array<i32>} : memref<128x1x128xf32, #tpu.memory_space<vmem>>, vector<1x1x16xf32>,
        %get3A_344 = arith.index_cast %add3A_283 : i32 to index
        %get3A_345 = arith.constant 64 : index
        %get3A_346 = tpu.vector_load %arg7[%get3A_344, %get3A_345] {strides = array<i32>} : memref<128x128xf32, #tpu.memory_space<vmem>>, vector<1x16xf32>,
        %get3A_347 = vector.shape_cast %get3A_346 : vector<1x16xf32> to vector<16xf32>
        %mul3A_348 = arith.constant 11.3137083 : f32
        %mul3A_349 = vector.broadcast %mul3A_348 : f32 to vector<16xf32>
        %mul3A_350 = arith.mulf %get3A_347, %mul3A_349 : vector<16xf32>
        %add3A_351 = arith.addf %mul3A_350, %get3A_63 : vector<16xf32>
        %swap3A_352 = arith.constant 0 : i32
        %swap3A_353 = arith.index_cast %add3A_283 : i32 to index
        %swap3A_354 = arith.index_cast %swap3A_352 : i32 to index
        %swap3A_355 = arith.constant 64 : index
        %swap3A_356 = tpu.vector_load %arg9[%swap3A_353, %swap3A_354, %swap3A_355] {strides = array<i32>} : memref<128x1x128xf32, #tpu.memory_space<vmem>>, vector<1x1x16xf32>,
        %swap3A_357 = vector.shape_cast %swap3A_356 : vector<1x1x16xf32> to vector<16xf32>
        %swap3A_358 = vector.shape_cast %add3A_351 : vector<16xf32> to vector<1x1x16xf32>
        tpu.vector_store %arg9[%swap3A_353, %swap3A_354, %swap3A_355], %swap3A_358 {strides = array<i32>} : memref<128x1x128xf32, #tpu.memory_space<vmem>>, vector<1x1x16xf32>,
        %get3A_359 = arith.index_cast %add3A_283 : i32 to index
        %get3A_360 = arith.constant 80 : index
        %get3A_361 = tpu.vector_load %arg7[%get3A_359, %get3A_360] {strides = array<i32>} : memref<128x128xf32, #tpu.memory_space<vmem>>, vector<1x16xf32>,
        %get3A_362 = vector.shape_cast %get3A_361 : vector<1x16xf32> to vector<16xf32>
        %mul3A_363 = arith.constant 11.3137083 : f32
        %mul3A_364 = vector.broadcast %mul3A_363 : f32 to vector<16xf32>
        %mul3A_365 = arith.mulf %get3A_362, %mul3A_364 : vector<16xf32>
        %add3A_366 = arith.addf %mul3A_365, %get3A_67 : vector<16xf32>
        %swap3A_367 = arith.constant 0 : i32
        %swap3A_368 = arith.index_cast %add3A_283 : i32 to index
        %swap3A_369 = arith.index_cast %swap3A_367 : i32 to index
        %swap3A_370 = arith.constant 80 : index
        %swap3A_371 = tpu.vector_load %arg9[%swap3A_368, %swap3A_369, %swap3A_370] {strides = array<i32>} : memref<128x1x128xf32, #tpu.memory_space<vmem>>, vector<1x1x16xf32>,
        %swap3A_372 = vector.shape_cast %swap3A_371 : vector<1x1x16xf32> to vector<16xf32>
        %swap3A_373 = vector.shape_cast %add3A_366 : vector<16xf32> to vector<1x1x16xf32>
        tpu.vector_store %arg9[%swap3A_368, %swap3A_369, %swap3A_370], %swap3A_373 {strides = array<i32>} : memref<128x1x128xf32, #tpu.memory_space<vmem>>, vector<1x1x16xf32>,
        %get3A_374 = arith.index_cast %add3A_283 : i32 to index
        %get3A_375 = arith.constant 96 : index
        %get3A_376 = tpu.vector_load %arg7[%get3A_374, %get3A_375] {strides = array<i32>} : memref<128x128xf32, #tpu.memory_space<vmem>>, vector<1x16xf32>,
        %get3A_377 = vector.shape_cast %get3A_376 : vector<1x16xf32> to vector<16xf32>
        %mul3A_378 = arith.constant 11.3137083 : f32
        %mul3A_379 = vector.broadcast %mul3A_378 : f32 to vector<16xf32>
        %mul3A_380 = arith.mulf %get3A_377, %mul3A_379 : vector<16xf32>
        %add3A_381 = arith.addf %mul3A_380, %get3A_71 : vector<16xf32>
        %swap3A_382 = arith.constant 0 : i32
        %swap3A_383 = arith.index_cast %add3A_283 : i32 to index
        %swap3A_384 = arith.index_cast %swap3A_382 : i32 to index
        %swap3A_385 = arith.constant 96 : index
        %swap3A_386 = tpu.vector_load %arg9[%swap3A_383, %swap3A_384, %swap3A_385] {strides = array<i32>} : memref<128x1x128xf32, #tpu.memory_space<vmem>>, vector<1x1x16xf32>,
        %swap3A_387 = vector.shape_cast %swap3A_386 : vector<1x1x16xf32> to vector<16xf32>
        %swap3A_388 = vector.shape_cast %add3A_381 : vector<16xf32> to vector<1x1x16xf32>
        tpu.vector_store %arg9[%swap3A_383, %swap3A_384, %swap3A_385], %swap3A_388 {strides = array<i32>} : memref<128x1x128xf32, #tpu.memory_space<vmem>>, vector<1x1x16xf32>,
        %get3A_389 = arith.index_cast %add3A_283 : i32 to index
        %get3A_390 = arith.constant 112 : index
        %get3A_391 = tpu.vector_load %arg7[%get3A_389, %get3A_390] {strides = array<i32>} : memref<128x128xf32, #tpu.memory_space<vmem>>, vector<1x16xf32>,
        %get3A_392 = vector.shape_cast %get3A_391 : vector<1x16xf32> to vector<16xf32>
        %mul3A_393 = arith.constant 11.3137083 : f32
        %mul3A_394 = vector.broadcast %mul3A_393 : f32 to vector<16xf32>
        %mul3A_395 = arith.mulf %get3A_392, %mul3A_394 : vector<16xf32>
        %add3A_396 = arith.addf %mul3A_395, %get3A_75 : vector<16xf32>
        %swap3A_397 = arith.constant 0 : i32
        %swap3A_398 = arith.index_cast %add3A_283 : i32 to index
        %swap3A_399 = arith.index_cast %swap3A_397 : i32 to index
        %swap3A_400 = arith.constant 112 : index
        %swap3A_401 = tpu.vector_load %arg9[%swap3A_398, %swap3A_399, %swap3A_400] {strides = array<i32>} : memref<128x1x128xf32, #tpu.memory_space<vmem>>, vector<1x1x16xf32>,
        %swap3A_402 = vector.shape_cast %swap3A_401 : vector<1x1x16xf32> to vector<16xf32>
        %swap3A_403 = vector.shape_cast %add3A_396 : vector<16xf32> to vector<1x1x16xf32>
        tpu.vector_store %arg9[%swap3A_398, %swap3A_399, %swap3A_400], %swap3A_403 {strides = array<i32>} : memref<128x1x128xf32, #tpu.memory_space<vmem>>, vector<1x1x16xf32>,
        %mul3A_404 = arith.constant 8 : i32
        %mul3A_405 = arith.muli %scan3A_156, %mul3A_404 : i32
        %add3A_406 = arith.constant 2 : i32
        %add3A_407 = arith.addi %mul3A_405, %add3A_406 : i32
        %get3A_408 = arith.index_cast %add3A_407 : i32 to index
        %get3A_409 = arith.constant 0 : index
        %get3A_410 = tpu.vector_load %arg7[%get3A_408, %get3A_409] {strides = array<i32>} : memref<128x128xf32, #tpu.memory_space<vmem>>, vector<1x16xf32>,
        %get3A_411 = vector.shape_cast %get3A_410 : vector<1x16xf32> to vector<16xf32>
        %mul3A_412 = arith.constant 11.3137083 : f32
        %mul3A_413 = vector.broadcast %mul3A_412 : f32 to vector<16xf32>
        %mul3A_414 = arith.mulf %get3A_411, %mul3A_413 : vector<16xf32>
        %add3A_415 = arith.addf %mul3A_414, %get3A_47 : vector<16xf32>
        %swap3A_416 = arith.constant 0 : i32
        %swap3A_417 = arith.index_cast %add3A_407 : i32 to index
        %swap3A_418 = arith.index_cast %swap3A_416 : i32 to index
        %swap3A_419 = arith.constant 0 : index
        %swap3A_420 = tpu.vector_load %arg9[%swap3A_417, %swap3A_418, %swap3A_419] {strides = array<i32>} : memref<128x1x128xf32, #tpu.memory_space<vmem>>, vector<1x1x16xf32>,
        %swap3A_421 = vector.shape_cast %swap3A_420 : vector<1x1x16xf32> to vector<16xf32>
        %swap3A_422 = vector.shape_cast %add3A_415 : vector<16xf32> to vector<1x1x16xf32>
        tpu.vector_store %arg9[%swap3A_417, %swap3A_418, %swap3A_419], %swap3A_422 {strides = array<i32>} : memref<128x1x128xf32, #tpu.memory_space<vmem>>, vector<1x1x16xf32>,
        %get3A_423 = arith.index_cast %add3A_407 : i32 to index
        %get3A_424 = arith.constant 16 : index
        %get3A_425 = tpu.vector_load %arg7[%get3A_423, %get3A_424] {strides = array<i32>} : memref<128x128xf32, #tpu.memory_space<vmem>>, vector<1x16xf32>,
        %get3A_426 = vector.shape_cast %get3A_425 : vector<1x16xf32> to vector<16xf32>
        %mul3A_427 = arith.constant 11.3137083 : f32
        %mul3A_428 = vector.broadcast %mul3A_427 : f32 to vector<16xf32>
        %mul3A_429 = arith.mulf %get3A_426, %mul3A_428 : vector<16xf32>
        %add3A_430 = arith.addf %mul3A_429, %get3A_51 : vector<16xf32>
        %swap3A_431 = arith.constant 0 : i32
        %swap3A_432 = arith.index_cast %add3A_407 : i32 to index
        %swap3A_433 = arith.index_cast %swap3A_431 : i32 to index
        %swap3A_434 = arith.constant 16 : index
        %swap3A_435 = tpu.vector_load %arg9[%swap3A_432, %swap3A_433, %swap3A_434] {strides = array<i32>} : memref<128x1x128xf32, #tpu.memory_space<vmem>>, vector<1x1x16xf32>,
        %swap3A_436 = vector.shape_cast %swap3A_435 : vector<1x1x16xf32> to vector<16xf32>
        %swap3A_437 = vector.shape_cast %add3A_430 : vector<16xf32> to vector<1x1x16xf32>
        tpu.vector_store %arg9[%swap3A_432, %swap3A_433, %swap3A_434], %swap3A_437 {strides = array<i32>} : memref<128x1x128xf32, #tpu.memory_space<vmem>>, vector<1x1x16xf32>,
        %get3A_438 = arith.index_cast %add3A_407 : i32 to index
        %get3A_439 = arith.constant 32 : index
        %get3A_440 = tpu.vector_load %arg7[%get3A_438, %get3A_439] {strides = array<i32>} : memref<128x128xf32, #tpu.memory_space<vmem>>, vector<1x16xf32>,
        %get3A_441 = vector.shape_cast %get3A_440 : vector<1x16xf32> to vector<16xf32>
        %mul3A_442 = arith.constant 11.3137083 : f32
        %mul3A_443 = vector.broadcast %mul3A_442 : f32 to vector<16xf32>
        %mul3A_444 = arith.mulf %get3A_441, %mul3A_443 : vector<16xf32>
        %add3A_445 = arith.addf %mul3A_444, %get3A_55 : vector<16xf32>
        %swap3A_446 = arith.constant 0 : i32
        %swap3A_447 = arith.index_cast %add3A_407 : i32 to index
        %swap3A_448 = arith.index_cast %swap3A_446 : i32 to index
        %swap3A_449 = arith.constant 32 : index
        %swap3A_450 = tpu.vector_load %arg9[%swap3A_447, %swap3A_448, %swap3A_449] {strides = array<i32>} : memref<128x1x128xf32, #tpu.memory_space<vmem>>, vector<1x1x16xf32>,
        %swap3A_451 = vector.shape_cast %swap3A_450 : vector<1x1x16xf32> to vector<16xf32>
        %swap3A_452 = vector.shape_cast %add3A_445 : vector<16xf32> to vector<1x1x16xf32>
        tpu.vector_store %arg9[%swap3A_447, %swap3A_448, %swap3A_449], %swap3A_452 {strides = array<i32>} : memref<128x1x128xf32, #tpu.memory_space<vmem>>, vector<1x1x16xf32>,
        %get3A_453 = arith.index_cast %add3A_407 : i32 to index
        %get3A_454 = arith.constant 48 : index
        %get3A_455 = tpu.vector_load %arg7[%get3A_453, %get3A_454] {strides = array<i32>} : memref<128x128xf32, #tpu.memory_space<vmem>>, vector<1x16xf32>,
        %get3A_456 = vector.shape_cast %get3A_455 : vector<1x16xf32> to vector<16xf32>
        %mul3A_457 = arith.constant 11.3137083 : f32
        %mul3A_458 = vector.broadcast %mul3A_457 : f32 to vector<16xf32>
        %mul3A_459 = arith.mulf %get3A_456, %mul3A_458 : vector<16xf32>
        %add3A_460 = arith.addf %mul3A_459, %get3A_59 : vector<16xf32>
        %swap3A_461 = arith.constant 0 : i32
        %swap3A_462 = arith.index_cast %add3A_407 : i32 to index
        %swap3A_463 = arith.index_cast %swap3A_461 : i32 to index
        %swap3A_464 = arith.constant 48 : index
        %swap3A_465 = tpu.vector_load %arg9[%swap3A_462, %swap3A_463, %swap3A_464] {strides = array<i32>} : memref<128x1x128xf32, #tpu.memory_space<vmem>>, vector<1x1x16xf32>,
        %swap3A_466 = vector.shape_cast %swap3A_465 : vector<1x1x16xf32> to vector<16xf32>
        %swap3A_467 = vector.shape_cast %add3A_460 : vector<16xf32> to vector<1x1x16xf32>
        tpu.vector_store %arg9[%swap3A_462, %swap3A_463, %swap3A_464], %swap3A_467 {strides = array<i32>} : memref<128x1x128xf32, #tpu.memory_space<vmem>>, vector<1x1x16xf32>,
        %get3A_468 = arith.index_cast %add3A_407 : i32 to index
        %get3A_469 = arith.constant 64 : index
        %get3A_470 = tpu.vector_load %arg7[%get3A_468, %get3A_469] {strides = array<i32>} : memref<128x128xf32, #tpu.memory_space<vmem>>, vector<1x16xf32>,
        %get3A_471 = vector.shape_cast %get3A_470 : vector<1x16xf32> to vector<16xf32>
        %mul3A_472 = arith.constant 11.3137083 : f32
        %mul3A_473 = vector.broadcast %mul3A_472 : f32 to vector<16xf32>
        %mul3A_474 = arith.mulf %get3A_471, %mul3A_473 : vector<16xf32>
        %add3A_475 = arith.addf %mul3A_474, %get3A_63 : vector<16xf32>
        %swap3A_476 = arith.constant 0 : i32
        %swap3A_477 = arith.index_cast %add3A_407 : i32 to index
        %swap3A_478 = arith.index_cast %swap3A_476 : i32 to index
        %swap3A_479 = arith.constant 64 : index
        %swap3A_480 = tpu.vector_load %arg9[%swap3A_477, %swap3A_478, %swap3A_479] {strides = array<i32>} : memref<128x1x128xf32, #tpu.memory_space<vmem>>, vector<1x1x16xf32>,
        %swap3A_481 = vector.shape_cast %swap3A_480 : vector<1x1x16xf32> to vector<16xf32>
        %swap3A_482 = vector.shape_cast %add3A_475 : vector<16xf32> to vector<1x1x16xf32>
        tpu.vector_store %arg9[%swap3A_477, %swap3A_478, %swap3A_479], %swap3A_482 {strides = array<i32>} : memref<128x1x128xf32, #tpu.memory_space<vmem>>, vector<1x1x16xf32>,
        %get3A_483 = arith.index_cast %add3A_407 : i32 to index
        %get3A_484 = arith.constant 80 : index
        %get3A_485 = tpu.vector_load %arg7[%get3A_483, %get3A_484] {strides = array<i32>} : memref<128x128xf32, #tpu.memory_space<vmem>>, vector<1x16xf32>,
        %get3A_486 = vector.shape_cast %get3A_485 : vector<1x16xf32> to vector<16xf32>
        %mul3A_487 = arith.constant 11.3137083 : f32
        %mul3A_488 = vector.broadcast %mul3A_487 : f32 to vector<16xf32>
        %mul3A_489 = arith.mulf %get3A_486, %mul3A_488 : vector<16xf32>
        %add3A_490 = arith.addf %mul3A_489, %get3A_67 : vector<16xf32>
        %swap3A_491 = arith.constant 0 : i32
        %swap3A_492 = arith.index_cast %add3A_407 : i32 to index
        %swap3A_493 = arith.index_cast %swap3A_491 : i32 to index
        %swap3A_494 = arith.constant 80 : index
        %swap3A_495 = tpu.vector_load %arg9[%swap3A_492, %swap3A_493, %swap3A_494] {strides = array<i32>} : memref<128x1x128xf32, #tpu.memory_space<vmem>>, vector<1x1x16xf32>,
        %swap3A_496 = vector.shape_cast %swap3A_495 : vector<1x1x16xf32> to vector<16xf32>
        %swap3A_497 = vector.shape_cast %add3A_490 : vector<16xf32> to vector<1x1x16xf32>
        tpu.vector_store %arg9[%swap3A_492, %swap3A_493, %swap3A_494], %swap3A_497 {strides = array<i32>} : memref<128x1x128xf32, #tpu.memory_space<vmem>>, vector<1x1x16xf32>,
        %get3A_498 = arith.index_cast %add3A_407 : i32 to index
        %get3A_499 = arith.constant 96 : index
        %get3A_500 = tpu.vector_load %arg7[%get3A_498, %get3A_499] {strides = array<i32>} : memref<128x128xf32, #tpu.memory_space<vmem>>, vector<1x16xf32>,
        %get3A_501 = vector.shape_cast %get3A_500 : vector<1x16xf32> to vector<16xf32>
        %mul3A_502 = arith.constant 11.3137083 : f32
        %mul3A_503 = vector.broadcast %mul3A_502 : f32 to vector<16xf32>
        %mul3A_504 = arith.mulf %get3A_501, %mul3A_503 : vector<16xf32>
        %add3A_505 = arith.addf %mul3A_504, %get3A_71 : vector<16xf32>
        %swap3A_506 = arith.constant 0 : i32
        %swap3A_507 = arith.index_cast %add3A_407 : i32 to index
        %swap3A_508 = arith.index_cast %swap3A_506 : i32 to index
        %swap3A_509 = arith.constant 96 : index
        %swap3A_510 = tpu.vector_load %arg9[%swap3A_507, %swap3A_508, %swap3A_509] {strides = array<i32>} : memref<128x1x128xf32, #tpu.memory_space<vmem>>, vector<1x1x16xf32>,
        %swap3A_511 = vector.shape_cast %swap3A_510 : vector<1x1x16xf32> to vector<16xf32>
        %swap3A_512 = vector.shape_cast %add3A_505 : vector<16xf32> to vector<1x1x16xf32>
        tpu.vector_store %arg9[%swap3A_507, %swap3A_508, %swap3A_509], %swap3A_512 {strides = array<i32>} : memref<128x1x128xf32, #tpu.memory_space<vmem>>, vector<1x1x16xf32>,
        %get3A_513 = arith.index_cast %add3A_407 : i32 to index
        %get3A_514 = arith.constant 112 : index
        %get3A_515 = tpu.vector_load %arg7[%get3A_513, %get3A_514] {strides = array<i32>} : memref<128x128xf32, #tpu.memory_space<vmem>>, vector<1x16xf32>,
        %get3A_516 = vector.shape_cast %get3A_515 : vector<1x16xf32> to vector<16xf32>
        %mul3A_517 = arith.constant 11.3137083 : f32
        %mul3A_518 = vector.broadcast %mul3A_517 : f32 to vector<16xf32>
        %mul3A_519 = arith.mulf %get3A_516, %mul3A_518 : vector<16xf32>
        %add3A_520 = arith.addf %mul3A_519, %get3A_75 : vector<16xf32>
        %swap3A_521 = arith.constant 0 : i32
        %swap3A_522 = arith.index_cast %add3A_407 : i32 to index
        %swap3A_523 = arith.index_cast %swap3A_521 : i32 to index
        %swap3A_524 = arith.constant 112 : index
        %swap3A_525 = tpu.vector_load %arg9[%swap3A_522, %swap3A_523, %swap3A_524] {strides = array<i32>} : memref<128x1x128xf32, #tpu.memory_space<vmem>>, vector<1x1x16xf32>,
        %swap3A_526 = vector.shape_cast %swap3A_525 : vector<1x1x16xf32> to vector<16xf32>
        %swap3A_527 = vector.shape_cast %add3A_520 : vector<16xf32> to vector<1x1x16xf32>
        tpu.vector_store %arg9[%swap3A_522, %swap3A_523, %swap3A_524], %swap3A_527 {strides = array<i32>} : memref<128x1x128xf32, #tpu.memory_space<vmem>>, vector<1x1x16xf32>,
        %mul3A_528 = arith.constant 8 : i32
        %mul3A_529 = arith.muli %scan3A_156, %mul3A_528 : i32
        %add3A_530 = arith.constant 3 : i32
        %add3A_531 = arith.addi %mul3A_529, %add3A_530 : i32
        %get3A_532 = arith.index_cast %add3A_531 : i32 to index
        %get3A_533 = arith.constant 0 : index
        %get3A_534 = tpu.vector_load %arg7[%get3A_532, %get3A_533] {strides = array<i32>} : memref<128x128xf32, #tpu.memory_space<vmem>>, vector<1x16xf32>,
        %get3A_535 = vector.shape_cast %get3A_534 : vector<1x16xf32> to vector<16xf32>
        %mul3A_536 = arith.constant 11.3137083 : f32
        %mul3A_537 = vector.broadcast %mul3A_536 : f32 to vector<16xf32>
        %mul3A_538 = arith.mulf %get3A_535, %mul3A_537 : vector<16xf32>
        %add3A_539 = arith.addf %mul3A_538, %get3A_47 : vector<16xf32>
        %swap3A_540 = arith.constant 0 : i32
        %swap3A_541 = arith.index_cast %add3A_531 : i32 to index
        %swap3A_542 = arith.index_cast %swap3A_540 : i32 to index
        %swap3A_543 = arith.constant 0 : index
        %swap3A_544 = tpu.vector_load %arg9[%swap3A_541, %swap3A_542, %swap3A_543] {strides = array<i32>} : memref<128x1x128xf32, #tpu.memory_space<vmem>>, vector<1x1x16xf32>,
        %swap3A_545 = vector.shape_cast %swap3A_544 : vector<1x1x16xf32> to vector<16xf32>
        %swap3A_546 = vector.shape_cast %add3A_539 : vector<16xf32> to vector<1x1x16xf32>
        tpu.vector_store %arg9[%swap3A_541, %swap3A_542, %swap3A_543], %swap3A_546 {strides = array<i32>} : memref<128x1x128xf32, #tpu.memory_space<vmem>>, vector<1x1x16xf32>,
        %get3A_547 = arith.index_cast %add3A_531 : i32 to index
        %get3A_548 = arith.constant 16 : index
        %get3A_549 = tpu.vector_load %arg7[%get3A_547, %get3A_548] {strides = array<i32>} : memref<128x128xf32, #tpu.memory_space<vmem>>, vector<1x16xf32>,
        %get3A_550 = vector.shape_cast %get3A_549 : vector<1x16xf32> to vector<16xf32>
        %mul3A_551 = arith.constant 11.3137083 : f32
        %mul3A_552 = vector.broadcast %mul3A_551 : f32 to vector<16xf32>
        %mul3A_553 = arith.mulf %get3A_550, %mul3A_552 : vector<16xf32>
        %add3A_554 = arith.addf %mul3A_553, %get3A_51 : vector<16xf32>
        %swap3A_555 = arith.constant 0 : i32
        %swap3A_556 = arith.index_cast %add3A_531 : i32 to index
        %swap3A_557 = arith.index_cast %swap3A_555 : i32 to index
        %swap3A_558 = arith.constant 16 : index
        %swap3A_559 = tpu.vector_load %arg9[%swap3A_556, %swap3A_557, %swap3A_558] {strides = array<i32>} : memref<128x1x128xf32, #tpu.memory_space<vmem>>, vector<1x1x16xf32>,
        %swap3A_560 = vector.shape_cast %swap3A_559 : vector<1x1x16xf32> to vector<16xf32>
        %swap3A_561 = vector.shape_cast %add3A_554 : vector<16xf32> to vector<1x1x16xf32>
        tpu.vector_store %arg9[%swap3A_556, %swap3A_557, %swap3A_558], %swap3A_561 {strides = array<i32>} : memref<128x1x128xf32, #tpu.memory_space<vmem>>, vector<1x1x16xf32>,
        %get3A_562 = arith.index_cast %add3A_531 : i32 to index
        %get3A_563 = arith.constant 32 : index
        %get3A_564 = tpu.vector_load %arg7[%get3A_562, %get3A_563] {strides = array<i32>} : memref<128x128xf32, #tpu.memory_space<vmem>>, vector<1x16xf32>,
        %get3A_565 = vector.shape_cast %get3A_564 : vector<1x16xf32> to vector<16xf32>
        %mul3A_566 = arith.constant 11.3137083 : f32
        %mul3A_567 = vector.broadcast %mul3A_566 : f32 to vector<16xf32>
        %mul3A_568 = arith.mulf %get3A_565, %mul3A_567 : vector<16xf32>
        %add3A_569 = arith.addf %mul3A_568, %get3A_55 : vector<16xf32>
        %swap3A_570 = arith.constant 0 : i32
        %swap3A_571 = arith.index_cast %add3A_531 : i32 to index
        %swap3A_572 = arith.index_cast %swap3A_570 : i32 to index
        %swap3A_573 = arith.constant 32 : index
        %swap3A_574 = tpu.vector_load %arg9[%swap3A_571, %swap3A_572, %swap3A_573] {strides = array<i32>} : memref<128x1x128xf32, #tpu.memory_space<vmem>>, vector<1x1x16xf32>,
        %swap3A_575 = vector.shape_cast %swap3A_574 : vector<1x1x16xf32> to vector<16xf32>
        %swap3A_576 = vector.shape_cast %add3A_569 : vector<16xf32> to vector<1x1x16xf32>
        tpu.vector_store %arg9[%swap3A_571, %swap3A_572, %swap3A_573], %swap3A_576 {strides = array<i32>} : memref<128x1x128xf32, #tpu.memory_space<vmem>>, vector<1x1x16xf32>,
        %get3A_577 = arith.index_cast %add3A_531 : i32 to index
        %get3A_578 = arith.constant 48 : index
        %get3A_579 = tpu.vector_load %arg7[%get3A_577, %get3A_578] {strides = array<i32>} : memref<128x128xf32, #tpu.memory_space<vmem>>, vector<1x16xf32>,
        %get3A_580 = vector.shape_cast %get3A_579 : vector<1x16xf32> to vector<16xf32>
        %mul3A_581 = arith.constant 11.3137083 : f32
        %mul3A_582 = vector.broadcast %mul3A_581 : f32 to vector<16xf32>
        %mul3A_583 = arith.mulf %get3A_580, %mul3A_582 : vector<16xf32>
        %add3A_584 = arith.addf %mul3A_583, %get3A_59 : vector<16xf32>
        %swap3A_585 = arith.constant 0 : i32
        %swap3A_586 = arith.index_cast %add3A_531 : i32 to index
        %swap3A_587 = arith.index_cast %swap3A_585 : i32 to index
        %swap3A_588 = arith.constant 48 : index
        %swap3A_589 = tpu.vector_load %arg9[%swap3A_586, %swap3A_587, %swap3A_588] {strides = array<i32>} : memref<128x1x128xf32, #tpu.memory_space<vmem>>, vector<1x1x16xf32>,
        %swap3A_590 = vector.shape_cast %swap3A_589 : vector<1x1x16xf32> to vector<16xf32>
        %swap3A_591 = vector.shape_cast %add3A_584 : vector<16xf32> to vector<1x1x16xf32>
        tpu.vector_store %arg9[%swap3A_586, %swap3A_587, %swap3A_588], %swap3A_591 {strides = array<i32>} : memref<128x1x128xf32, #tpu.memory_space<vmem>>, vector<1x1x16xf32>,
        %get3A_592 = arith.index_cast %add3A_531 : i32 to index
        %get3A_593 = arith.constant 64 : index
        %get3A_594 = tpu.vector_load %arg7[%get3A_592, %get3A_593] {strides = array<i32>} : memref<128x128xf32, #tpu.memory_space<vmem>>, vector<1x16xf32>,
        %get3A_595 = vector.shape_cast %get3A_594 : vector<1x16xf32> to vector<16xf32>
        %mul3A_596 = arith.constant 11.3137083 : f32
        %mul3A_597 = vector.broadcast %mul3A_596 : f32 to vector<16xf32>
        %mul3A_598 = arith.mulf %get3A_595, %mul3A_597 : vector<16xf32>
        %add3A_599 = arith.addf %mul3A_598, %get3A_63 : vector<16xf32>
        %swap3A_600 = arith.constant 0 : i32
        %swap3A_601 = arith.index_cast %add3A_531 : i32 to index
        %swap3A_602 = arith.index_cast %swap3A_600 : i32 to index
        %swap3A_603 = arith.constant 64 : index
        %swap3A_604 = tpu.vector_load %arg9[%swap3A_601, %swap3A_602, %swap3A_603] {strides = array<i32>} : memref<128x1x128xf32, #tpu.memory_space<vmem>>, vector<1x1x16xf32>,
        %swap3A_605 = vector.shape_cast %swap3A_604 : vector<1x1x16xf32> to vector<16xf32>
        %swap3A_606 = vector.shape_cast %add3A_599 : vector<16xf32> to vector<1x1x16xf32>
        tpu.vector_store %arg9[%swap3A_601, %swap3A_602, %swap3A_603], %swap3A_606 {strides = array<i32>} : memref<128x1x128xf32, #tpu.memory_space<vmem>>, vector<1x1x16xf32>,
        %get3A_607 = arith.index_cast %add3A_531 : i32 to index
        %get3A_608 = arith.constant 80 : index
        %get3A_609 = tpu.vector_load %arg7[%get3A_607, %get3A_608] {strides = array<i32>} : memref<128x128xf32, #tpu.memory_space<vmem>>, vector<1x16xf32>,
        %get3A_610 = vector.shape_cast %get3A_609 : vector<1x16xf32> to vector<16xf32>
        %mul3A_611 = arith.constant 11.3137083 : f32
        %mul3A_612 = vector.broadcast %mul3A_611 : f32 to vector<16xf32>
        %mul3A_613 = arith.mulf %get3A_610, %mul3A_612 : vector<16xf32>
        %add3A_614 = arith.addf %mul3A_613, %get3A_67 : vector<16xf32>
        %swap3A_615 = arith.constant 0 : i32
        %swap3A_616 = arith.index_cast %add3A_531 : i32 to index
        %swap3A_617 = arith.index_cast %swap3A_615 : i32 to index
        %swap3A_618 = arith.constant 80 : index
        %swap3A_619 = tpu.vector_load %arg9[%swap3A_616, %swap3A_617, %swap3A_618] {strides = array<i32>} : memref<128x1x128xf32, #tpu.memory_space<vmem>>, vector<1x1x16xf32>,
        %swap3A_620 = vector.shape_cast %swap3A_619 : vector<1x1x16xf32> to vector<16xf32>
        %swap3A_621 = vector.shape_cast %add3A_614 : vector<16xf32> to vector<1x1x16xf32>
        tpu.vector_store %arg9[%swap3A_616, %swap3A_617, %swap3A_618], %swap3A_621 {strides = array<i32>} : memref<128x1x128xf32, #tpu.memory_space<vmem>>, vector<1x1x16xf32>,
        %get3A_622 = arith.index_cast %add3A_531 : i32 to index
        %get3A_623 = arith.constant 96 : index
        %get3A_624 = tpu.vector_load %arg7[%get3A_622, %get3A_623] {strides = array<i32>} : memref<128x128xf32, #tpu.memory_space<vmem>>, vector<1x16xf32>,
        %get3A_625 = vector.shape_cast %get3A_624 : vector<1x16xf32> to vector<16xf32>
        %mul3A_626 = arith.constant 11.3137083 : f32
        %mul3A_627 = vector.broadcast %mul3A_626 : f32 to vector<16xf32>
        %mul3A_628 = arith.mulf %get3A_625, %mul3A_627 : vector<16xf32>
        %add3A_629 = arith.addf %mul3A_628, %get3A_71 : vector<16xf32>
        %swap3A_630 = arith.constant 0 : i32
        %swap3A_631 = arith.index_cast %add3A_531 : i32 to index
        %swap3A_632 = arith.index_cast %swap3A_630 : i32 to index
        %swap3A_633 = arith.constant 96 : index
        %swap3A_634 = tpu.vector_load %arg9[%swap3A_631, %swap3A_632, %swap3A_633] {strides = array<i32>} : memref<128x1x128xf32, #tpu.memory_space<vmem>>, vector<1x1x16xf32>,
        %swap3A_635 = vector.shape_cast %swap3A_634 : vector<1x1x16xf32> to vector<16xf32>
        %swap3A_636 = vector.shape_cast %add3A_629 : vector<16xf32> to vector<1x1x16xf32>
        tpu.vector_store %arg9[%swap3A_631, %swap3A_632, %swap3A_633], %swap3A_636 {strides = array<i32>} : memref<128x1x128xf32, #tpu.memory_space<vmem>>, vector<1x1x16xf32>,
        %get3A_637 = arith.index_cast %add3A_531 : i32 to index
        %get3A_638 = arith.constant 112 : index
        %get3A_639 = tpu.vector_load %arg7[%get3A_637, %get3A_638] {strides = array<i32>} : memref<128x128xf32, #tpu.memory_space<vmem>>, vector<1x16xf32>,
        %get3A_640 = vector.shape_cast %get3A_639 : vector<1x16xf32> to vector<16xf32>
        %mul3A_641 = arith.constant 11.3137083 : f32
        %mul3A_642 = vector.broadcast %mul3A_641 : f32 to vector<16xf32>
        %mul3A_643 = arith.mulf %get3A_640, %mul3A_642 : vector<16xf32>
        %add3A_644 = arith.addf %mul3A_643, %get3A_75 : vector<16xf32>
        %swap3A_645 = arith.constant 0 : i32
        %swap3A_646 = arith.index_cast %add3A_531 : i32 to index
        %swap3A_647 = arith.index_cast %swap3A_645 : i32 to index
        %swap3A_648 = arith.constant 112 : index
        %swap3A_649 = tpu.vector_load %arg9[%swap3A_646, %swap3A_647, %swap3A_648] {strides = array<i32>} : memref<128x1x128xf32, #tpu.memory_space<vmem>>, vector<1x1x16xf32>,
        %swap3A_650 = vector.shape_cast %swap3A_649 : vector<1x1x16xf32> to vector<16xf32>
        %swap3A_651 = vector.shape_cast %add3A_644 : vector<16xf32> to vector<1x1x16xf32>
        tpu.vector_store %arg9[%swap3A_646, %swap3A_647, %swap3A_648], %swap3A_651 {strides = array<i32>} : memref<128x1x128xf32, #tpu.memory_space<vmem>>, vector<1x1x16xf32>,
        %mul3A_652 = arith.constant 8 : i32
        %mul3A_653 = arith.muli %scan3A_156, %mul3A_652 : i32
        %add3A_654 = arith.constant 4 : i32
        %add3A_655 = arith.addi %mul3A_653, %add3A_654 : i32
        %get3A_656 = arith.index_cast %add3A_655 : i32 to index
        %get3A_657 = arith.constant 0 : index
        %get3A_658 = tpu.vector_load %arg7[%get3A_656, %get3A_657] {strides = array<i32>} : memref<128x128xf32, #tpu.memory_space<vmem>>, vector<1x16xf32>,
        %get3A_659 = vector.shape_cast %get3A_658 : vector<1x16xf32> to vector<16xf32>
        %mul3A_660 = arith.constant 11.3137083 : f32
        %mul3A_661 = vector.broadcast %mul3A_660 : f32 to vector<16xf32>
        %mul3A_662 = arith.mulf %get3A_659, %mul3A_661 : vector<16xf32>
        %add3A_663 = arith.addf %mul3A_662, %get3A_47 : vector<16xf32>
        %swap3A_664 = arith.constant 0 : i32
        %swap3A_665 = arith.index_cast %add3A_655 : i32 to index
        %swap3A_666 = arith.index_cast %swap3A_664 : i32 to index
        %swap3A_667 = arith.constant 0 : index
        %swap3A_668 = tpu.vector_load %arg9[%swap3A_665, %swap3A_666, %swap3A_667] {strides = array<i32>} : memref<128x1x128xf32, #tpu.memory_space<vmem>>, vector<1x1x16xf32>,
        %swap3A_669 = vector.shape_cast %swap3A_668 : vector<1x1x16xf32> to vector<16xf32>
        %swap3A_670 = vector.shape_cast %add3A_663 : vector<16xf32> to vector<1x1x16xf32>
        tpu.vector_store %arg9[%swap3A_665, %swap3A_666, %swap3A_667], %swap3A_670 {strides = array<i32>} : memref<128x1x128xf32, #tpu.memory_space<vmem>>, vector<1x1x16xf32>,
        %get3A_671 = arith.index_cast %add3A_655 : i32 to index
        %get3A_672 = arith.constant 16 : index
        %get3A_673 = tpu.vector_load %arg7[%get3A_671, %get3A_672] {strides = array<i32>} : memref<128x128xf32, #tpu.memory_space<vmem>>, vector<1x16xf32>,
        %get3A_674 = vector.shape_cast %get3A_673 : vector<1x16xf32> to vector<16xf32>
        %mul3A_675 = arith.constant 11.3137083 : f32
        %mul3A_676 = vector.broadcast %mul3A_675 : f32 to vector<16xf32>
        %mul3A_677 = arith.mulf %get3A_674, %mul3A_676 : vector<16xf32>
        %add3A_678 = arith.addf %mul3A_677, %get3A_51 : vector<16xf32>
        %swap3A_679 = arith.constant 0 : i32
        %swap3A_680 = arith.index_cast %add3A_655 : i32 to index
        %swap3A_681 = arith.index_cast %swap3A_679 : i32 to index
        %swap3A_682 = arith.constant 16 : index
        %swap3A_683 = tpu.vector_load %arg9[%swap3A_680, %swap3A_681, %swap3A_682] {strides = array<i32>} : memref<128x1x128xf32, #tpu.memory_space<vmem>>, vector<1x1x16xf32>,
        %swap3A_684 = vector.shape_cast %swap3A_683 : vector<1x1x16xf32> to vector<16xf32>
        %swap3A_685 = vector.shape_cast %add3A_678 : vector<16xf32> to vector<1x1x16xf32>
        tpu.vector_store %arg9[%swap3A_680, %swap3A_681, %swap3A_682], %swap3A_685 {strides = array<i32>} : memref<128x1x128xf32, #tpu.memory_space<vmem>>, vector<1x1x16xf32>,
        %get3A_686 = arith.index_cast %add3A_655 : i32 to index
        %get3A_687 = arith.constant 32 : index
        %get3A_688 = tpu.vector_load %arg7[%get3A_686, %get3A_687] {strides = array<i32>} : memref<128x128xf32, #tpu.memory_space<vmem>>, vector<1x16xf32>,
        %get3A_689 = vector.shape_cast %get3A_688 : vector<1x16xf32> to vector<16xf32>
        %mul3A_690 = arith.constant 11.3137083 : f32
        %mul3A_691 = vector.broadcast %mul3A_690 : f32 to vector<16xf32>
        %mul3A_692 = arith.mulf %get3A_689, %mul3A_691 : vector<16xf32>
        %add3A_693 = arith.addf %mul3A_692, %get3A_55 : vector<16xf32>
        %swap3A_694 = arith.constant 0 : i32
        %swap3A_695 = arith.index_cast %add3A_655 : i32 to index
        %swap3A_696 = arith.index_cast %swap3A_694 : i32 to index
        %swap3A_697 = arith.constant 32 : index
        %swap3A_698 = tpu.vector_load %arg9[%swap3A_695, %swap3A_696, %swap3A_697] {strides = array<i32>} : memref<128x1x128xf32, #tpu.memory_space<vmem>>, vector<1x1x16xf32>,
        %swap3A_699 = vector.shape_cast %swap3A_698 : vector<1x1x16xf32> to vector<16xf32>
        %swap3A_700 = vector.shape_cast %add3A_693 : vector<16xf32> to vector<1x1x16xf32>
        tpu.vector_store %arg9[%swap3A_695, %swap3A_696, %swap3A_697], %swap3A_700 {strides = array<i32>} : memref<128x1x128xf32, #tpu.memory_space<vmem>>, vector<1x1x16xf32>,
        %get3A_701 = arith.index_cast %add3A_655 : i32 to index
        %get3A_702 = arith.constant 48 : index
        %get3A_703 = tpu.vector_load %arg7[%get3A_701, %get3A_702] {strides = array<i32>} : memref<128x128xf32, #tpu.memory_space<vmem>>, vector<1x16xf32>,
        %get3A_704 = vector.shape_cast %get3A_703 : vector<1x16xf32> to vector<16xf32>
        %mul3A_705 = arith.constant 11.3137083 : f32
        %mul3A_706 = vector.broadcast %mul3A_705 : f32 to vector<16xf32>
        %mul3A_707 = arith.mulf %get3A_704, %mul3A_706 : vector<16xf32>
        %add3A_708 = arith.addf %mul3A_707, %get3A_59 : vector<16xf32>
        %swap3A_709 = arith.constant 0 : i32
        %swap3A_710 = arith.index_cast %add3A_655 : i32 to index
        %swap3A_711 = arith.index_cast %swap3A_709 : i32 to index
        %swap3A_712 = arith.constant 48 : index
        %swap3A_713 = tpu.vector_load %arg9[%swap3A_710, %swap3A_711, %swap3A_712] {strides = array<i32>} : memref<128x1x128xf32, #tpu.memory_space<vmem>>, vector<1x1x16xf32>,
        %swap3A_714 = vector.shape_cast %swap3A_713 : vector<1x1x16xf32> to vector<16xf32>
        %swap3A_715 = vector.shape_cast %add3A_708 : vector<16xf32> to vector<1x1x16xf32>
        tpu.vector_store %arg9[%swap3A_710, %swap3A_711, %swap3A_712], %swap3A_715 {strides = array<i32>} : memref<128x1x128xf32, #tpu.memory_space<vmem>>, vector<1x1x16xf32>,
        %get3A_716 = arith.index_cast %add3A_655 : i32 to index
        %get3A_717 = arith.constant 64 : index
        %get3A_718 = tpu.vector_load %arg7[%get3A_716, %get3A_717] {strides = array<i32>} : memref<128x128xf32, #tpu.memory_space<vmem>>, vector<1x16xf32>,
        %get3A_719 = vector.shape_cast %get3A_718 : vector<1x16xf32> to vector<16xf32>
        %mul3A_720 = arith.constant 11.3137083 : f32
        %mul3A_721 = vector.broadcast %mul3A_720 : f32 to vector<16xf32>
        %mul3A_722 = arith.mulf %get3A_719, %mul3A_721 : vector<16xf32>
        %add3A_723 = arith.addf %mul3A_722, %get3A_63 : vector<16xf32>
        %swap3A_724 = arith.constant 0 : i32
        %swap3A_725 = arith.index_cast %add3A_655 : i32 to index
        %swap3A_726 = arith.index_cast %swap3A_724 : i32 to index
        %swap3A_727 = arith.constant 64 : index
        %swap3A_728 = tpu.vector_load %arg9[%swap3A_725, %swap3A_726, %swap3A_727] {strides = array<i32>} : memref<128x1x128xf32, #tpu.memory_space<vmem>>, vector<1x1x16xf32>,
        %swap3A_729 = vector.shape_cast %swap3A_728 : vector<1x1x16xf32> to vector<16xf32>
        %swap3A_730 = vector.shape_cast %add3A_723 : vector<16xf32> to vector<1x1x16xf32>
        tpu.vector_store %arg9[%swap3A_725, %swap3A_726, %swap3A_727], %swap3A_730 {strides = array<i32>} : memref<128x1x128xf32, #tpu.memory_space<vmem>>, vector<1x1x16xf32>,
        %get3A_731 = arith.index_cast %add3A_655 : i32 to index
        %get3A_732 = arith.constant 80 : index
        %get3A_733 = tpu.vector_load %arg7[%get3A_731, %get3A_732] {strides = array<i32>} : memref<128x128xf32, #tpu.memory_space<vmem>>, vector<1x16xf32>,
        %get3A_734 = vector.shape_cast %get3A_733 : vector<1x16xf32> to vector<16xf32>
        %mul3A_735 = arith.constant 11.3137083 : f32
        %mul3A_736 = vector.broadcast %mul3A_735 : f32 to vector<16xf32>
        %mul3A_737 = arith.mulf %get3A_734, %mul3A_736 : vector<16xf32>
        %add3A_738 = arith.addf %mul3A_737, %get3A_67 : vector<16xf32>
        %swap3A_739 = arith.constant 0 : i32
        %swap3A_740 = arith.index_cast %add3A_655 : i32 to index
        %swap3A_741 = arith.index_cast %swap3A_739 : i32 to index
        %swap3A_742 = arith.constant 80 : index
        %swap3A_743 = tpu.vector_load %arg9[%swap3A_740, %swap3A_741, %swap3A_742] {strides = array<i32>} : memref<128x1x128xf32, #tpu.memory_space<vmem>>, vector<1x1x16xf32>,
        %swap3A_744 = vector.shape_cast %swap3A_743 : vector<1x1x16xf32> to vector<16xf32>
        %swap3A_745 = vector.shape_cast %add3A_738 : vector<16xf32> to vector<1x1x16xf32>
        tpu.vector_store %arg9[%swap3A_740, %swap3A_741, %swap3A_742], %swap3A_745 {strides = array<i32>} : memref<128x1x128xf32, #tpu.memory_space<vmem>>, vector<1x1x16xf32>,
        %get3A_746 = arith.index_cast %add3A_655 : i32 to index
        %get3A_747 = arith.constant 96 : index
        %get3A_748 = tpu.vector_load %arg7[%get3A_746, %get3A_747] {strides = array<i32>} : memref<128x128xf32, #tpu.memory_space<vmem>>, vector<1x16xf32>,
        %get3A_749 = vector.shape_cast %get3A_748 : vector<1x16xf32> to vector<16xf32>
        %mul3A_750 = arith.constant 11.3137083 : f32
        %mul3A_751 = vector.broadcast %mul3A_750 : f32 to vector<16xf32>
        %mul3A_752 = arith.mulf %get3A_749, %mul3A_751 : vector<16xf32>
        %add3A_753 = arith.addf %mul3A_752, %get3A_71 : vector<16xf32>
        %swap3A_754 = arith.constant 0 : i32
        %swap3A_755 = arith.index_cast %add3A_655 : i32 to index
        %swap3A_756 = arith.index_cast %swap3A_754 : i32 to index
        %swap3A_757 = arith.constant 96 : index
        %swap3A_758 = tpu.vector_load %arg9[%swap3A_755, %swap3A_756, %swap3A_757] {strides = array<i32>} : memref<128x1x128xf32, #tpu.memory_space<vmem>>, vector<1x1x16xf32>,
        %swap3A_759 = vector.shape_cast %swap3A_758 : vector<1x1x16xf32> to vector<16xf32>
        %swap3A_760 = vector.shape_cast %add3A_753 : vector<16xf32> to vector<1x1x16xf32>
        tpu.vector_store %arg9[%swap3A_755, %swap3A_756, %swap3A_757], %swap3A_760 {strides = array<i32>} : memref<128x1x128xf32, #tpu.memory_space<vmem>>, vector<1x1x16xf32>,
        %get3A_761 = arith.index_cast %add3A_655 : i32 to index
        %get3A_762 = arith.constant 112 : index
        %get3A_763 = tpu.vector_load %arg7[%get3A_761, %get3A_762] {strides = array<i32>} : memref<128x128xf32, #tpu.memory_space<vmem>>, vector<1x16xf32>,
        %get3A_764 = vector.shape_cast %get3A_763 : vector<1x16xf32> to vector<16xf32>
        %mul3A_765 = arith.constant 11.3137083 : f32
        %mul3A_766 = vector.broadcast %mul3A_765 : f32 to vector<16xf32>
        %mul3A_767 = arith.mulf %get3A_764, %mul3A_766 : vector<16xf32>
        %add3A_768 = arith.addf %mul3A_767, %get3A_75 : vector<16xf32>
        %swap3A_769 = arith.constant 0 : i32
        %swap3A_770 = arith.index_cast %add3A_655 : i32 to index
        %swap3A_771 = arith.index_cast %swap3A_769 : i32 to index
        %swap3A_772 = arith.constant 112 : index
        %swap3A_773 = tpu.vector_load %arg9[%swap3A_770, %swap3A_771, %swap3A_772] {strides = array<i32>} : memref<128x1x128xf32, #tpu.memory_space<vmem>>, vector<1x1x16xf32>,
        %swap3A_774 = vector.shape_cast %swap3A_773 : vector<1x1x16xf32> to vector<16xf32>
        %swap3A_775 = vector.shape_cast %add3A_768 : vector<16xf32> to vector<1x1x16xf32>
        tpu.vector_store %arg9[%swap3A_770, %swap3A_771, %swap3A_772], %swap3A_775 {strides = array<i32>} : memref<128x1x128xf32, #tpu.memory_space<vmem>>, vector<1x1x16xf32>,
        %mul3A_776 = arith.constant 8 : i32
        %mul3A_777 = arith.muli %scan3A_156, %mul3A_776 : i32
        %add3A_778 = arith.constant 5 : i32
        %add3A_779 = arith.addi %mul3A_777, %add3A_778 : i32
        %get3A_780 = arith.index_cast %add3A_779 : i32 to index
        %get3A_781 = arith.constant 0 : index
        %get3A_782 = tpu.vector_load %arg7[%get3A_780, %get3A_781] {strides = array<i32>} : memref<128x128xf32, #tpu.memory_space<vmem>>, vector<1x16xf32>,
        %get3A_783 = vector.shape_cast %get3A_782 : vector<1x16xf32> to vector<16xf32>
        %mul3A_784 = arith.constant 11.3137083 : f32
        %mul3A_785 = vector.broadcast %mul3A_784 : f32 to vector<16xf32>
        %mul3A_786 = arith.mulf %get3A_783, %mul3A_785 : vector<16xf32>
        %add3A_787 = arith.addf %mul3A_786, %get3A_47 : vector<16xf32>
        %swap3A_788 = arith.constant 0 : i32
        %swap3A_789 = arith.index_cast %add3A_779 : i32 to index
        %swap3A_790 = arith.index_cast %swap3A_788 : i32 to index
        %swap3A_791 = arith.constant 0 : index
        %swap3A_792 = tpu.vector_load %arg9[%swap3A_789, %swap3A_790, %swap3A_791] {strides = array<i32>} : memref<128x1x128xf32, #tpu.memory_space<vmem>>, vector<1x1x16xf32>,
        %swap3A_793 = vector.shape_cast %swap3A_792 : vector<1x1x16xf32> to vector<16xf32>
        %swap3A_794 = vector.shape_cast %add3A_787 : vector<16xf32> to vector<1x1x16xf32>
        tpu.vector_store %arg9[%swap3A_789, %swap3A_790, %swap3A_791], %swap3A_794 {strides = array<i32>} : memref<128x1x128xf32, #tpu.memory_space<vmem>>, vector<1x1x16xf32>,
        %get3A_795 = arith.index_cast %add3A_779 : i32 to index
        %get3A_796 = arith.constant 16 : index
        %get3A_797 = tpu.vector_load %arg7[%get3A_795, %get3A_796] {strides = array<i32>} : memref<128x128xf32, #tpu.memory_space<vmem>>, vector<1x16xf32>,
        %get3A_798 = vector.shape_cast %get3A_797 : vector<1x16xf32> to vector<16xf32>
        %mul3A_799 = arith.constant 11.3137083 : f32
        %mul3A_800 = vector.broadcast %mul3A_799 : f32 to vector<16xf32>
        %mul3A_801 = arith.mulf %get3A_798, %mul3A_800 : vector<16xf32>
        %add3A_802 = arith.addf %mul3A_801, %get3A_51 : vector<16xf32>
        %swap3A_803 = arith.constant 0 : i32
        %swap3A_804 = arith.index_cast %add3A_779 : i32 to index
        %swap3A_805 = arith.index_cast %swap3A_803 : i32 to index
        %swap3A_806 = arith.constant 16 : index
        %swap3A_807 = tpu.vector_load %arg9[%swap3A_804, %swap3A_805, %swap3A_806] {strides = array<i32>} : memref<128x1x128xf32, #tpu.memory_space<vmem>>, vector<1x1x16xf32>,
        %swap3A_808 = vector.shape_cast %swap3A_807 : vector<1x1x16xf32> to vector<16xf32>
        %swap3A_809 = vector.shape_cast %add3A_802 : vector<16xf32> to vector<1x1x16xf32>
        tpu.vector_store %arg9[%swap3A_804, %swap3A_805, %swap3A_806], %swap3A_809 {strides = array<i32>} : memref<128x1x128xf32, #tpu.memory_space<vmem>>, vector<1x1x16xf32>,
        %get3A_810 = arith.index_cast %add3A_779 : i32 to index
        %get3A_811 = arith.constant 32 : index
        %get3A_812 = tpu.vector_load %arg7[%get3A_810, %get3A_811] {strides = array<i32>} : memref<128x128xf32, #tpu.memory_space<vmem>>, vector<1x16xf32>,
        %get3A_813 = vector.shape_cast %get3A_812 : vector<1x16xf32> to vector<16xf32>
        %mul3A_814 = arith.constant 11.3137083 : f32
        %mul3A_815 = vector.broadcast %mul3A_814 : f32 to vector<16xf32>
        %mul3A_816 = arith.mulf %get3A_813, %mul3A_815 : vector<16xf32>
        %add3A_817 = arith.addf %mul3A_816, %get3A_55 : vector<16xf32>
        %swap3A_818 = arith.constant 0 : i32
        %swap3A_819 = arith.index_cast %add3A_779 : i32 to index
        %swap3A_820 = arith.index_cast %swap3A_818 : i32 to index
        %swap3A_821 = arith.constant 32 : index
        %swap3A_822 = tpu.vector_load %arg9[%swap3A_819, %swap3A_820, %swap3A_821] {strides = array<i32>} : memref<128x1x128xf32, #tpu.memory_space<vmem>>, vector<1x1x16xf32>,
        %swap3A_823 = vector.shape_cast %swap3A_822 : vector<1x1x16xf32> to vector<16xf32>
        %swap3A_824 = vector.shape_cast %add3A_817 : vector<16xf32> to vector<1x1x16xf32>
        tpu.vector_store %arg9[%swap3A_819, %swap3A_820, %swap3A_821], %swap3A_824 {strides = array<i32>} : memref<128x1x128xf32, #tpu.memory_space<vmem>>, vector<1x1x16xf32>,
        %get3A_825 = arith.index_cast %add3A_779 : i32 to index
        %get3A_826 = arith.constant 48 : index
        %get3A_827 = tpu.vector_load %arg7[%get3A_825, %get3A_826] {strides = array<i32>} : memref<128x128xf32, #tpu.memory_space<vmem>>, vector<1x16xf32>,
        %get3A_828 = vector.shape_cast %get3A_827 : vector<1x16xf32> to vector<16xf32>
        %mul3A_829 = arith.constant 11.3137083 : f32
        %mul3A_830 = vector.broadcast %mul3A_829 : f32 to vector<16xf32>
        %mul3A_831 = arith.mulf %get3A_828, %mul3A_830 : vector<16xf32>
        %add3A_832 = arith.addf %mul3A_831, %get3A_59 : vector<16xf32>
        %swap3A_833 = arith.constant 0 : i32
        %swap3A_834 = arith.index_cast %add3A_779 : i32 to index
        %swap3A_835 = arith.index_cast %swap3A_833 : i32 to index
        %swap3A_836 = arith.constant 48 : index
        %swap3A_837 = tpu.vector_load %arg9[%swap3A_834, %swap3A_835, %swap3A_836] {strides = array<i32>} : memref<128x1x128xf32, #tpu.memory_space<vmem>>, vector<1x1x16xf32>,
        %swap3A_838 = vector.shape_cast %swap3A_837 : vector<1x1x16xf32> to vector<16xf32>
        %swap3A_839 = vector.shape_cast %add3A_832 : vector<16xf32> to vector<1x1x16xf32>
        tpu.vector_store %arg9[%swap3A_834, %swap3A_835, %swap3A_836], %swap3A_839 {strides = array<i32>} : memref<128x1x128xf32, #tpu.memory_space<vmem>>, vector<1x1x16xf32>,
        %get3A_840 = arith.index_cast %add3A_779 : i32 to index
        %get3A_841 = arith.constant 64 : index
        %get3A_842 = tpu.vector_load %arg7[%get3A_840, %get3A_841] {strides = array<i32>} : memref<128x128xf32, #tpu.memory_space<vmem>>, vector<1x16xf32>,
        %get3A_843 = vector.shape_cast %get3A_842 : vector<1x16xf32> to vector<16xf32>
        %mul3A_844 = arith.constant 11.3137083 : f32
        %mul3A_845 = vector.broadcast %mul3A_844 : f32 to vector<16xf32>
        %mul3A_846 = arith.mulf %get3A_843, %mul3A_845 : vector<16xf32>
        %add3A_847 = arith.addf %mul3A_846, %get3A_63 : vector<16xf32>
        %swap3A_848 = arith.constant 0 : i32
        %swap3A_849 = arith.index_cast %add3A_779 : i32 to index
        %swap3A_850 = arith.index_cast %swap3A_848 : i32 to index
        %swap3A_851 = arith.constant 64 : index
        %swap3A_852 = tpu.vector_load %arg9[%swap3A_849, %swap3A_850, %swap3A_851] {strides = array<i32>} : memref<128x1x128xf32, #tpu.memory_space<vmem>>, vector<1x1x16xf32>,
        %swap3A_853 = vector.shape_cast %swap3A_852 : vector<1x1x16xf32> to vector<16xf32>
        %swap3A_854 = vector.shape_cast %add3A_847 : vector<16xf32> to vector<1x1x16xf32>
        tpu.vector_store %arg9[%swap3A_849, %swap3A_850, %swap3A_851], %swap3A_854 {strides = array<i32>} : memref<128x1x128xf32, #tpu.memory_space<vmem>>, vector<1x1x16xf32>,
        %get3A_855 = arith.index_cast %add3A_779 : i32 to index
        %get3A_856 = arith.constant 80 : index
        %get3A_857 = tpu.vector_load %arg7[%get3A_855, %get3A_856] {strides = array<i32>} : memref<128x128xf32, #tpu.memory_space<vmem>>, vector<1x16xf32>,
        %get3A_858 = vector.shape_cast %get3A_857 : vector<1x16xf32> to vector<16xf32>
        %mul3A_859 = arith.constant 11.3137083 : f32
        %mul3A_860 = vector.broadcast %mul3A_859 : f32 to vector<16xf32>
        %mul3A_861 = arith.mulf %get3A_858, %mul3A_860 : vector<16xf32>
        %add3A_862 = arith.addf %mul3A_861, %get3A_67 : vector<16xf32>
        %swap3A_863 = arith.constant 0 : i32
        %swap3A_864 = arith.index_cast %add3A_779 : i32 to index
        %swap3A_865 = arith.index_cast %swap3A_863 : i32 to index
        %swap3A_866 = arith.constant 80 : index
        %swap3A_867 = tpu.vector_load %arg9[%swap3A_864, %swap3A_865, %swap3A_866] {strides = array<i32>} : memref<128x1x128xf32, #tpu.memory_space<vmem>>, vector<1x1x16xf32>,
        %swap3A_868 = vector.shape_cast %swap3A_867 : vector<1x1x16xf32> to vector<16xf32>
        %swap3A_869 = vector.shape_cast %add3A_862 : vector<16xf32> to vector<1x1x16xf32>
        tpu.vector_store %arg9[%swap3A_864, %swap3A_865, %swap3A_866], %swap3A_869 {strides = array<i32>} : memref<128x1x128xf32, #tpu.memory_space<vmem>>, vector<1x1x16xf32>,
        %get3A_870 = arith.index_cast %add3A_779 : i32 to index
        %get3A_871 = arith.constant 96 : index
        %get3A_872 = tpu.vector_load %arg7[%get3A_870, %get3A_871] {strides = array<i32>} : memref<128x128xf32, #tpu.memory_space<vmem>>, vector<1x16xf32>,
        %get3A_873 = vector.shape_cast %get3A_872 : vector<1x16xf32> to vector<16xf32>
        %mul3A_874 = arith.constant 11.3137083 : f32
        %mul3A_875 = vector.broadcast %mul3A_874 : f32 to vector<16xf32>
        %mul3A_876 = arith.mulf %get3A_873, %mul3A_875 : vector<16xf32>
        %add3A_877 = arith.addf %mul3A_876, %get3A_71 : vector<16xf32>
        %swap3A_878 = arith.constant 0 : i32
        %swap3A_879 = arith.index_cast %add3A_779 : i32 to index
        %swap3A_880 = arith.index_cast %swap3A_878 : i32 to index
        %swap3A_881 = arith.constant 96 : index
        %swap3A_882 = tpu.vector_load %arg9[%swap3A_879, %swap3A_880, %swap3A_881] {strides = array<i32>} : memref<128x1x128xf32, #tpu.memory_space<vmem>>, vector<1x1x16xf32>,
        %swap3A_883 = vector.shape_cast %swap3A_882 : vector<1x1x16xf32> to vector<16xf32>
        %swap3A_884 = vector.shape_cast %add3A_877 : vector<16xf32> to vector<1x1x16xf32>
        tpu.vector_store %arg9[%swap3A_879, %swap3A_880, %swap3A_881], %swap3A_884 {strides = array<i32>} : memref<128x1x128xf32, #tpu.memory_space<vmem>>, vector<1x1x16xf32>,
        %get3A_885 = arith.index_cast %add3A_779 : i32 to index
        %get3A_886 = arith.constant 112 : index
        %get3A_887 = tpu.vector_load %arg7[%get3A_885, %get3A_886] {strides = array<i32>} : memref<128x128xf32, #tpu.memory_space<vmem>>, vector<1x16xf32>,
        %get3A_888 = vector.shape_cast %get3A_887 : vector<1x16xf32> to vector<16xf32>
        %mul3A_889 = arith.constant 11.3137083 : f32
        %mul3A_890 = vector.broadcast %mul3A_889 : f32 to vector<16xf32>
        %mul3A_891 = arith.mulf %get3A_888, %mul3A_890 : vector<16xf32>
        %add3A_892 = arith.addf %mul3A_891, %get3A_75 : vector<16xf32>
        %swap3A_893 = arith.constant 0 : i32
        %swap3A_894 = arith.index_cast %add3A_779 : i32 to index
        %swap3A_895 = arith.index_cast %swap3A_893 : i32 to index
        %swap3A_896 = arith.constant 112 : index
        %swap3A_897 = tpu.vector_load %arg9[%swap3A_894, %swap3A_895, %swap3A_896] {strides = array<i32>} : memref<128x1x128xf32, #tpu.memory_space<vmem>>, vector<1x1x16xf32>,
        %swap3A_898 = vector.shape_cast %swap3A_897 : vector<1x1x16xf32> to vector<16xf32>
        %swap3A_899 = vector.shape_cast %add3A_892 : vector<16xf32> to vector<1x1x16xf32>
        tpu.vector_store %arg9[%swap3A_894, %swap3A_895, %swap3A_896], %swap3A_899 {strides = array<i32>} : memref<128x1x128xf32, #tpu.memory_space<vmem>>, vector<1x1x16xf32>,
        %mul3A_900 = arith.constant 8 : i32
        %mul3A_901 = arith.muli %scan3A_156, %mul3A_900 : i32
        %add3A_902 = arith.constant 6 : i32
        %add3A_903 = arith.addi %mul3A_901, %add3A_902 : i32
        %get3A_904 = arith.index_cast %add3A_903 : i32 to index
        %get3A_905 = arith.constant 0 : index
        %get3A_906 = tpu.vector_load %arg7[%get3A_904, %get3A_905] {strides = array<i32>} : memref<128x128xf32, #tpu.memory_space<vmem>>, vector<1x16xf32>,
        %get3A_907 = vector.shape_cast %get3A_906 : vector<1x16xf32> to vector<16xf32>
        %mul3A_908 = arith.constant 11.3137083 : f32
        %mul3A_909 = vector.broadcast %mul3A_908 : f32 to vector<16xf32>
        %mul3A_910 = arith.mulf %get3A_907, %mul3A_909 : vector<16xf32>
        %add3A_911 = arith.addf %mul3A_910, %get3A_47 : vector<16xf32>
        %swap3A_912 = arith.constant 0 : i32
        %swap3A_913 = arith.index_cast %add3A_903 : i32 to index
        %swap3A_914 = arith.index_cast %swap3A_912 : i32 to index
        %swap3A_915 = arith.constant 0 : index
        %swap3A_916 = tpu.vector_load %arg9[%swap3A_913, %swap3A_914, %swap3A_915] {strides = array<i32>} : memref<128x1x128xf32, #tpu.memory_space<vmem>>, vector<1x1x16xf32>,
        %swap3A_917 = vector.shape_cast %swap3A_916 : vector<1x1x16xf32> to vector<16xf32>
        %swap3A_918 = vector.shape_cast %add3A_911 : vector<16xf32> to vector<1x1x16xf32>
        tpu.vector_store %arg9[%swap3A_913, %swap3A_914, %swap3A_915], %swap3A_918 {strides = array<i32>} : memref<128x1x128xf32, #tpu.memory_space<vmem>>, vector<1x1x16xf32>,
        %get3A_919 = arith.index_cast %add3A_903 : i32 to index
        %get3A_920 = arith.constant 16 : index
        %get3A_921 = tpu.vector_load %arg7[%get3A_919, %get3A_920] {strides = array<i32>} : memref<128x128xf32, #tpu.memory_space<vmem>>, vector<1x16xf32>,
        %get3A_922 = vector.shape_cast %get3A_921 : vector<1x16xf32> to vector<16xf32>
        %mul3A_923 = arith.constant 11.3137083 : f32
        %mul3A_924 = vector.broadcast %mul3A_923 : f32 to vector<16xf32>
        %mul3A_925 = arith.mulf %get3A_922, %mul3A_924 : vector<16xf32>
        %add3A_926 = arith.addf %mul3A_925, %get3A_51 : vector<16xf32>
        %swap3A_927 = arith.constant 0 : i32
        %swap3A_928 = arith.index_cast %add3A_903 : i32 to index
        %swap3A_929 = arith.index_cast %swap3A_927 : i32 to index
        %swap3A_930 = arith.constant 16 : index
        %swap3A_931 = tpu.vector_load %arg9[%swap3A_928, %swap3A_929, %swap3A_930] {strides = array<i32>} : memref<128x1x128xf32, #tpu.memory_space<vmem>>, vector<1x1x16xf32>,
        %swap3A_932 = vector.shape_cast %swap3A_931 : vector<1x1x16xf32> to vector<16xf32>
        %swap3A_933 = vector.shape_cast %add3A_926 : vector<16xf32> to vector<1x1x16xf32>
        tpu.vector_store %arg9[%swap3A_928, %swap3A_929, %swap3A_930], %swap3A_933 {strides = array<i32>} : memref<128x1x128xf32, #tpu.memory_space<vmem>>, vector<1x1x16xf32>,
        %get3A_934 = arith.index_cast %add3A_903 : i32 to index
        %get3A_935 = arith.constant 32 : index
        %get3A_936 = tpu.vector_load %arg7[%get3A_934, %get3A_935] {strides = array<i32>} : memref<128x128xf32, #tpu.memory_space<vmem>>, vector<1x16xf32>,
        %get3A_937 = vector.shape_cast %get3A_936 : vector<1x16xf32> to vector<16xf32>
        %mul3A_938 = arith.constant 11.3137083 : f32
        %mul3A_939 = vector.broadcast %mul3A_938 : f32 to vector<16xf32>
        %mul3A_940 = arith.mulf %get3A_937, %mul3A_939 : vector<16xf32>
        %add3A_941 = arith.addf %mul3A_940, %get3A_55 : vector<16xf32>
        %swap3A_942 = arith.constant 0 : i32
        %swap3A_943 = arith.index_cast %add3A_903 : i32 to index
        %swap3A_944 = arith.index_cast %swap3A_942 : i32 to index
        %swap3A_945 = arith.constant 32 : index
        %swap3A_946 = tpu.vector_load %arg9[%swap3A_943, %swap3A_944, %swap3A_945] {strides = array<i32>} : memref<128x1x128xf32, #tpu.memory_space<vmem>>, vector<1x1x16xf32>,
        %swap3A_947 = vector.shape_cast %swap3A_946 : vector<1x1x16xf32> to vector<16xf32>
        %swap3A_948 = vector.shape_cast %add3A_941 : vector<16xf32> to vector<1x1x16xf32>
        tpu.vector_store %arg9[%swap3A_943, %swap3A_944, %swap3A_945], %swap3A_948 {strides = array<i32>} : memref<128x1x128xf32, #tpu.memory_space<vmem>>, vector<1x1x16xf32>,
        %get3A_949 = arith.index_cast %add3A_903 : i32 to index
        %get3A_950 = arith.constant 48 : index
        %get3A_951 = tpu.vector_load %arg7[%get3A_949, %get3A_950] {strides = array<i32>} : memref<128x128xf32, #tpu.memory_space<vmem>>, vector<1x16xf32>,
        %get3A_952 = vector.shape_cast %get3A_951 : vector<1x16xf32> to vector<16xf32>
        %mul3A_953 = arith.constant 11.3137083 : f32
        %mul3A_954 = vector.broadcast %mul3A_953 : f32 to vector<16xf32>
        %mul3A_955 = arith.mulf %get3A_952, %mul3A_954 : vector<16xf32>
        %add3A_956 = arith.addf %mul3A_955, %get3A_59 : vector<16xf32>
        %swap3A_957 = arith.constant 0 : i32
        %swap3A_958 = arith.index_cast %add3A_903 : i32 to index
        %swap3A_959 = arith.index_cast %swap3A_957 : i32 to index
        %swap3A_960 = arith.constant 48 : index
        %swap3A_961 = tpu.vector_load %arg9[%swap3A_958, %swap3A_959, %swap3A_960] {strides = array<i32>} : memref<128x1x128xf32, #tpu.memory_space<vmem>>, vector<1x1x16xf32>,
        %swap3A_962 = vector.shape_cast %swap3A_961 : vector<1x1x16xf32> to vector<16xf32>
        %swap3A_963 = vector.shape_cast %add3A_956 : vector<16xf32> to vector<1x1x16xf32>
        tpu.vector_store %arg9[%swap3A_958, %swap3A_959, %swap3A_960], %swap3A_963 {strides = array<i32>} : memref<128x1x128xf32, #tpu.memory_space<vmem>>, vector<1x1x16xf32>,
        %get3A_964 = arith.index_cast %add3A_903 : i32 to index
        %get3A_965 = arith.constant 64 : index
        %get3A_966 = tpu.vector_load %arg7[%get3A_964, %get3A_965] {strides = array<i32>} : memref<128x128xf32, #tpu.memory_space<vmem>>, vector<1x16xf32>,
        %get3A_967 = vector.shape_cast %get3A_966 : vector<1x16xf32> to vector<16xf32>
        %mul3A_968 = arith.constant 11.3137083 : f32
        %mul3A_969 = vector.broadcast %mul3A_968 : f32 to vector<16xf32>
        %mul3A_970 = arith.mulf %get3A_967, %mul3A_969 : vector<16xf32>
        %add3A_971 = arith.addf %mul3A_970, %get3A_63 : vector<16xf32>
        %swap3A_972 = arith.constant 0 : i32
        %swap3A_973 = arith.index_cast %add3A_903 : i32 to index
        %swap3A_974 = arith.index_cast %swap3A_972 : i32 to index
        %swap3A_975 = arith.constant 64 : index
        %swap3A_976 = tpu.vector_load %arg9[%swap3A_973, %swap3A_974, %swap3A_975] {strides = array<i32>} : memref<128x1x128xf32, #tpu.memory_space<vmem>>, vector<1x1x16xf32>,
        %swap3A_977 = vector.shape_cast %swap3A_976 : vector<1x1x16xf32> to vector<16xf32>
        %swap3A_978 = vector.shape_cast %add3A_971 : vector<16xf32> to vector<1x1x16xf32>
        tpu.vector_store %arg9[%swap3A_973, %swap3A_974, %swap3A_975], %swap3A_978 {strides = array<i32>} : memref<128x1x128xf32, #tpu.memory_space<vmem>>, vector<1x1x16xf32>,
        %get3A_979 = arith.index_cast %add3A_903 : i32 to index
        %get3A_980 = arith.constant 80 : index
        %get3A_981 = tpu.vector_load %arg7[%get3A_979, %get3A_980] {strides = array<i32>} : memref<128x128xf32, #tpu.memory_space<vmem>>, vector<1x16xf32>,
        %get3A_982 = vector.shape_cast %get3A_981 : vector<1x16xf32> to vector<16xf32>
        %mul3A_983 = arith.constant 11.3137083 : f32
        %mul3A_984 = vector.broadcast %mul3A_983 : f32 to vector<16xf32>
        %mul3A_985 = arith.mulf %get3A_982, %mul3A_984 : vector<16xf32>
        %add3A_986 = arith.addf %mul3A_985, %get3A_67 : vector<16xf32>
        %swap3A_987 = arith.constant 0 : i32
        %swap3A_988 = arith.index_cast %add3A_903 : i32 to index
        %swap3A_989 = arith.index_cast %swap3A_987 : i32 to index
        %swap3A_990 = arith.constant 80 : index
        %swap3A_991 = tpu.vector_load %arg9[%swap3A_988, %swap3A_989, %swap3A_990] {strides = array<i32>} : memref<128x1x128xf32, #tpu.memory_space<vmem>>, vector<1x1x16xf32>,
        %swap3A_992 = vector.shape_cast %swap3A_991 : vector<1x1x16xf32> to vector<16xf32>
        %swap3A_993 = vector.shape_cast %add3A_986 : vector<16xf32> to vector<1x1x16xf32>
        tpu.vector_store %arg9[%swap3A_988, %swap3A_989, %swap3A_990], %swap3A_993 {strides = array<i32>} : memref<128x1x128xf32, #tpu.memory_space<vmem>>, vector<1x1x16xf32>,
        %get3A_994 = arith.index_cast %add3A_903 : i32 to index
        %get3A_995 = arith.constant 96 : index
        %get3A_996 = tpu.vector_load %arg7[%get3A_994, %get3A_995] {strides = array<i32>} : memref<128x128xf32, #tpu.memory_space<vmem>>, vector<1x16xf32>,
        %get3A_997 = vector.shape_cast %get3A_996 : vector<1x16xf32> to vector<16xf32>
        %mul3A_998 = arith.constant 11.3137083 : f32
        %mul3A_999 = vector.broadcast %mul3A_998 : f32 to vector<16xf32>
        %mul3A_1000 = arith.mulf %get3A_997, %mul3A_999 : vector<16xf32>
        %add3A_1001 = arith.addf %mul3A_1000, %get3A_71 : vector<16xf32>
        %swap3A_1002 = arith.constant 0 : i32
        %swap3A_1003 = arith.index_cast %add3A_903 : i32 to index
        %swap3A_1004 = arith.index_cast %swap3A_1002 : i32 to index
        %swap3A_1005 = arith.constant 96 : index
        %swap3A_1006 = tpu.vector_load %arg9[%swap3A_1003, %swap3A_1004, %swap3A_1005] {strides = array<i32>} : memref<128x1x128xf32, #tpu.memory_space<vmem>>, vector<1x1x16xf32>,
        %swap3A_1007 = vector.shape_cast %swap3A_1006 : vector<1x1x16xf32> to vector<16xf32>
        %swap3A_1008 = vector.shape_cast %add3A_1001 : vector<16xf32> to vector<1x1x16xf32>
        tpu.vector_store %arg9[%swap3A_1003, %swap3A_1004, %swap3A_1005], %swap3A_1008 {strides = array<i32>} : memref<128x1x128xf32, #tpu.memory_space<vmem>>, vector<1x1x16xf32>,
        %get3A_1009 = arith.index_cast %add3A_903 : i32 to index
        %get3A_1010 = arith.constant 112 : index
        %get3A_1011 = tpu.vector_load %arg7[%get3A_1009, %get3A_1010] {strides = array<i32>} : memref<128x128xf32, #tpu.memory_space<vmem>>, vector<1x16xf32>,
        %get3A_1012 = vector.shape_cast %get3A_1011 : vector<1x16xf32> to vector<16xf32>
        %mul3A_1013 = arith.constant 11.3137083 : f32
        %mul3A_1014 = vector.broadcast %mul3A_1013 : f32 to vector<16xf32>
        %mul3A_1015 = arith.mulf %get3A_1012, %mul3A_1014 : vector<16xf32>
        %add3A_1016 = arith.addf %mul3A_1015, %get3A_75 : vector<16xf32>
        %swap3A_1017 = arith.constant 0 : i32
        %swap3A_1018 = arith.index_cast %add3A_903 : i32 to index
        %swap3A_1019 = arith.index_cast %swap3A_1017 : i32 to index
        %swap3A_1020 = arith.constant 112 : index
        %swap3A_1021 = tpu.vector_load %arg9[%swap3A_1018, %swap3A_1019, %swap3A_1020] {strides = array<i32>} : memref<128x1x128xf32, #tpu.memory_space<vmem>>, vector<1x1x16xf32>,
        %swap3A_1022 = vector.shape_cast %swap3A_1021 : vector<1x1x16xf32> to vector<16xf32>
        %swap3A_1023 = vector.shape_cast %add3A_1016 : vector<16xf32> to vector<1x1x16xf32>
        tpu.vector_store %arg9[%swap3A_1018, %swap3A_1019, %swap3A_1020], %swap3A_1023 {strides = array<i32>} : memref<128x1x128xf32, #tpu.memory_space<vmem>>, vector<1x1x16xf32>,
        %mul3A_1024 = arith.constant 8 : i32
        %mul3A_1025 = arith.muli %scan3A_156, %mul3A_1024 : i32
        %add3A_1026 = arith.constant 7 : i32
        %add3A_1027 = arith.addi %mul3A_1025, %add3A_1026 : i32
        %get3A_1028 = arith.index_cast %add3A_1027 : i32 to index
        %get3A_1029 = arith.constant 0 : index
        %get3A_1030 = tpu.vector_load %arg7[%get3A_1028, %get3A_1029] {strides = array<i32>} : memref<128x128xf32, #tpu.memory_space<vmem>>, vector<1x16xf32>,
        %get3A_1031 = vector.shape_cast %get3A_1030 : vector<1x16xf32> to vector<16xf32>
        %mul3A_1032 = arith.constant 11.3137083 : f32
        %mul3A_1033 = vector.broadcast %mul3A_1032 : f32 to vector<16xf32>
        %mul3A_1034 = arith.mulf %get3A_1031, %mul3A_1033 : vector<16xf32>
        %add3A_1035 = arith.addf %mul3A_1034, %get3A_47 : vector<16xf32>
        %swap3A_1036 = arith.constant 0 : i32
        %swap3A_1037 = arith.index_cast %add3A_1027 : i32 to index
        %swap3A_1038 = arith.index_cast %swap3A_1036 : i32 to index
        %swap3A_1039 = arith.constant 0 : index
        %swap3A_1040 = tpu.vector_load %arg9[%swap3A_1037, %swap3A_1038, %swap3A_1039] {strides = array<i32>} : memref<128x1x128xf32, #tpu.memory_space<vmem>>, vector<1x1x16xf32>,
        %swap3A_1041 = vector.shape_cast %swap3A_1040 : vector<1x1x16xf32> to vector<16xf32>
        %swap3A_1042 = vector.shape_cast %add3A_1035 : vector<16xf32> to vector<1x1x16xf32>
        tpu.vector_store %arg9[%swap3A_1037, %swap3A_1038, %swap3A_1039], %swap3A_1042 {strides = array<i32>} : memref<128x1x128xf32, #tpu.memory_space<vmem>>, vector<1x1x16xf32>,
        %get3A_1043 = arith.index_cast %add3A_1027 : i32 to index
        %get3A_1044 = arith.constant 16 : index
        %get3A_1045 = tpu.vector_load %arg7[%get3A_1043, %get3A_1044] {strides = array<i32>} : memref<128x128xf32, #tpu.memory_space<vmem>>, vector<1x16xf32>,
        %get3A_1046 = vector.shape_cast %get3A_1045 : vector<1x16xf32> to vector<16xf32>
        %mul3A_1047 = arith.constant 11.3137083 : f32
        %mul3A_1048 = vector.broadcast %mul3A_1047 : f32 to vector<16xf32>
        %mul3A_1049 = arith.mulf %get3A_1046, %mul3A_1048 : vector<16xf32>
        %add3A_1050 = arith.addf %mul3A_1049, %get3A_51 : vector<16xf32>
        %swap3A_1051 = arith.constant 0 : i32
        %swap3A_1052 = arith.index_cast %add3A_1027 : i32 to index
        %swap3A_1053 = arith.index_cast %swap3A_1051 : i32 to index
        %swap3A_1054 = arith.constant 16 : index
        %swap3A_1055 = tpu.vector_load %arg9[%swap3A_1052, %swap3A_1053, %swap3A_1054] {strides = array<i32>} : memref<128x1x128xf32, #tpu.memory_space<vmem>>, vector<1x1x16xf32>,
        %swap3A_1056 = vector.shape_cast %swap3A_1055 : vector<1x1x16xf32> to vector<16xf32>
        %swap3A_1057 = vector.shape_cast %add3A_1050 : vector<16xf32> to vector<1x1x16xf32>
        tpu.vector_store %arg9[%swap3A_1052, %swap3A_1053, %swap3A_1054], %swap3A_1057 {strides = array<i32>} : memref<128x1x128xf32, #tpu.memory_space<vmem>>, vector<1x1x16xf32>,
        %get3A_1058 = arith.index_cast %add3A_1027 : i32 to index
        %get3A_1059 = arith.constant 32 : index
        %get3A_1060 = tpu.vector_load %arg7[%get3A_1058, %get3A_1059] {strides = array<i32>} : memref<128x128xf32, #tpu.memory_space<vmem>>, vector<1x16xf32>,
        %get3A_1061 = vector.shape_cast %get3A_1060 : vector<1x16xf32> to vector<16xf32>
        %mul3A_1062 = arith.constant 11.3137083 : f32
        %mul3A_1063 = vector.broadcast %mul3A_1062 : f32 to vector<16xf32>
        %mul3A_1064 = arith.mulf %get3A_1061, %mul3A_1063 : vector<16xf32>
        %add3A_1065 = arith.addf %mul3A_1064, %get3A_55 : vector<16xf32>
        %swap3A_1066 = arith.constant 0 : i32
        %swap3A_1067 = arith.index_cast %add3A_1027 : i32 to index
        %swap3A_1068 = arith.index_cast %swap3A_1066 : i32 to index
        %swap3A_1069 = arith.constant 32 : index
        %swap3A_1070 = tpu.vector_load %arg9[%swap3A_1067, %swap3A_1068, %swap3A_1069] {strides = array<i32>} : memref<128x1x128xf32, #tpu.memory_space<vmem>>, vector<1x1x16xf32>,
        %swap3A_1071 = vector.shape_cast %swap3A_1070 : vector<1x1x16xf32> to vector<16xf32>
        %swap3A_1072 = vector.shape_cast %add3A_1065 : vector<16xf32> to vector<1x1x16xf32>
        tpu.vector_store %arg9[%swap3A_1067, %swap3A_1068, %swap3A_1069], %swap3A_1072 {strides = array<i32>} : memref<128x1x128xf32, #tpu.memory_space<vmem>>, vector<1x1x16xf32>,
        %get3A_1073 = arith.index_cast %add3A_1027 : i32 to index
        %get3A_1074 = arith.constant 48 : index
        %get3A_1075 = tpu.vector_load %arg7[%get3A_1073, %get3A_1074] {strides = array<i32>} : memref<128x128xf32, #tpu.memory_space<vmem>>, vector<1x16xf32>,
        %get3A_1076 = vector.shape_cast %get3A_1075 : vector<1x16xf32> to vector<16xf32>
        %mul3A_1077 = arith.constant 11.3137083 : f32
        %mul3A_1078 = vector.broadcast %mul3A_1077 : f32 to vector<16xf32>
        %mul3A_1079 = arith.mulf %get3A_1076, %mul3A_1078 : vector<16xf32>
        %add3A_1080 = arith.addf %mul3A_1079, %get3A_59 : vector<16xf32>
        %swap3A_1081 = arith.constant 0 : i32
        %swap3A_1082 = arith.index_cast %add3A_1027 : i32 to index
        %swap3A_1083 = arith.index_cast %swap3A_1081 : i32 to index
        %swap3A_1084 = arith.constant 48 : index
        %swap3A_1085 = tpu.vector_load %arg9[%swap3A_1082, %swap3A_1083, %swap3A_1084] {strides = array<i32>} : memref<128x1x128xf32, #tpu.memory_space<vmem>>, vector<1x1x16xf32>,
        %swap3A_1086 = vector.shape_cast %swap3A_1085 : vector<1x1x16xf32> to vector<16xf32>
        %swap3A_1087 = vector.shape_cast %add3A_1080 : vector<16xf32> to vector<1x1x16xf32>
        tpu.vector_store %arg9[%swap3A_1082, %swap3A_1083, %swap3A_1084], %swap3A_1087 {strides = array<i32>} : memref<128x1x128xf32, #tpu.memory_space<vmem>>, vector<1x1x16xf32>,
        %get3A_1088 = arith.index_cast %add3A_1027 : i32 to index
        %get3A_1089 = arith.constant 64 : index
        %get3A_1090 = tpu.vector_load %arg7[%get3A_1088, %get3A_1089] {strides = array<i32>} : memref<128x128xf32, #tpu.memory_space<vmem>>, vector<1x16xf32>,
        %get3A_1091 = vector.shape_cast %get3A_1090 : vector<1x16xf32> to vector<16xf32>
        %mul3A_1092 = arith.constant 11.3137083 : f32
        %mul3A_1093 = vector.broadcast %mul3A_1092 : f32 to vector<16xf32>
        %mul3A_1094 = arith.mulf %get3A_1091, %mul3A_1093 : vector<16xf32>
        %add3A_1095 = arith.addf %mul3A_1094, %get3A_63 : vector<16xf32>
        %swap3A_1096 = arith.constant 0 : i32
        %swap3A_1097 = arith.index_cast %add3A_1027 : i32 to index
        %swap3A_1098 = arith.index_cast %swap3A_1096 : i32 to index
        %swap3A_1099 = arith.constant 64 : index
        %swap3A_1100 = tpu.vector_load %arg9[%swap3A_1097, %swap3A_1098, %swap3A_1099] {strides = array<i32>} : memref<128x1x128xf32, #tpu.memory_space<vmem>>, vector<1x1x16xf32>,
        %swap3A_1101 = vector.shape_cast %swap3A_1100 : vector<1x1x16xf32> to vector<16xf32>
        %swap3A_1102 = vector.shape_cast %add3A_1095 : vector<16xf32> to vector<1x1x16xf32>
        tpu.vector_store %arg9[%swap3A_1097, %swap3A_1098, %swap3A_1099], %swap3A_1102 {strides = array<i32>} : memref<128x1x128xf32, #tpu.memory_space<vmem>>, vector<1x1x16xf32>,
        %get3A_1103 = arith.index_cast %add3A_1027 : i32 to index
        %get3A_1104 = arith.constant 80 : index
        %get3A_1105 = tpu.vector_load %arg7[%get3A_1103, %get3A_1104] {strides = array<i32>} : memref<128x128xf32, #tpu.memory_space<vmem>>, vector<1x16xf32>,
        %get3A_1106 = vector.shape_cast %get3A_1105 : vector<1x16xf32> to vector<16xf32>
        %mul3A_1107 = arith.constant 11.3137083 : f32
        %mul3A_1108 = vector.broadcast %mul3A_1107 : f32 to vector<16xf32>
        %mul3A_1109 = arith.mulf %get3A_1106, %mul3A_1108 : vector<16xf32>
        %add3A_1110 = arith.addf %mul3A_1109, %get3A_67 : vector<16xf32>
        %swap3A_1111 = arith.constant 0 : i32
        %swap3A_1112 = arith.index_cast %add3A_1027 : i32 to index
        %swap3A_1113 = arith.index_cast %swap3A_1111 : i32 to index
        %swap3A_1114 = arith.constant 80 : index
        %swap3A_1115 = tpu.vector_load %arg9[%swap3A_1112, %swap3A_1113, %swap3A_1114] {strides = array<i32>} : memref<128x1x128xf32, #tpu.memory_space<vmem>>, vector<1x1x16xf32>,
        %swap3A_1116 = vector.shape_cast %swap3A_1115 : vector<1x1x16xf32> to vector<16xf32>
        %swap3A_1117 = vector.shape_cast %add3A_1110 : vector<16xf32> to vector<1x1x16xf32>
        tpu.vector_store %arg9[%swap3A_1112, %swap3A_1113, %swap3A_1114], %swap3A_1117 {strides = array<i32>} : memref<128x1x128xf32, #tpu.memory_space<vmem>>, vector<1x1x16xf32>,
        %get3A_1118 = arith.index_cast %add3A_1027 : i32 to index
        %get3A_1119 = arith.constant 96 : index
        %get3A_1120 = tpu.vector_load %arg7[%get3A_1118, %get3A_1119] {strides = array<i32>} : memref<128x128xf32, #tpu.memory_space<vmem>>, vector<1x16xf32>,
        %get3A_1121 = vector.shape_cast %get3A_1120 : vector<1x16xf32> to vector<16xf32>
        %mul3A_1122 = arith.constant 11.3137083 : f32
        %mul3A_1123 = vector.broadcast %mul3A_1122 : f32 to vector<16xf32>
        %mul3A_1124 = arith.mulf %get3A_1121, %mul3A_1123 : vector<16xf32>
        %add3A_1125 = arith.addf %mul3A_1124, %get3A_71 : vector<16xf32>
        %swap3A_1126 = arith.constant 0 : i32
        %swap3A_1127 = arith.index_cast %add3A_1027 : i32 to index
        %swap3A_1128 = arith.index_cast %swap3A_1126 : i32 to index
        %swap3A_1129 = arith.constant 96 : index
        %swap3A_1130 = tpu.vector_load %arg9[%swap3A_1127, %swap3A_1128, %swap3A_1129] {strides = array<i32>} : memref<128x1x128xf32, #tpu.memory_space<vmem>>, vector<1x1x16xf32>,
        %swap3A_1131 = vector.shape_cast %swap3A_1130 : vector<1x1x16xf32> to vector<16xf32>
        %swap3A_1132 = vector.shape_cast %add3A_1125 : vector<16xf32> to vector<1x1x16xf32>
        tpu.vector_store %arg9[%swap3A_1127, %swap3A_1128, %swap3A_1129], %swap3A_1132 {strides = array<i32>} : memref<128x1x128xf32, #tpu.memory_space<vmem>>, vector<1x1x16xf32>,
        %get3A_1133 = arith.index_cast %add3A_1027 : i32 to index
        %get3A_1134 = arith.constant 112 : index
        %get3A_1135 = tpu.vector_load %arg7[%get3A_1133, %get3A_1134] {strides = array<i32>} : memref<128x128xf32, #tpu.memory_space<vmem>>, vector<1x16xf32>,
        %get3A_1136 = vector.shape_cast %get3A_1135 : vector<1x16xf32> to vector<16xf32>
        %mul3A_1137 = arith.constant 11.3137083 : f32
        %mul3A_1138 = vector.broadcast %mul3A_1137 : f32 to vector<16xf32>
        %mul3A_1139 = arith.mulf %get3A_1136, %mul3A_1138 : vector<16xf32>
        %add3A_1140 = arith.addf %mul3A_1139, %get3A_75 : vector<16xf32>
        %swap3A_1141 = arith.constant 0 : i32
        %swap3A_1142 = arith.index_cast %add3A_1027 : i32 to index
        %swap3A_1143 = arith.index_cast %swap3A_1141 : i32 to index
        %swap3A_1144 = arith.constant 112 : index
        %swap3A_1145 = tpu.vector_load %arg9[%swap3A_1142, %swap3A_1143, %swap3A_1144] {strides = array<i32>} : memref<128x1x128xf32, #tpu.memory_space<vmem>>, vector<1x1x16xf32>,
        %swap3A_1146 = vector.shape_cast %swap3A_1145 : vector<1x1x16xf32> to vector<16xf32>
        %swap3A_1147 = vector.shape_cast %add3A_1140 : vector<16xf32> to vector<1x1x16xf32>
        tpu.vector_store %arg9[%swap3A_1142, %swap3A_1143, %swap3A_1144], %swap3A_1147 {strides = array<i32>} : memref<128x1x128xf32, #tpu.memory_space<vmem>>, vector<1x1x16xf32>,
      }
      %scan3A_81 = arith.constant 16 : i32
      %dma_start3A_82 = arith.constant 0 : i32
      %dma_start3A_83 = tpu.memref_slice %arg5[%mul3A_2, %add3A_36, %dma_start3A_82] : memref<4096x200x128xf32, #tpu.memory_space<hbm>> -> memref<128x1x128xf32, #tpu.memory_space<hbm>>
      %dma_start3A_84 = arith.constant 0 : i32
      %dma_start3A_85 = tpu.memref_slice %arg5[%mul3A_2, %add3A_36, %dma_start3A_84] : memref<4096x200x128xf32, #tpu.memory_space<hbm>> -> memref<128x1x128xf32, #tpu.memory_space<hbm>>
      tpu.enqueue_dma source(%arg9 : memref<128x1x128xf32, #tpu.memory_space<vmem>>) target(%dma_start3A_85 : memref<128x1x128xf32, #tpu.memory_space<hbm>>) target_semaphore(%arg14 : memref<!tpu.dma_semaphore, #tpu.memory_space<semaphore_mem>>)
      %add3A_86 = arith.constant 2 : i32
      %add3A_87 = arith.addi %add3A_36, %add3A_86 : i32
      %lt3A = arith.constant 200 : i32
      %lt3A_88 = arith.cmpi slt, %add3A_87, %lt3A : i32
      %convert_element_type3A_89 = arith.extui %lt3A_88 : i1 to i32
      %cond3A_90 = arith.constant 0 : i32
      %cond3A_91 = arith.cmpi ne, %convert_element_type3A_89, %cond3A_90 : i32
      scf.if %cond3A_91 {
        %add3A_156 = arith.constant 2 : i32
        %add3A_157 = arith.addi %add3A_36, %add3A_156 : i32
        %dma_start3A_158 = arith.constant 0 : i32
        %dma_start3A_159 = tpu.memref_slice %arg6[%add3A_157, %dma_start3A_158] : memref<200x128xi32, #tpu.memory_space<vmem>> -> memref<1x128xi32, #tpu.memory_space<vmem>>
        %dma_start3A_160 = tpu.memref_squeeze %dma_start3A_159 : memref<1x128xi32, #tpu.memory_space<vmem>> -> memref<128xi32, #tpu.memory_space<vmem>>
        %dma_start3A_161 = arith.constant 0 : i32
        %dma_start3A_162 = arith.constant 0 : i32
        %dma_start3A_163 = tpu.memref_slice %arg2[%dma_start3A_161, %dma_start3A_162] : memref<1000000x128xf32, #tpu.memory_space<hbm>> -> memref<1000000x128xf32, #tpu.memory_space<hbm>>
        tpu.enqueue_indirect_dma source(%dma_start3A_163 : memref<1000000x128xf32, #tpu.memory_space<hbm>>) target(%arg7 : memref<128x128xf32, #tpu.memory_space<vmem>>) offsets(%dma_start3A_160 : memref<128xi32, #tpu.memory_space<vmem>>) semaphore(%arg12 : memref<!tpu.dma_semaphore, #tpu.memory_space<semaphore_mem>>)
      } else {
      }
      %mul3A_92 = arith.constant 2 : i32
      %mul3A_93 = arith.muli %scan3A_32, %mul3A_92 : i32
      %add3A_94 = arith.constant 1 : i32
      %add3A_95 = arith.addi %mul3A_93, %add3A_94 : i32
      %dma_wait3A_96 = arith.constant 0 : i32
      %dma_wait3A_97 = tpu.memref_slice %arg6[%add3A_95, %dma_wait3A_96] : memref<200x128xi32, #tpu.memory_space<vmem>> -> memref<1x128xi32, #tpu.memory_space<vmem>>
      %dma_wait3A_98 = tpu.memref_squeeze %dma_wait3A_97 : memref<1x128xi32, #tpu.memory_space<vmem>> -> memref<128xi32, #tpu.memory_space<vmem>>
      %dma_wait3A_99 = arith.constant 0 : i32
      %dma_wait3A_100 = arith.constant 0 : i32
      %dma_wait3A_101 = tpu.memref_slice %arg2[%dma_wait3A_99, %dma_wait3A_100] : memref<1000000x128xf32, #tpu.memory_space<hbm>> -> memref<1000000x128xf32, #tpu.memory_space<hbm>>
      tpu.wait_indirect_dma semaphore(%arg13 : memref<!tpu.dma_semaphore, #tpu.memory_space<semaphore_mem>>) src(%dma_wait3A_101 : memref<1000000x128xf32, #tpu.memory_space<hbm>>) dst(%arg8 : memref<128x128xf32, #tpu.memory_space<vmem>>)
      %ge3A_102 = arith.constant 2 : i32
      %ge3A_103 = arith.cmpi sge, %add3A_95, %ge3A_102 : i32
      %convert_element_type3A_104 = arith.extui %ge3A_103 : i1 to i32
      %cond3A_105 = arith.constant 0 : i32
      %cond3A_106 = arith.cmpi ne, %convert_element_type3A_104, %cond3A_105 : i32
      scf.if %cond3A_106 {
        %sub3A = arith.constant 2 : i32
        %sub3A_156 = arith.subi %add3A_95, %sub3A : i32
        %dma_wait3A_157 = arith.constant 0 : i32
        %dma_wait3A_158 = tpu.memref_slice %arg5[%mul3A_2, %sub3A_156, %dma_wait3A_157] : memref<4096x200x128xf32, #tpu.memory_space<hbm>> -> memref<128x1x128xf32, #tpu.memory_space<hbm>>
        %dma_wait3A_159 = arith.constant 0 : i32
        %dma_wait3A_160 = tpu.memref_slice %arg5[%mul3A_2, %sub3A_156, %dma_wait3A_159] : memref<4096x200x128xf32, #tpu.memory_space<hbm>> -> memref<128x1x128xf32, #tpu.memory_space<hbm>>
        tpu.wait_dma2 semaphore(%arg15 : memref<!tpu.dma_semaphore, #tpu.memory_space<semaphore_mem>>) src(%arg10 : memref<128x1x128xf32, #tpu.memory_space<vmem>>) dst(%dma_wait3A_160 : memref<128x1x128xf32, #tpu.memory_space<hbm>>)
      } else {
      }
      %get3A_107 = arith.index_cast %add3A_95 : i32 to index
      %get3A_108 = arith.constant 0 : index
      %get3A_109 = tpu.vector_load %arg11[%get3A_107, %get3A_108] {strides = array<i32>} : memref<200x128xf32, #tpu.memory_space<vmem>>, vector<1x16xf32>,
      %get3A_110 = vector.shape_cast %get3A_109 : vector<1x16xf32> to vector<16xf32>
      %get3A_111 = arith.index_cast %add3A_95 : i32 to index
      %get3A_112 = arith.constant 16 : index
      %get3A_113 = tpu.vector_load %arg11[%get3A_111, %get3A_112] {strides = array<i32>} : memref<200x128xf32, #tpu.memory_space<vmem>>, vector<1x16xf32>,
      %get3A_114 = vector.shape_cast %get3A_113 : vector<1x16xf32> to vector<16xf32>
      %get3A_115 = arith.index_cast %add3A_95 : i32 to index
      %get3A_116 = arith.constant 32 : index
      %get3A_117 = tpu.vector_load %arg11[%get3A_115, %get3A_116] {strides = array<i32>} : memref<200x128xf32, #tpu.memory_space<vmem>>, vector<1x16xf32>,
      %get3A_118 = vector.shape_cast %get3A_117 : vector<1x16xf32> to vector<16xf32>
      %get3A_119 = arith.index_cast %add3A_95 : i32 to index
      %get3A_120 = arith.constant 48 : index
      %get3A_121 = tpu.vector_load %arg11[%get3A_119, %get3A_120] {strides = array<i32>} : memref<200x128xf32, #tpu.memory_space<vmem>>, vector<1x16xf32>,
      %get3A_122 = vector.shape_cast %get3A_121 : vector<1x16xf32> to vector<16xf32>
      %get3A_123 = arith.index_cast %add3A_95 : i32 to index
      %get3A_124 = arith.constant 64 : index
      %get3A_125 = tpu.vector_load %arg11[%get3A_123, %get3A_124] {strides = array<i32>} : memref<200x128xf32, #tpu.memory_space<vmem>>, vector<1x16xf32>,
      %get3A_126 = vector.shape_cast %get3A_125 : vector<1x16xf32> to vector<16xf32>
      %get3A_127 = arith.index_cast %add3A_95 : i32 to index
      %get3A_128 = arith.constant 80 : index
      %get3A_129 = tpu.vector_load %arg11[%get3A_127, %get3A_128] {strides = array<i32>} : memref<200x128xf32, #tpu.memory_space<vmem>>, vector<1x16xf32>,
      %get3A_130 = vector.shape_cast %get3A_129 : vector<1x16xf32> to vector<16xf32>
      %get3A_131 = arith.index_cast %add3A_95 : i32 to index
      %get3A_132 = arith.constant 96 : index
      %get3A_133 = tpu.vector_load %arg11[%get3A_131, %get3A_132] {strides = array<i32>} : memref<200x128xf32, #tpu.memory_space<vmem>>, vector<1x16xf32>,
      %get3A_134 = vector.shape_cast %get3A_133 : vector<1x16xf32> to vector<16xf32>
      %get3A_135 = arith.index_cast %add3A_95 : i32 to index
      %get3A_136 = arith.constant 112 : index
      %get3A_137 = tpu.vector_load %arg11[%get3A_135, %get3A_136] {strides = array<i32>} : memref<200x128xf32, #tpu.memory_space<vmem>>, vector<1x16xf32>,
      %get3A_138 = vector.shape_cast %get3A_137 : vector<1x16xf32> to vector<16xf32>
      %scan3A_139 = arith.constant 0 : i32
      %scan3A_140 = arith.constant 0 : i32
      %scan3A_141 = arith.constant 16 : i32
      %scan3A_142 = arith.addi %scan3A_140, %scan3A_141 : i32
      %scan3A_143 = arith.constant 1 : i32
      scf.for %scan3A_156 = %scan3A_140 to %scan3A_142 step %scan3A_143  : i32 {
        %mul3A_157 = arith.constant 8 : i32
        %mul3A_158 = arith.muli %scan3A_156, %mul3A_157 : i32
        %add3A_159 = arith.constant 0 : i32
        %add3A_160 = arith.addi %mul3A_158, %add3A_159 : i32
        %get3A_161 = arith.index_cast %add3A_160 : i32 to index
        %get3A_162 = arith.constant 0 : index
        %get3A_163 = tpu.vector_load %arg8[%get3A_161, %get3A_162] {strides = array<i32>} : memref<128x128xf32, #tpu.memory_space<vmem>>, vector<1x16xf32>,
        %get3A_164 = vector.shape_cast %get3A_163 : vector<1x16xf32> to vector<16xf32>
        %mul3A_165 = arith.constant 11.3137083 : f32
        %mul3A_166 = vector.broadcast %mul3A_165 : f32 to vector<16xf32>
        %mul3A_167 = arith.mulf %get3A_164, %mul3A_166 : vector<16xf32>
        %add3A_168 = arith.addf %mul3A_167, %get3A_110 : vector<16xf32>
        %swap3A = arith.constant 0 : i32
        %swap3A_169 = arith.index_cast %add3A_160 : i32 to index
        %swap3A_170 = arith.index_cast %swap3A : i32 to index
        %swap3A_171 = arith.constant 0 : index
        %swap3A_172 = tpu.vector_load %arg10[%swap3A_169, %swap3A_170, %swap3A_171] {strides = array<i32>} : memref<128x1x128xf32, #tpu.memory_space<vmem>>, vector<1x1x16xf32>,
        %swap3A_173 = vector.shape_cast %swap3A_172 : vector<1x1x16xf32> to vector<16xf32>
        %swap3A_174 = vector.shape_cast %add3A_168 : vector<16xf32> to vector<1x1x16xf32>
        tpu.vector_store %arg10[%swap3A_169, %swap3A_170, %swap3A_171], %swap3A_174 {strides = array<i32>} : memref<128x1x128xf32, #tpu.memory_space<vmem>>, vector<1x1x16xf32>,
        %get3A_175 = arith.index_cast %add3A_160 : i32 to index
        %get3A_176 = arith.constant 16 : index
        %get3A_177 = tpu.vector_load %arg8[%get3A_175, %get3A_176] {strides = array<i32>} : memref<128x128xf32, #tpu.memory_space<vmem>>, vector<1x16xf32>,
        %get3A_178 = vector.shape_cast %get3A_177 : vector<1x16xf32> to vector<16xf32>
        %mul3A_179 = arith.constant 11.3137083 : f32
        %mul3A_180 = vector.broadcast %mul3A_179 : f32 to vector<16xf32>
        %mul3A_181 = arith.mulf %get3A_178, %mul3A_180 : vector<16xf32>
        %add3A_182 = arith.addf %mul3A_181, %get3A_114 : vector<16xf32>
        %swap3A_183 = arith.constant 0 : i32
        %swap3A_184 = arith.index_cast %add3A_160 : i32 to index
        %swap3A_185 = arith.index_cast %swap3A_183 : i32 to index
        %swap3A_186 = arith.constant 16 : index
        %swap3A_187 = tpu.vector_load %arg10[%swap3A_184, %swap3A_185, %swap3A_186] {strides = array<i32>} : memref<128x1x128xf32, #tpu.memory_space<vmem>>, vector<1x1x16xf32>,
        %swap3A_188 = vector.shape_cast %swap3A_187 : vector<1x1x16xf32> to vector<16xf32>
        %swap3A_189 = vector.shape_cast %add3A_182 : vector<16xf32> to vector<1x1x16xf32>
        tpu.vector_store %arg10[%swap3A_184, %swap3A_185, %swap3A_186], %swap3A_189 {strides = array<i32>} : memref<128x1x128xf32, #tpu.memory_space<vmem>>, vector<1x1x16xf32>,
        %get3A_190 = arith.index_cast %add3A_160 : i32 to index
        %get3A_191 = arith.constant 32 : index
        %get3A_192 = tpu.vector_load %arg8[%get3A_190, %get3A_191] {strides = array<i32>} : memref<128x128xf32, #tpu.memory_space<vmem>>, vector<1x16xf32>,
        %get3A_193 = vector.shape_cast %get3A_192 : vector<1x16xf32> to vector<16xf32>
        %mul3A_194 = arith.constant 11.3137083 : f32
        %mul3A_195 = vector.broadcast %mul3A_194 : f32 to vector<16xf32>
        %mul3A_196 = arith.mulf %get3A_193, %mul3A_195 : vector<16xf32>
        %add3A_197 = arith.addf %mul3A_196, %get3A_118 : vector<16xf32>
        %swap3A_198 = arith.constant 0 : i32
        %swap3A_199 = arith.index_cast %add3A_160 : i32 to index
        %swap3A_200 = arith.index_cast %swap3A_198 : i32 to index
        %swap3A_201 = arith.constant 32 : index
        %swap3A_202 = tpu.vector_load %arg10[%swap3A_199, %swap3A_200, %swap3A_201] {strides = array<i32>} : memref<128x1x128xf32, #tpu.memory_space<vmem>>, vector<1x1x16xf32>,
        %swap3A_203 = vector.shape_cast %swap3A_202 : vector<1x1x16xf32> to vector<16xf32>
        %swap3A_204 = vector.shape_cast %add3A_197 : vector<16xf32> to vector<1x1x16xf32>
        tpu.vector_store %arg10[%swap3A_199, %swap3A_200, %swap3A_201], %swap3A_204 {strides = array<i32>} : memref<128x1x128xf32, #tpu.memory_space<vmem>>, vector<1x1x16xf32>,
        %get3A_205 = arith.index_cast %add3A_160 : i32 to index
        %get3A_206 = arith.constant 48 : index
        %get3A_207 = tpu.vector_load %arg8[%get3A_205, %get3A_206] {strides = array<i32>} : memref<128x128xf32, #tpu.memory_space<vmem>>, vector<1x16xf32>,
        %get3A_208 = vector.shape_cast %get3A_207 : vector<1x16xf32> to vector<16xf32>
        %mul3A_209 = arith.constant 11.3137083 : f32
        %mul3A_210 = vector.broadcast %mul3A_209 : f32 to vector<16xf32>
        %mul3A_211 = arith.mulf %get3A_208, %mul3A_210 : vector<16xf32>
        %add3A_212 = arith.addf %mul3A_211, %get3A_122 : vector<16xf32>
        %swap3A_213 = arith.constant 0 : i32
        %swap3A_214 = arith.index_cast %add3A_160 : i32 to index
        %swap3A_215 = arith.index_cast %swap3A_213 : i32 to index
        %swap3A_216 = arith.constant 48 : index
        %swap3A_217 = tpu.vector_load %arg10[%swap3A_214, %swap3A_215, %swap3A_216] {strides = array<i32>} : memref<128x1x128xf32, #tpu.memory_space<vmem>>, vector<1x1x16xf32>,
        %swap3A_218 = vector.shape_cast %swap3A_217 : vector<1x1x16xf32> to vector<16xf32>
        %swap3A_219 = vector.shape_cast %add3A_212 : vector<16xf32> to vector<1x1x16xf32>
        tpu.vector_store %arg10[%swap3A_214, %swap3A_215, %swap3A_216], %swap3A_219 {strides = array<i32>} : memref<128x1x128xf32, #tpu.memory_space<vmem>>, vector<1x1x16xf32>,
        %get3A_220 = arith.index_cast %add3A_160 : i32 to index
        %get3A_221 = arith.constant 64 : index
        %get3A_222 = tpu.vector_load %arg8[%get3A_220, %get3A_221] {strides = array<i32>} : memref<128x128xf32, #tpu.memory_space<vmem>>, vector<1x16xf32>,
        %get3A_223 = vector.shape_cast %get3A_222 : vector<1x16xf32> to vector<16xf32>
        %mul3A_224 = arith.constant 11.3137083 : f32
        %mul3A_225 = vector.broadcast %mul3A_224 : f32 to vector<16xf32>
        %mul3A_226 = arith.mulf %get3A_223, %mul3A_225 : vector<16xf32>
        %add3A_227 = arith.addf %mul3A_226, %get3A_126 : vector<16xf32>
        %swap3A_228 = arith.constant 0 : i32
        %swap3A_229 = arith.index_cast %add3A_160 : i32 to index
        %swap3A_230 = arith.index_cast %swap3A_228 : i32 to index
        %swap3A_231 = arith.constant 64 : index
        %swap3A_232 = tpu.vector_load %arg10[%swap3A_229, %swap3A_230, %swap3A_231] {strides = array<i32>} : memref<128x1x128xf32, #tpu.memory_space<vmem>>, vector<1x1x16xf32>,
        %swap3A_233 = vector.shape_cast %swap3A_232 : vector<1x1x16xf32> to vector<16xf32>
        %swap3A_234 = vector.shape_cast %add3A_227 : vector<16xf32> to vector<1x1x16xf32>
        tpu.vector_store %arg10[%swap3A_229, %swap3A_230, %swap3A_231], %swap3A_234 {strides = array<i32>} : memref<128x1x128xf32, #tpu.memory_space<vmem>>, vector<1x1x16xf32>,
        %get3A_235 = arith.index_cast %add3A_160 : i32 to index
        %get3A_236 = arith.constant 80 : index
        %get3A_237 = tpu.vector_load %arg8[%get3A_235, %get3A_236] {strides = array<i32>} : memref<128x128xf32, #tpu.memory_space<vmem>>, vector<1x16xf32>,
        %get3A_238 = vector.shape_cast %get3A_237 : vector<1x16xf32> to vector<16xf32>
        %mul3A_239 = arith.constant 11.3137083 : f32
        %mul3A_240 = vector.broadcast %mul3A_239 : f32 to vector<16xf32>
        %mul3A_241 = arith.mulf %get3A_238, %mul3A_240 : vector<16xf32>
        %add3A_242 = arith.addf %mul3A_241, %get3A_130 : vector<16xf32>
        %swap3A_243 = arith.constant 0 : i32
        %swap3A_244 = arith.index_cast %add3A_160 : i32 to index
        %swap3A_245 = arith.index_cast %swap3A_243 : i32 to index
        %swap3A_246 = arith.constant 80 : index
        %swap3A_247 = tpu.vector_load %arg10[%swap3A_244, %swap3A_245, %swap3A_246] {strides = array<i32>} : memref<128x1x128xf32, #tpu.memory_space<vmem>>, vector<1x1x16xf32>,
        %swap3A_248 = vector.shape_cast %swap3A_247 : vector<1x1x16xf32> to vector<16xf32>
        %swap3A_249 = vector.shape_cast %add3A_242 : vector<16xf32> to vector<1x1x16xf32>
        tpu.vector_store %arg10[%swap3A_244, %swap3A_245, %swap3A_246], %swap3A_249 {strides = array<i32>} : memref<128x1x128xf32, #tpu.memory_space<vmem>>, vector<1x1x16xf32>,
        %get3A_250 = arith.index_cast %add3A_160 : i32 to index
        %get3A_251 = arith.constant 96 : index
        %get3A_252 = tpu.vector_load %arg8[%get3A_250, %get3A_251] {strides = array<i32>} : memref<128x128xf32, #tpu.memory_space<vmem>>, vector<1x16xf32>,
        %get3A_253 = vector.shape_cast %get3A_252 : vector<1x16xf32> to vector<16xf32>
        %mul3A_254 = arith.constant 11.3137083 : f32
        %mul3A_255 = vector.broadcast %mul3A_254 : f32 to vector<16xf32>
        %mul3A_256 = arith.mulf %get3A_253, %mul3A_255 : vector<16xf32>
        %add3A_257 = arith.addf %mul3A_256, %get3A_134 : vector<16xf32>
        %swap3A_258 = arith.constant 0 : i32
        %swap3A_259 = arith.index_cast %add3A_160 : i32 to index
        %swap3A_260 = arith.index_cast %swap3A_258 : i32 to index
        %swap3A_261 = arith.constant 96 : index
        %swap3A_262 = tpu.vector_load %arg10[%swap3A_259, %swap3A_260, %swap3A_261] {strides = array<i32>} : memref<128x1x128xf32, #tpu.memory_space<vmem>>, vector<1x1x16xf32>,
        %swap3A_263 = vector.shape_cast %swap3A_262 : vector<1x1x16xf32> to vector<16xf32>
        %swap3A_264 = vector.shape_cast %add3A_257 : vector<16xf32> to vector<1x1x16xf32>
        tpu.vector_store %arg10[%swap3A_259, %swap3A_260, %swap3A_261], %swap3A_264 {strides = array<i32>} : memref<128x1x128xf32, #tpu.memory_space<vmem>>, vector<1x1x16xf32>,
        %get3A_265 = arith.index_cast %add3A_160 : i32 to index
        %get3A_266 = arith.constant 112 : index
        %get3A_267 = tpu.vector_load %arg8[%get3A_265, %get3A_266] {strides = array<i32>} : memref<128x128xf32, #tpu.memory_space<vmem>>, vector<1x16xf32>,
        %get3A_268 = vector.shape_cast %get3A_267 : vector<1x16xf32> to vector<16xf32>
        %mul3A_269 = arith.constant 11.3137083 : f32
        %mul3A_270 = vector.broadcast %mul3A_269 : f32 to vector<16xf32>
        %mul3A_271 = arith.mulf %get3A_268, %mul3A_270 : vector<16xf32>
        %add3A_272 = arith.addf %mul3A_271, %get3A_138 : vector<16xf32>
        %swap3A_273 = arith.constant 0 : i32
        %swap3A_274 = arith.index_cast %add3A_160 : i32 to index
        %swap3A_275 = arith.index_cast %swap3A_273 : i32 to index
        %swap3A_276 = arith.constant 112 : index
        %swap3A_277 = tpu.vector_load %arg10[%swap3A_274, %swap3A_275, %swap3A_276] {strides = array<i32>} : memref<128x1x128xf32, #tpu.memory_space<vmem>>, vector<1x1x16xf32>,
        %swap3A_278 = vector.shape_cast %swap3A_277 : vector<1x1x16xf32> to vector<16xf32>
        %swap3A_279 = vector.shape_cast %add3A_272 : vector<16xf32> to vector<1x1x16xf32>
        tpu.vector_store %arg10[%swap3A_274, %swap3A_275, %swap3A_276], %swap3A_279 {strides = array<i32>} : memref<128x1x128xf32, #tpu.memory_space<vmem>>, vector<1x1x16xf32>,
        %mul3A_280 = arith.constant 8 : i32
        %mul3A_281 = arith.muli %scan3A_156, %mul3A_280 : i32
        %add3A_282 = arith.constant 1 : i32
        %add3A_283 = arith.addi %mul3A_281, %add3A_282 : i32
        %get3A_284 = arith.index_cast %add3A_283 : i32 to index
        %get3A_285 = arith.constant 0 : index
        %get3A_286 = tpu.vector_load %arg8[%get3A_284, %get3A_285] {strides = array<i32>} : memref<128x128xf32, #tpu.memory_space<vmem>>, vector<1x16xf32>,
        %get3A_287 = vector.shape_cast %get3A_286 : vector<1x16xf32> to vector<16xf32>
        %mul3A_288 = arith.constant 11.3137083 : f32
        %mul3A_289 = vector.broadcast %mul3A_288 : f32 to vector<16xf32>
        %mul3A_290 = arith.mulf %get3A_287, %mul3A_289 : vector<16xf32>
        %add3A_291 = arith.addf %mul3A_290, %get3A_110 : vector<16xf32>
        %swap3A_292 = arith.constant 0 : i32
        %swap3A_293 = arith.index_cast %add3A_283 : i32 to index
        %swap3A_294 = arith.index_cast %swap3A_292 : i32 to index
        %swap3A_295 = arith.constant 0 : index
        %swap3A_296 = tpu.vector_load %arg10[%swap3A_293, %swap3A_294, %swap3A_295] {strides = array<i32>} : memref<128x1x128xf32, #tpu.memory_space<vmem>>, vector<1x1x16xf32>,
        %swap3A_297 = vector.shape_cast %swap3A_296 : vector<1x1x16xf32> to vector<16xf32>
        %swap3A_298 = vector.shape_cast %add3A_291 : vector<16xf32> to vector<1x1x16xf32>
        tpu.vector_store %arg10[%swap3A_293, %swap3A_294, %swap3A_295], %swap3A_298 {strides = array<i32>} : memref<128x1x128xf32, #tpu.memory_space<vmem>>, vector<1x1x16xf32>,
        %get3A_299 = arith.index_cast %add3A_283 : i32 to index
        %get3A_300 = arith.constant 16 : index
        %get3A_301 = tpu.vector_load %arg8[%get3A_299, %get3A_300] {strides = array<i32>} : memref<128x128xf32, #tpu.memory_space<vmem>>, vector<1x16xf32>,
        %get3A_302 = vector.shape_cast %get3A_301 : vector<1x16xf32> to vector<16xf32>
        %mul3A_303 = arith.constant 11.3137083 : f32
        %mul3A_304 = vector.broadcast %mul3A_303 : f32 to vector<16xf32>
        %mul3A_305 = arith.mulf %get3A_302, %mul3A_304 : vector<16xf32>
        %add3A_306 = arith.addf %mul3A_305, %get3A_114 : vector<16xf32>
        %swap3A_307 = arith.constant 0 : i32
        %swap3A_308 = arith.index_cast %add3A_283 : i32 to index
        %swap3A_309 = arith.index_cast %swap3A_307 : i32 to index
        %swap3A_310 = arith.constant 16 : index
        %swap3A_311 = tpu.vector_load %arg10[%swap3A_308, %swap3A_309, %swap3A_310] {strides = array<i32>} : memref<128x1x128xf32, #tpu.memory_space<vmem>>, vector<1x1x16xf32>,
        %swap3A_312 = vector.shape_cast %swap3A_311 : vector<1x1x16xf32> to vector<16xf32>
        %swap3A_313 = vector.shape_cast %add3A_306 : vector<16xf32> to vector<1x1x16xf32>
        tpu.vector_store %arg10[%swap3A_308, %swap3A_309, %swap3A_310], %swap3A_313 {strides = array<i32>} : memref<128x1x128xf32, #tpu.memory_space<vmem>>, vector<1x1x16xf32>,
        %get3A_314 = arith.index_cast %add3A_283 : i32 to index
        %get3A_315 = arith.constant 32 : index
        %get3A_316 = tpu.vector_load %arg8[%get3A_314, %get3A_315] {strides = array<i32>} : memref<128x128xf32, #tpu.memory_space<vmem>>, vector<1x16xf32>,
        %get3A_317 = vector.shape_cast %get3A_316 : vector<1x16xf32> to vector<16xf32>
        %mul3A_318 = arith.constant 11.3137083 : f32
        %mul3A_319 = vector.broadcast %mul3A_318 : f32 to vector<16xf32>
        %mul3A_320 = arith.mulf %get3A_317, %mul3A_319 : vector<16xf32>
        %add3A_321 = arith.addf %mul3A_320, %get3A_118 : vector<16xf32>
        %swap3A_322 = arith.constant 0 : i32
        %swap3A_323 = arith.index_cast %add3A_283 : i32 to index
        %swap3A_324 = arith.index_cast %swap3A_322 : i32 to index
        %swap3A_325 = arith.constant 32 : index
        %swap3A_326 = tpu.vector_load %arg10[%swap3A_323, %swap3A_324, %swap3A_325] {strides = array<i32>} : memref<128x1x128xf32, #tpu.memory_space<vmem>>, vector<1x1x16xf32>,
        %swap3A_327 = vector.shape_cast %swap3A_326 : vector<1x1x16xf32> to vector<16xf32>
        %swap3A_328 = vector.shape_cast %add3A_321 : vector<16xf32> to vector<1x1x16xf32>
        tpu.vector_store %arg10[%swap3A_323, %swap3A_324, %swap3A_325], %swap3A_328 {strides = array<i32>} : memref<128x1x128xf32, #tpu.memory_space<vmem>>, vector<1x1x16xf32>,
        %get3A_329 = arith.index_cast %add3A_283 : i32 to index
        %get3A_330 = arith.constant 48 : index
        %get3A_331 = tpu.vector_load %arg8[%get3A_329, %get3A_330] {strides = array<i32>} : memref<128x128xf32, #tpu.memory_space<vmem>>, vector<1x16xf32>,
        %get3A_332 = vector.shape_cast %get3A_331 : vector<1x16xf32> to vector<16xf32>
        %mul3A_333 = arith.constant 11.3137083 : f32
        %mul3A_334 = vector.broadcast %mul3A_333 : f32 to vector<16xf32>
        %mul3A_335 = arith.mulf %get3A_332, %mul3A_334 : vector<16xf32>
        %add3A_336 = arith.addf %mul3A_335, %get3A_122 : vector<16xf32>
        %swap3A_337 = arith.constant 0 : i32
        %swap3A_338 = arith.index_cast %add3A_283 : i32 to index
        %swap3A_339 = arith.index_cast %swap3A_337 : i32 to index
        %swap3A_340 = arith.constant 48 : index
        %swap3A_341 = tpu.vector_load %arg10[%swap3A_338, %swap3A_339, %swap3A_340] {strides = array<i32>} : memref<128x1x128xf32, #tpu.memory_space<vmem>>, vector<1x1x16xf32>,
        %swap3A_342 = vector.shape_cast %swap3A_341 : vector<1x1x16xf32> to vector<16xf32>
        %swap3A_343 = vector.shape_cast %add3A_336 : vector<16xf32> to vector<1x1x16xf32>
        tpu.vector_store %arg10[%swap3A_338, %swap3A_339, %swap3A_340], %swap3A_343 {strides = array<i32>} : memref<128x1x128xf32, #tpu.memory_space<vmem>>, vector<1x1x16xf32>,
        %get3A_344 = arith.index_cast %add3A_283 : i32 to index
        %get3A_345 = arith.constant 64 : index
        %get3A_346 = tpu.vector_load %arg8[%get3A_344, %get3A_345] {strides = array<i32>} : memref<128x128xf32, #tpu.memory_space<vmem>>, vector<1x16xf32>,
        %get3A_347 = vector.shape_cast %get3A_346 : vector<1x16xf32> to vector<16xf32>
        %mul3A_348 = arith.constant 11.3137083 : f32
        %mul3A_349 = vector.broadcast %mul3A_348 : f32 to vector<16xf32>
        %mul3A_350 = arith.mulf %get3A_347, %mul3A_349 : vector<16xf32>
        %add3A_351 = arith.addf %mul3A_350, %get3A_126 : vector<16xf32>
        %swap3A_352 = arith.constant 0 : i32
        %swap3A_353 = arith.index_cast %add3A_283 : i32 to index
        %swap3A_354 = arith.index_cast %swap3A_352 : i32 to index
        %swap3A_355 = arith.constant 64 : index
        %swap3A_356 = tpu.vector_load %arg10[%swap3A_353, %swap3A_354, %swap3A_355] {strides = array<i32>} : memref<128x1x128xf32, #tpu.memory_space<vmem>>, vector<1x1x16xf32>,
        %swap3A_357 = vector.shape_cast %swap3A_356 : vector<1x1x16xf32> to vector<16xf32>
        %swap3A_358 = vector.shape_cast %add3A_351 : vector<16xf32> to vector<1x1x16xf32>
        tpu.vector_store %arg10[%swap3A_353, %swap3A_354, %swap3A_355], %swap3A_358 {strides = array<i32>} : memref<128x1x128xf32, #tpu.memory_space<vmem>>, vector<1x1x16xf32>,
        %get3A_359 = arith.index_cast %add3A_283 : i32 to index
        %get3A_360 = arith.constant 80 : index
        %get3A_361 = tpu.vector_load %arg8[%get3A_359, %get3A_360] {strides = array<i32>} : memref<128x128xf32, #tpu.memory_space<vmem>>, vector<1x16xf32>,
        %get3A_362 = vector.shape_cast %get3A_361 : vector<1x16xf32> to vector<16xf32>
        %mul3A_363 = arith.constant 11.3137083 : f32
        %mul3A_364 = vector.broadcast %mul3A_363 : f32 to vector<16xf32>
        %mul3A_365 = arith.mulf %get3A_362, %mul3A_364 : vector<16xf32>
        %add3A_366 = arith.addf %mul3A_365, %get3A_130 : vector<16xf32>
        %swap3A_367 = arith.constant 0 : i32
        %swap3A_368 = arith.index_cast %add3A_283 : i32 to index
        %swap3A_369 = arith.index_cast %swap3A_367 : i32 to index
        %swap3A_370 = arith.constant 80 : index
        %swap3A_371 = tpu.vector_load %arg10[%swap3A_368, %swap3A_369, %swap3A_370] {strides = array<i32>} : memref<128x1x128xf32, #tpu.memory_space<vmem>>, vector<1x1x16xf32>,
        %swap3A_372 = vector.shape_cast %swap3A_371 : vector<1x1x16xf32> to vector<16xf32>
        %swap3A_373 = vector.shape_cast %add3A_366 : vector<16xf32> to vector<1x1x16xf32>
        tpu.vector_store %arg10[%swap3A_368, %swap3A_369, %swap3A_370], %swap3A_373 {strides = array<i32>} : memref<128x1x128xf32, #tpu.memory_space<vmem>>, vector<1x1x16xf32>,
        %get3A_374 = arith.index_cast %add3A_283 : i32 to index
        %get3A_375 = arith.constant 96 : index
        %get3A_376 = tpu.vector_load %arg8[%get3A_374, %get3A_375] {strides = array<i32>} : memref<128x128xf32, #tpu.memory_space<vmem>>, vector<1x16xf32>,
        %get3A_377 = vector.shape_cast %get3A_376 : vector<1x16xf32> to vector<16xf32>
        %mul3A_378 = arith.constant 11.3137083 : f32
        %mul3A_379 = vector.broadcast %mul3A_378 : f32 to vector<16xf32>
        %mul3A_380 = arith.mulf %get3A_377, %mul3A_379 : vector<16xf32>
        %add3A_381 = arith.addf %mul3A_380, %get3A_134 : vector<16xf32>
        %swap3A_382 = arith.constant 0 : i32
        %swap3A_383 = arith.index_cast %add3A_283 : i32 to index
        %swap3A_384 = arith.index_cast %swap3A_382 : i32 to index
        %swap3A_385 = arith.constant 96 : index
        %swap3A_386 = tpu.vector_load %arg10[%swap3A_383, %swap3A_384, %swap3A_385] {strides = array<i32>} : memref<128x1x128xf32, #tpu.memory_space<vmem>>, vector<1x1x16xf32>,
        %swap3A_387 = vector.shape_cast %swap3A_386 : vector<1x1x16xf32> to vector<16xf32>
        %swap3A_388 = vector.shape_cast %add3A_381 : vector<16xf32> to vector<1x1x16xf32>
        tpu.vector_store %arg10[%swap3A_383, %swap3A_384, %swap3A_385], %swap3A_388 {strides = array<i32>} : memref<128x1x128xf32, #tpu.memory_space<vmem>>, vector<1x1x16xf32>,
        %get3A_389 = arith.index_cast %add3A_283 : i32 to index
        %get3A_390 = arith.constant 112 : index
        %get3A_391 = tpu.vector_load %arg8[%get3A_389, %get3A_390] {strides = array<i32>} : memref<128x128xf32, #tpu.memory_space<vmem>>, vector<1x16xf32>,
        %get3A_392 = vector.shape_cast %get3A_391 : vector<1x16xf32> to vector<16xf32>
        %mul3A_393 = arith.constant 11.3137083 : f32
        %mul3A_394 = vector.broadcast %mul3A_393 : f32 to vector<16xf32>
        %mul3A_395 = arith.mulf %get3A_392, %mul3A_394 : vector<16xf32>
        %add3A_396 = arith.addf %mul3A_395, %get3A_138 : vector<16xf32>
        %swap3A_397 = arith.constant 0 : i32
        %swap3A_398 = arith.index_cast %add3A_283 : i32 to index
        %swap3A_399 = arith.index_cast %swap3A_397 : i32 to index
        %swap3A_400 = arith.constant 112 : index
        %swap3A_401 = tpu.vector_load %arg10[%swap3A_398, %swap3A_399, %swap3A_400] {strides = array<i32>} : memref<128x1x128xf32, #tpu.memory_space<vmem>>, vector<1x1x16xf32>,
        %swap3A_402 = vector.shape_cast %swap3A_401 : vector<1x1x16xf32> to vector<16xf32>
        %swap3A_403 = vector.shape_cast %add3A_396 : vector<16xf32> to vector<1x1x16xf32>
        tpu.vector_store %arg10[%swap3A_398, %swap3A_399, %swap3A_400], %swap3A_403 {strides = array<i32>} : memref<128x1x128xf32, #tpu.memory_space<vmem>>, vector<1x1x16xf32>,
        %mul3A_404 = arith.constant 8 : i32
        %mul3A_405 = arith.muli %scan3A_156, %mul3A_404 : i32
        %add3A_406 = arith.constant 2 : i32
        %add3A_407 = arith.addi %mul3A_405, %add3A_406 : i32
        %get3A_408 = arith.index_cast %add3A_407 : i32 to index
        %get3A_409 = arith.constant 0 : index
        %get3A_410 = tpu.vector_load %arg8[%get3A_408, %get3A_409] {strides = array<i32>} : memref<128x128xf32, #tpu.memory_space<vmem>>, vector<1x16xf32>,
        %get3A_411 = vector.shape_cast %get3A_410 : vector<1x16xf32> to vector<16xf32>
        %mul3A_412 = arith.constant 11.3137083 : f32
        %mul3A_413 = vector.broadcast %mul3A_412 : f32 to vector<16xf32>
        %mul3A_414 = arith.mulf %get3A_411, %mul3A_413 : vector<16xf32>
        %add3A_415 = arith.addf %mul3A_414, %get3A_110 : vector<16xf32>
        %swap3A_416 = arith.constant 0 : i32
        %swap3A_417 = arith.index_cast %add3A_407 : i32 to index
        %swap3A_418 = arith.index_cast %swap3A_416 : i32 to index
        %swap3A_419 = arith.constant 0 : index
        %swap3A_420 = tpu.vector_load %arg10[%swap3A_417, %swap3A_418, %swap3A_419] {strides = array<i32>} : memref<128x1x128xf32, #tpu.memory_space<vmem>>, vector<1x1x16xf32>,
        %swap3A_421 = vector.shape_cast %swap3A_420 : vector<1x1x16xf32> to vector<16xf32>
        %swap3A_422 = vector.shape_cast %add3A_415 : vector<16xf32> to vector<1x1x16xf32>
        tpu.vector_store %arg10[%swap3A_417, %swap3A_418, %swap3A_419], %swap3A_422 {strides = array<i32>} : memref<128x1x128xf32, #tpu.memory_space<vmem>>, vector<1x1x16xf32>,
        %get3A_423 = arith.index_cast %add3A_407 : i32 to index
        %get3A_424 = arith.constant 16 : index
        %get3A_425 = tpu.vector_load %arg8[%get3A_423, %get3A_424] {strides = array<i32>} : memref<128x128xf32, #tpu.memory_space<vmem>>, vector<1x16xf32>,
        %get3A_426 = vector.shape_cast %get3A_425 : vector<1x16xf32> to vector<16xf32>
        %mul3A_427 = arith.constant 11.3137083 : f32
        %mul3A_428 = vector.broadcast %mul3A_427 : f32 to vector<16xf32>
        %mul3A_429 = arith.mulf %get3A_426, %mul3A_428 : vector<16xf32>
        %add3A_430 = arith.addf %mul3A_429, %get3A_114 : vector<16xf32>
        %swap3A_431 = arith.constant 0 : i32
        %swap3A_432 = arith.index_cast %add3A_407 : i32 to index
        %swap3A_433 = arith.index_cast %swap3A_431 : i32 to index
        %swap3A_434 = arith.constant 16 : index
        %swap3A_435 = tpu.vector_load %arg10[%swap3A_432, %swap3A_433, %swap3A_434] {strides = array<i32>} : memref<128x1x128xf32, #tpu.memory_space<vmem>>, vector<1x1x16xf32>,
        %swap3A_436 = vector.shape_cast %swap3A_435 : vector<1x1x16xf32> to vector<16xf32>
        %swap3A_437 = vector.shape_cast %add3A_430 : vector<16xf32> to vector<1x1x16xf32>
        tpu.vector_store %arg10[%swap3A_432, %swap3A_433, %swap3A_434], %swap3A_437 {strides = array<i32>} : memref<128x1x128xf32, #tpu.memory_space<vmem>>, vector<1x1x16xf32>,
        %get3A_438 = arith.index_cast %add3A_407 : i32 to index
        %get3A_439 = arith.constant 32 : index
        %get3A_440 = tpu.vector_load %arg8[%get3A_438, %get3A_439] {strides = array<i32>} : memref<128x128xf32, #tpu.memory_space<vmem>>, vector<1x16xf32>,
        %get3A_441 = vector.shape_cast %get3A_440 : vector<1x16xf32> to vector<16xf32>
        %mul3A_442 = arith.constant 11.3137083 : f32
        %mul3A_443 = vector.broadcast %mul3A_442 : f32 to vector<16xf32>
        %mul3A_444 = arith.mulf %get3A_441, %mul3A_443 : vector<16xf32>
        %add3A_445 = arith.addf %mul3A_444, %get3A_118 : vector<16xf32>
        %swap3A_446 = arith.constant 0 : i32
        %swap3A_447 = arith.index_cast %add3A_407 : i32 to index
        %swap3A_448 = arith.index_cast %swap3A_446 : i32 to index
        %swap3A_449 = arith.constant 32 : index
        %swap3A_450 = tpu.vector_load %arg10[%swap3A_447, %swap3A_448, %swap3A_449] {strides = array<i32>} : memref<128x1x128xf32, #tpu.memory_space<vmem>>, vector<1x1x16xf32>,
        %swap3A_451 = vector.shape_cast %swap3A_450 : vector<1x1x16xf32> to vector<16xf32>
        %swap3A_452 = vector.shape_cast %add3A_445 : vector<16xf32> to vector<1x1x16xf32>
        tpu.vector_store %arg10[%swap3A_447, %swap3A_448, %swap3A_449], %swap3A_452 {strides = array<i32>} : memref<128x1x128xf32, #tpu.memory_space<vmem>>, vector<1x1x16xf32>,
        %get3A_453 = arith.index_cast %add3A_407 : i32 to index
        %get3A_454 = arith.constant 48 : index
        %get3A_455 = tpu.vector_load %arg8[%get3A_453, %get3A_454] {strides = array<i32>} : memref<128x128xf32, #tpu.memory_space<vmem>>, vector<1x16xf32>,
        %get3A_456 = vector.shape_cast %get3A_455 : vector<1x16xf32> to vector<16xf32>
        %mul3A_457 = arith.constant 11.3137083 : f32
        %mul3A_458 = vector.broadcast %mul3A_457 : f32 to vector<16xf32>
        %mul3A_459 = arith.mulf %get3A_456, %mul3A_458 : vector<16xf32>
        %add3A_460 = arith.addf %mul3A_459, %get3A_122 : vector<16xf32>
        %swap3A_461 = arith.constant 0 : i32
        %swap3A_462 = arith.index_cast %add3A_407 : i32 to index
        %swap3A_463 = arith.index_cast %swap3A_461 : i32 to index
        %swap3A_464 = arith.constant 48 : index
        %swap3A_465 = tpu.vector_load %arg10[%swap3A_462, %swap3A_463, %swap3A_464] {strides = array<i32>} : memref<128x1x128xf32, #tpu.memory_space<vmem>>, vector<1x1x16xf32>,
        %swap3A_466 = vector.shape_cast %swap3A_465 : vector<1x1x16xf32> to vector<16xf32>
        %swap3A_467 = vector.shape_cast %add3A_460 : vector<16xf32> to vector<1x1x16xf32>
        tpu.vector_store %arg10[%swap3A_462, %swap3A_463, %swap3A_464], %swap3A_467 {strides = array<i32>} : memref<128x1x128xf32, #tpu.memory_space<vmem>>, vector<1x1x16xf32>,
        %get3A_468 = arith.index_cast %add3A_407 : i32 to index
        %get3A_469 = arith.constant 64 : index
        %get3A_470 = tpu.vector_load %arg8[%get3A_468, %get3A_469] {strides = array<i32>} : memref<128x128xf32, #tpu.memory_space<vmem>>, vector<1x16xf32>,
        %get3A_471 = vector.shape_cast %get3A_470 : vector<1x16xf32> to vector<16xf32>
        %mul3A_472 = arith.constant 11.3137083 : f32
        %mul3A_473 = vector.broadcast %mul3A_472 : f32 to vector<16xf32>
        %mul3A_474 = arith.mulf %get3A_471, %mul3A_473 : vector<16xf32>
        %add3A_475 = arith.addf %mul3A_474, %get3A_126 : vector<16xf32>
        %swap3A_476 = arith.constant 0 : i32
        %swap3A_477 = arith.index_cast %add3A_407 : i32 to index
        %swap3A_478 = arith.index_cast %swap3A_476 : i32 to index
        %swap3A_479 = arith.constant 64 : index
        %swap3A_480 = tpu.vector_load %arg10[%swap3A_477, %swap3A_478, %swap3A_479] {strides = array<i32>} : memref<128x1x128xf32, #tpu.memory_space<vmem>>, vector<1x1x16xf32>,
        %swap3A_481 = vector.shape_cast %swap3A_480 : vector<1x1x16xf32> to vector<16xf32>
        %swap3A_482 = vector.shape_cast %add3A_475 : vector<16xf32> to vector<1x1x16xf32>
        tpu.vector_store %arg10[%swap3A_477, %swap3A_478, %swap3A_479], %swap3A_482 {strides = array<i32>} : memref<128x1x128xf32, #tpu.memory_space<vmem>>, vector<1x1x16xf32>,
        %get3A_483 = arith.index_cast %add3A_407 : i32 to index
        %get3A_484 = arith.constant 80 : index
        %get3A_485 = tpu.vector_load %arg8[%get3A_483, %get3A_484] {strides = array<i32>} : memref<128x128xf32, #tpu.memory_space<vmem>>, vector<1x16xf32>,
        %get3A_486 = vector.shape_cast %get3A_485 : vector<1x16xf32> to vector<16xf32>
        %mul3A_487 = arith.constant 11.3137083 : f32
        %mul3A_488 = vector.broadcast %mul3A_487 : f32 to vector<16xf32>
        %mul3A_489 = arith.mulf %get3A_486, %mul3A_488 : vector<16xf32>
        %add3A_490 = arith.addf %mul3A_489, %get3A_130 : vector<16xf32>
        %swap3A_491 = arith.constant 0 : i32
        %swap3A_492 = arith.index_cast %add3A_407 : i32 to index
        %swap3A_493 = arith.index_cast %swap3A_491 : i32 to index
        %swap3A_494 = arith.constant 80 : index
        %swap3A_495 = tpu.vector_load %arg10[%swap3A_492, %swap3A_493, %swap3A_494] {strides = array<i32>} : memref<128x1x128xf32, #tpu.memory_space<vmem>>, vector<1x1x16xf32>,
        %swap3A_496 = vector.shape_cast %swap3A_495 : vector<1x1x16xf32> to vector<16xf32>
        %swap3A_497 = vector.shape_cast %add3A_490 : vector<16xf32> to vector<1x1x16xf32>
        tpu.vector_store %arg10[%swap3A_492, %swap3A_493, %swap3A_494], %swap3A_497 {strides = array<i32>} : memref<128x1x128xf32, #tpu.memory_space<vmem>>, vector<1x1x16xf32>,
        %get3A_498 = arith.index_cast %add3A_407 : i32 to index
        %get3A_499 = arith.constant 96 : index
        %get3A_500 = tpu.vector_load %arg8[%get3A_498, %get3A_499] {strides = array<i32>} : memref<128x128xf32, #tpu.memory_space<vmem>>, vector<1x16xf32>,
        %get3A_501 = vector.shape_cast %get3A_500 : vector<1x16xf32> to vector<16xf32>
        %mul3A_502 = arith.constant 11.3137083 : f32
        %mul3A_503 = vector.broadcast %mul3A_502 : f32 to vector<16xf32>
        %mul3A_504 = arith.mulf %get3A_501, %mul3A_503 : vector<16xf32>
        %add3A_505 = arith.addf %mul3A_504, %get3A_134 : vector<16xf32>
        %swap3A_506 = arith.constant 0 : i32
        %swap3A_507 = arith.index_cast %add3A_407 : i32 to index
        %swap3A_508 = arith.index_cast %swap3A_506 : i32 to index
        %swap3A_509 = arith.constant 96 : index
        %swap3A_510 = tpu.vector_load %arg10[%swap3A_507, %swap3A_508, %swap3A_509] {strides = array<i32>} : memref<128x1x128xf32, #tpu.memory_space<vmem>>, vector<1x1x16xf32>,
        %swap3A_511 = vector.shape_cast %swap3A_510 : vector<1x1x16xf32> to vector<16xf32>
        %swap3A_512 = vector.shape_cast %add3A_505 : vector<16xf32> to vector<1x1x16xf32>
        tpu.vector_store %arg10[%swap3A_507, %swap3A_508, %swap3A_509], %swap3A_512 {strides = array<i32>} : memref<128x1x128xf32, #tpu.memory_space<vmem>>, vector<1x1x16xf32>,
        %get3A_513 = arith.index_cast %add3A_407 : i32 to index
        %get3A_514 = arith.constant 112 : index
        %get3A_515 = tpu.vector_load %arg8[%get3A_513, %get3A_514] {strides = array<i32>} : memref<128x128xf32, #tpu.memory_space<vmem>>, vector<1x16xf32>,
        %get3A_516 = vector.shape_cast %get3A_515 : vector<1x16xf32> to vector<16xf32>
        %mul3A_517 = arith.constant 11.3137083 : f32
        %mul3A_518 = vector.broadcast %mul3A_517 : f32 to vector<16xf32>
        %mul3A_519 = arith.mulf %get3A_516, %mul3A_518 : vector<16xf32>
        %add3A_520 = arith.addf %mul3A_519, %get3A_138 : vector<16xf32>
        %swap3A_521 = arith.constant 0 : i32
        %swap3A_522 = arith.index_cast %add3A_407 : i32 to index
        %swap3A_523 = arith.index_cast %swap3A_521 : i32 to index
        %swap3A_524 = arith.constant 112 : index
        %swap3A_525 = tpu.vector_load %arg10[%swap3A_522, %swap3A_523, %swap3A_524] {strides = array<i32>} : memref<128x1x128xf32, #tpu.memory_space<vmem>>, vector<1x1x16xf32>,
        %swap3A_526 = vector.shape_cast %swap3A_525 : vector<1x1x16xf32> to vector<16xf32>
        %swap3A_527 = vector.shape_cast %add3A_520 : vector<16xf32> to vector<1x1x16xf32>
        tpu.vector_store %arg10[%swap3A_522, %swap3A_523, %swap3A_524], %swap3A_527 {strides = array<i32>} : memref<128x1x128xf32, #tpu.memory_space<vmem>>, vector<1x1x16xf32>,
        %mul3A_528 = arith.constant 8 : i32
        %mul3A_529 = arith.muli %scan3A_156, %mul3A_528 : i32
        %add3A_530 = arith.constant 3 : i32
        %add3A_531 = arith.addi %mul3A_529, %add3A_530 : i32
        %get3A_532 = arith.index_cast %add3A_531 : i32 to index
        %get3A_533 = arith.constant 0 : index
        %get3A_534 = tpu.vector_load %arg8[%get3A_532, %get3A_533] {strides = array<i32>} : memref<128x128xf32, #tpu.memory_space<vmem>>, vector<1x16xf32>,
        %get3A_535 = vector.shape_cast %get3A_534 : vector<1x16xf32> to vector<16xf32>
        %mul3A_536 = arith.constant 11.3137083 : f32
        %mul3A_537 = vector.broadcast %mul3A_536 : f32 to vector<16xf32>
        %mul3A_538 = arith.mulf %get3A_535, %mul3A_537 : vector<16xf32>
        %add3A_539 = arith.addf %mul3A_538, %get3A_110 : vector<16xf32>
        %swap3A_540 = arith.constant 0 : i32
        %swap3A_541 = arith.index_cast %add3A_531 : i32 to index
        %swap3A_542 = arith.index_cast %swap3A_540 : i32 to index
        %swap3A_543 = arith.constant 0 : index
        %swap3A_544 = tpu.vector_load %arg10[%swap3A_541, %swap3A_542, %swap3A_543] {strides = array<i32>} : memref<128x1x128xf32, #tpu.memory_space<vmem>>, vector<1x1x16xf32>,
        %swap3A_545 = vector.shape_cast %swap3A_544 : vector<1x1x16xf32> to vector<16xf32>
        %swap3A_546 = vector.shape_cast %add3A_539 : vector<16xf32> to vector<1x1x16xf32>
        tpu.vector_store %arg10[%swap3A_541, %swap3A_542, %swap3A_543], %swap3A_546 {strides = array<i32>} : memref<128x1x128xf32, #tpu.memory_space<vmem>>, vector<1x1x16xf32>,
        %get3A_547 = arith.index_cast %add3A_531 : i32 to index
        %get3A_548 = arith.constant 16 : index
        %get3A_549 = tpu.vector_load %arg8[%get3A_547, %get3A_548] {strides = array<i32>} : memref<128x128xf32, #tpu.memory_space<vmem>>, vector<1x16xf32>,
        %get3A_550 = vector.shape_cast %get3A_549 : vector<1x16xf32> to vector<16xf32>
        %mul3A_551 = arith.constant 11.3137083 : f32
        %mul3A_552 = vector.broadcast %mul3A_551 : f32 to vector<16xf32>
        %mul3A_553 = arith.mulf %get3A_550, %mul3A_552 : vector<16xf32>
        %add3A_554 = arith.addf %mul3A_553, %get3A_114 : vector<16xf32>
        %swap3A_555 = arith.constant 0 : i32
        %swap3A_556 = arith.index_cast %add3A_531 : i32 to index
        %swap3A_557 = arith.index_cast %swap3A_555 : i32 to index
        %swap3A_558 = arith.constant 16 : index
        %swap3A_559 = tpu.vector_load %arg10[%swap3A_556, %swap3A_557, %swap3A_558] {strides = array<i32>} : memref<128x1x128xf32, #tpu.memory_space<vmem>>, vector<1x1x16xf32>,
        %swap3A_560 = vector.shape_cast %swap3A_559 : vector<1x1x16xf32> to vector<16xf32>
        %swap3A_561 = vector.shape_cast %add3A_554 : vector<16xf32> to vector<1x1x16xf32>
        tpu.vector_store %arg10[%swap3A_556, %swap3A_557, %swap3A_558], %swap3A_561 {strides = array<i32>} : memref<128x1x128xf32, #tpu.memory_space<vmem>>, vector<1x1x16xf32>,
        %get3A_562 = arith.index_cast %add3A_531 : i32 to index
        %get3A_563 = arith.constant 32 : index
        %get3A_564 = tpu.vector_load %arg8[%get3A_562, %get3A_563] {strides = array<i32>} : memref<128x128xf32, #tpu.memory_space<vmem>>, vector<1x16xf32>,
        %get3A_565 = vector.shape_cast %get3A_564 : vector<1x16xf32> to vector<16xf32>
        %mul3A_566 = arith.constant 11.3137083 : f32
        %mul3A_567 = vector.broadcast %mul3A_566 : f32 to vector<16xf32>
        %mul3A_568 = arith.mulf %get3A_565, %mul3A_567 : vector<16xf32>
        %add3A_569 = arith.addf %mul3A_568, %get3A_118 : vector<16xf32>
        %swap3A_570 = arith.constant 0 : i32
        %swap3A_571 = arith.index_cast %add3A_531 : i32 to index
        %swap3A_572 = arith.index_cast %swap3A_570 : i32 to index
        %swap3A_573 = arith.constant 32 : index
        %swap3A_574 = tpu.vector_load %arg10[%swap3A_571, %swap3A_572, %swap3A_573] {strides = array<i32>} : memref<128x1x128xf32, #tpu.memory_space<vmem>>, vector<1x1x16xf32>,
        %swap3A_575 = vector.shape_cast %swap3A_574 : vector<1x1x16xf32> to vector<16xf32>
        %swap3A_576 = vector.shape_cast %add3A_569 : vector<16xf32> to vector<1x1x16xf32>
        tpu.vector_store %arg10[%swap3A_571, %swap3A_572, %swap3A_573], %swap3A_576 {strides = array<i32>} : memref<128x1x128xf32, #tpu.memory_space<vmem>>, vector<1x1x16xf32>,
        %get3A_577 = arith.index_cast %add3A_531 : i32 to index
        %get3A_578 = arith.constant 48 : index
        %get3A_579 = tpu.vector_load %arg8[%get3A_577, %get3A_578] {strides = array<i32>} : memref<128x128xf32, #tpu.memory_space<vmem>>, vector<1x16xf32>,
        %get3A_580 = vector.shape_cast %get3A_579 : vector<1x16xf32> to vector<16xf32>
        %mul3A_581 = arith.constant 11.3137083 : f32
        %mul3A_582 = vector.broadcast %mul3A_581 : f32 to vector<16xf32>
        %mul3A_583 = arith.mulf %get3A_580, %mul3A_582 : vector<16xf32>
        %add3A_584 = arith.addf %mul3A_583, %get3A_122 : vector<16xf32>
        %swap3A_585 = arith.constant 0 : i32
        %swap3A_586 = arith.index_cast %add3A_531 : i32 to index
        %swap3A_587 = arith.index_cast %swap3A_585 : i32 to index
        %swap3A_588 = arith.constant 48 : index
        %swap3A_589 = tpu.vector_load %arg10[%swap3A_586, %swap3A_587, %swap3A_588] {strides = array<i32>} : memref<128x1x128xf32, #tpu.memory_space<vmem>>, vector<1x1x16xf32>,
        %swap3A_590 = vector.shape_cast %swap3A_589 : vector<1x1x16xf32> to vector<16xf32>
        %swap3A_591 = vector.shape_cast %add3A_584 : vector<16xf32> to vector<1x1x16xf32>
        tpu.vector_store %arg10[%swap3A_586, %swap3A_587, %swap3A_588], %swap3A_591 {strides = array<i32>} : memref<128x1x128xf32, #tpu.memory_space<vmem>>, vector<1x1x16xf32>,
        %get3A_592 = arith.index_cast %add3A_531 : i32 to index
        %get3A_593 = arith.constant 64 : index
        %get3A_594 = tpu.vector_load %arg8[%get3A_592, %get3A_593] {strides = array<i32>} : memref<128x128xf32, #tpu.memory_space<vmem>>, vector<1x16xf32>,
        %get3A_595 = vector.shape_cast %get3A_594 : vector<1x16xf32> to vector<16xf32>
        %mul3A_596 = arith.constant 11.3137083 : f32
        %mul3A_597 = vector.broadcast %mul3A_596 : f32 to vector<16xf32>
        %mul3A_598 = arith.mulf %get3A_595, %mul3A_597 : vector<16xf32>
        %add3A_599 = arith.addf %mul3A_598, %get3A_126 : vector<16xf32>
        %swap3A_600 = arith.constant 0 : i32
        %swap3A_601 = arith.index_cast %add3A_531 : i32 to index
        %swap3A_602 = arith.index_cast %swap3A_600 : i32 to index
        %swap3A_603 = arith.constant 64 : index
        %swap3A_604 = tpu.vector_load %arg10[%swap3A_601, %swap3A_602, %swap3A_603] {strides = array<i32>} : memref<128x1x128xf32, #tpu.memory_space<vmem>>, vector<1x1x16xf32>,
        %swap3A_605 = vector.shape_cast %swap3A_604 : vector<1x1x16xf32> to vector<16xf32>
        %swap3A_606 = vector.shape_cast %add3A_599 : vector<16xf32> to vector<1x1x16xf32>
        tpu.vector_store %arg10[%swap3A_601, %swap3A_602, %swap3A_603], %swap3A_606 {strides = array<i32>} : memref<128x1x128xf32, #tpu.memory_space<vmem>>, vector<1x1x16xf32>,
        %get3A_607 = arith.index_cast %add3A_531 : i32 to index
        %get3A_608 = arith.constant 80 : index
        %get3A_609 = tpu.vector_load %arg8[%get3A_607, %get3A_608] {strides = array<i32>} : memref<128x128xf32, #tpu.memory_space<vmem>>, vector<1x16xf32>,
        %get3A_610 = vector.shape_cast %get3A_609 : vector<1x16xf32> to vector<16xf32>
        %mul3A_611 = arith.constant 11.3137083 : f32
        %mul3A_612 = vector.broadcast %mul3A_611 : f32 to vector<16xf32>
        %mul3A_613 = arith.mulf %get3A_610, %mul3A_612 : vector<16xf32>
        %add3A_614 = arith.addf %mul3A_613, %get3A_130 : vector<16xf32>
        %swap3A_615 = arith.constant 0 : i32
        %swap3A_616 = arith.index_cast %add3A_531 : i32 to index
        %swap3A_617 = arith.index_cast %swap3A_615 : i32 to index
        %swap3A_618 = arith.constant 80 : index
        %swap3A_619 = tpu.vector_load %arg10[%swap3A_616, %swap3A_617, %swap3A_618] {strides = array<i32>} : memref<128x1x128xf32, #tpu.memory_space<vmem>>, vector<1x1x16xf32>,
        %swap3A_620 = vector.shape_cast %swap3A_619 : vector<1x1x16xf32> to vector<16xf32>
        %swap3A_621 = vector.shape_cast %add3A_614 : vector<16xf32> to vector<1x1x16xf32>
        tpu.vector_store %arg10[%swap3A_616, %swap3A_617, %swap3A_618], %swap3A_621 {strides = array<i32>} : memref<128x1x128xf32, #tpu.memory_space<vmem>>, vector<1x1x16xf32>,
        %get3A_622 = arith.index_cast %add3A_531 : i32 to index
        %get3A_623 = arith.constant 96 : index
        %get3A_624 = tpu.vector_load %arg8[%get3A_622, %get3A_623] {strides = array<i32>} : memref<128x128xf32, #tpu.memory_space<vmem>>, vector<1x16xf32>,
        %get3A_625 = vector.shape_cast %get3A_624 : vector<1x16xf32> to vector<16xf32>
        %mul3A_626 = arith.constant 11.3137083 : f32
        %mul3A_627 = vector.broadcast %mul3A_626 : f32 to vector<16xf32>
        %mul3A_628 = arith.mulf %get3A_625, %mul3A_627 : vector<16xf32>
        %add3A_629 = arith.addf %mul3A_628, %get3A_134 : vector<16xf32>
        %swap3A_630 = arith.constant 0 : i32
        %swap3A_631 = arith.index_cast %add3A_531 : i32 to index
        %swap3A_632 = arith.index_cast %swap3A_630 : i32 to index
        %swap3A_633 = arith.constant 96 : index
        %swap3A_634 = tpu.vector_load %arg10[%swap3A_631, %swap3A_632, %swap3A_633] {strides = array<i32>} : memref<128x1x128xf32, #tpu.memory_space<vmem>>, vector<1x1x16xf32>,
        %swap3A_635 = vector.shape_cast %swap3A_634 : vector<1x1x16xf32> to vector<16xf32>
        %swap3A_636 = vector.shape_cast %add3A_629 : vector<16xf32> to vector<1x1x16xf32>
        tpu.vector_store %arg10[%swap3A_631, %swap3A_632, %swap3A_633], %swap3A_636 {strides = array<i32>} : memref<128x1x128xf32, #tpu.memory_space<vmem>>, vector<1x1x16xf32>,
        %get3A_637 = arith.index_cast %add3A_531 : i32 to index
        %get3A_638 = arith.constant 112 : index
        %get3A_639 = tpu.vector_load %arg8[%get3A_637, %get3A_638] {strides = array<i32>} : memref<128x128xf32, #tpu.memory_space<vmem>>, vector<1x16xf32>,
        %get3A_640 = vector.shape_cast %get3A_639 : vector<1x16xf32> to vector<16xf32>
        %mul3A_641 = arith.constant 11.3137083 : f32
        %mul3A_642 = vector.broadcast %mul3A_641 : f32 to vector<16xf32>
        %mul3A_643 = arith.mulf %get3A_640, %mul3A_642 : vector<16xf32>
        %add3A_644 = arith.addf %mul3A_643, %get3A_138 : vector<16xf32>
        %swap3A_645 = arith.constant 0 : i32
        %swap3A_646 = arith.index_cast %add3A_531 : i32 to index
        %swap3A_647 = arith.index_cast %swap3A_645 : i32 to index
        %swap3A_648 = arith.constant 112 : index
        %swap3A_649 = tpu.vector_load %arg10[%swap3A_646, %swap3A_647, %swap3A_648] {strides = array<i32>} : memref<128x1x128xf32, #tpu.memory_space<vmem>>, vector<1x1x16xf32>,
        %swap3A_650 = vector.shape_cast %swap3A_649 : vector<1x1x16xf32> to vector<16xf32>
        %swap3A_651 = vector.shape_cast %add3A_644 : vector<16xf32> to vector<1x1x16xf32>
        tpu.vector_store %arg10[%swap3A_646, %swap3A_647, %swap3A_648], %swap3A_651 {strides = array<i32>} : memref<128x1x128xf32, #tpu.memory_space<vmem>>, vector<1x1x16xf32>,
        %mul3A_652 = arith.constant 8 : i32
        %mul3A_653 = arith.muli %scan3A_156, %mul3A_652 : i32
        %add3A_654 = arith.constant 4 : i32
        %add3A_655 = arith.addi %mul3A_653, %add3A_654 : i32
        %get3A_656 = arith.index_cast %add3A_655 : i32 to index
        %get3A_657 = arith.constant 0 : index
        %get3A_658 = tpu.vector_load %arg8[%get3A_656, %get3A_657] {strides = array<i32>} : memref<128x128xf32, #tpu.memory_space<vmem>>, vector<1x16xf32>,
        %get3A_659 = vector.shape_cast %get3A_658 : vector<1x16xf32> to vector<16xf32>
        %mul3A_660 = arith.constant 11.3137083 : f32
        %mul3A_661 = vector.broadcast %mul3A_660 : f32 to vector<16xf32>
        %mul3A_662 = arith.mulf %get3A_659, %mul3A_661 : vector<16xf32>
        %add3A_663 = arith.addf %mul3A_662, %get3A_110 : vector<16xf32>
        %swap3A_664 = arith.constant 0 : i32
        %swap3A_665 = arith.index_cast %add3A_655 : i32 to index
        %swap3A_666 = arith.index_cast %swap3A_664 : i32 to index
        %swap3A_667 = arith.constant 0 : index
        %swap3A_668 = tpu.vector_load %arg10[%swap3A_665, %swap3A_666, %swap3A_667] {strides = array<i32>} : memref<128x1x128xf32, #tpu.memory_space<vmem>>, vector<1x1x16xf32>,
        %swap3A_669 = vector.shape_cast %swap3A_668 : vector<1x1x16xf32> to vector<16xf32>
        %swap3A_670 = vector.shape_cast %add3A_663 : vector<16xf32> to vector<1x1x16xf32>
        tpu.vector_store %arg10[%swap3A_665, %swap3A_666, %swap3A_667], %swap3A_670 {strides = array<i32>} : memref<128x1x128xf32, #tpu.memory_space<vmem>>, vector<1x1x16xf32>,
        %get3A_671 = arith.index_cast %add3A_655 : i32 to index
        %get3A_672 = arith.constant 16 : index
        %get3A_673 = tpu.vector_load %arg8[%get3A_671, %get3A_672] {strides = array<i32>} : memref<128x128xf32, #tpu.memory_space<vmem>>, vector<1x16xf32>,
        %get3A_674 = vector.shape_cast %get3A_673 : vector<1x16xf32> to vector<16xf32>
        %mul3A_675 = arith.constant 11.3137083 : f32
        %mul3A_676 = vector.broadcast %mul3A_675 : f32 to vector<16xf32>
        %mul3A_677 = arith.mulf %get3A_674, %mul3A_676 : vector<16xf32>
        %add3A_678 = arith.addf %mul3A_677, %get3A_114 : vector<16xf32>
        %swap3A_679 = arith.constant 0 : i32
        %swap3A_680 = arith.index_cast %add3A_655 : i32 to index
        %swap3A_681 = arith.index_cast %swap3A_679 : i32 to index
        %swap3A_682 = arith.constant 16 : index
        %swap3A_683 = tpu.vector_load %arg10[%swap3A_680, %swap3A_681, %swap3A_682] {strides = array<i32>} : memref<128x1x128xf32, #tpu.memory_space<vmem>>, vector<1x1x16xf32>,
        %swap3A_684 = vector.shape_cast %swap3A_683 : vector<1x1x16xf32> to vector<16xf32>
        %swap3A_685 = vector.shape_cast %add3A_678 : vector<16xf32> to vector<1x1x16xf32>
        tpu.vector_store %arg10[%swap3A_680, %swap3A_681, %swap3A_682], %swap3A_685 {strides = array<i32>} : memref<128x1x128xf32, #tpu.memory_space<vmem>>, vector<1x1x16xf32>,
        %get3A_686 = arith.index_cast %add3A_655 : i32 to index
        %get3A_687 = arith.constant 32 : index
        %get3A_688 = tpu.vector_load %arg8[%get3A_686, %get3A_687] {strides = array<i32>} : memref<128x128xf32, #tpu.memory_space<vmem>>, vector<1x16xf32>,
        %get3A_689 = vector.shape_cast %get3A_688 : vector<1x16xf32> to vector<16xf32>
        %mul3A_690 = arith.constant 11.3137083 : f32
        %mul3A_691 = vector.broadcast %mul3A_690 : f32 to vector<16xf32>
        %mul3A_692 = arith.mulf %get3A_689, %mul3A_691 : vector<16xf32>
        %add3A_693 = arith.addf %mul3A_692, %get3A_118 : vector<16xf32>
        %swap3A_694 = arith.constant 0 : i32
        %swap3A_695 = arith.index_cast %add3A_655 : i32 to index
        %swap3A_696 = arith.index_cast %swap3A_694 : i32 to index
        %swap3A_697 = arith.constant 32 : index
        %swap3A_698 = tpu.vector_load %arg10[%swap3A_695, %swap3A_696, %swap3A_697] {strides = array<i32>} : memref<128x1x128xf32, #tpu.memory_space<vmem>>, vector<1x1x16xf32>,
        %swap3A_699 = vector.shape_cast %swap3A_698 : vector<1x1x16xf32> to vector<16xf32>
        %swap3A_700 = vector.shape_cast %add3A_693 : vector<16xf32> to vector<1x1x16xf32>
        tpu.vector_store %arg10[%swap3A_695, %swap3A_696, %swap3A_697], %swap3A_700 {strides = array<i32>} : memref<128x1x128xf32, #tpu.memory_space<vmem>>, vector<1x1x16xf32>,
        %get3A_701 = arith.index_cast %add3A_655 : i32 to index
        %get3A_702 = arith.constant 48 : index
        %get3A_703 = tpu.vector_load %arg8[%get3A_701, %get3A_702] {strides = array<i32>} : memref<128x128xf32, #tpu.memory_space<vmem>>, vector<1x16xf32>,
        %get3A_704 = vector.shape_cast %get3A_703 : vector<1x16xf32> to vector<16xf32>
        %mul3A_705 = arith.constant 11.3137083 : f32
        %mul3A_706 = vector.broadcast %mul3A_705 : f32 to vector<16xf32>
        %mul3A_707 = arith.mulf %get3A_704, %mul3A_706 : vector<16xf32>
        %add3A_708 = arith.addf %mul3A_707, %get3A_122 : vector<16xf32>
        %swap3A_709 = arith.constant 0 : i32
        %swap3A_710 = arith.index_cast %add3A_655 : i32 to index
        %swap3A_711 = arith.index_cast %swap3A_709 : i32 to index
        %swap3A_712 = arith.constant 48 : index
        %swap3A_713 = tpu.vector_load %arg10[%swap3A_710, %swap3A_711, %swap3A_712] {strides = array<i32>} : memref<128x1x128xf32, #tpu.memory_space<vmem>>, vector<1x1x16xf32>,
        %swap3A_714 = vector.shape_cast %swap3A_713 : vector<1x1x16xf32> to vector<16xf32>
        %swap3A_715 = vector.shape_cast %add3A_708 : vector<16xf32> to vector<1x1x16xf32>
        tpu.vector_store %arg10[%swap3A_710, %swap3A_711, %swap3A_712], %swap3A_715 {strides = array<i32>} : memref<128x1x128xf32, #tpu.memory_space<vmem>>, vector<1x1x16xf32>,
        %get3A_716 = arith.index_cast %add3A_655 : i32 to index
        %get3A_717 = arith.constant 64 : index
        %get3A_718 = tpu.vector_load %arg8[%get3A_716, %get3A_717] {strides = array<i32>} : memref<128x128xf32, #tpu.memory_space<vmem>>, vector<1x16xf32>,
        %get3A_719 = vector.shape_cast %get3A_718 : vector<1x16xf32> to vector<16xf32>
        %mul3A_720 = arith.constant 11.3137083 : f32
        %mul3A_721 = vector.broadcast %mul3A_720 : f32 to vector<16xf32>
        %mul3A_722 = arith.mulf %get3A_719, %mul3A_721 : vector<16xf32>
        %add3A_723 = arith.addf %mul3A_722, %get3A_126 : vector<16xf32>
        %swap3A_724 = arith.constant 0 : i32
        %swap3A_725 = arith.index_cast %add3A_655 : i32 to index
        %swap3A_726 = arith.index_cast %swap3A_724 : i32 to index
        %swap3A_727 = arith.constant 64 : index
        %swap3A_728 = tpu.vector_load %arg10[%swap3A_725, %swap3A_726, %swap3A_727] {strides = array<i32>} : memref<128x1x128xf32, #tpu.memory_space<vmem>>, vector<1x1x16xf32>,
        %swap3A_729 = vector.shape_cast %swap3A_728 : vector<1x1x16xf32> to vector<16xf32>
        %swap3A_730 = vector.shape_cast %add3A_723 : vector<16xf32> to vector<1x1x16xf32>
        tpu.vector_store %arg10[%swap3A_725, %swap3A_726, %swap3A_727], %swap3A_730 {strides = array<i32>} : memref<128x1x128xf32, #tpu.memory_space<vmem>>, vector<1x1x16xf32>,
        %get3A_731 = arith.index_cast %add3A_655 : i32 to index
        %get3A_732 = arith.constant 80 : index
        %get3A_733 = tpu.vector_load %arg8[%get3A_731, %get3A_732] {strides = array<i32>} : memref<128x128xf32, #tpu.memory_space<vmem>>, vector<1x16xf32>,
        %get3A_734 = vector.shape_cast %get3A_733 : vector<1x16xf32> to vector<16xf32>
        %mul3A_735 = arith.constant 11.3137083 : f32
        %mul3A_736 = vector.broadcast %mul3A_735 : f32 to vector<16xf32>
        %mul3A_737 = arith.mulf %get3A_734, %mul3A_736 : vector<16xf32>
        %add3A_738 = arith.addf %mul3A_737, %get3A_130 : vector<16xf32>
        %swap3A_739 = arith.constant 0 : i32
        %swap3A_740 = arith.index_cast %add3A_655 : i32 to index
        %swap3A_741 = arith.index_cast %swap3A_739 : i32 to index
        %swap3A_742 = arith.constant 80 : index
        %swap3A_743 = tpu.vector_load %arg10[%swap3A_740, %swap3A_741, %swap3A_742] {strides = array<i32>} : memref<128x1x128xf32, #tpu.memory_space<vmem>>, vector<1x1x16xf32>,
        %swap3A_744 = vector.shape_cast %swap3A_743 : vector<1x1x16xf32> to vector<16xf32>
        %swap3A_745 = vector.shape_cast %add3A_738 : vector<16xf32> to vector<1x1x16xf32>
        tpu.vector_store %arg10[%swap3A_740, %swap3A_741, %swap3A_742], %swap3A_745 {strides = array<i32>} : memref<128x1x128xf32, #tpu.memory_space<vmem>>, vector<1x1x16xf32>,
        %get3A_746 = arith.index_cast %add3A_655 : i32 to index
        %get3A_747 = arith.constant 96 : index
        %get3A_748 = tpu.vector_load %arg8[%get3A_746, %get3A_747] {strides = array<i32>} : memref<128x128xf32, #tpu.memory_space<vmem>>, vector<1x16xf32>,
        %get3A_749 = vector.shape_cast %get3A_748 : vector<1x16xf32> to vector<16xf32>
        %mul3A_750 = arith.constant 11.3137083 : f32
        %mul3A_751 = vector.broadcast %mul3A_750 : f32 to vector<16xf32>
        %mul3A_752 = arith.mulf %get3A_749, %mul3A_751 : vector<16xf32>
        %add3A_753 = arith.addf %mul3A_752, %get3A_134 : vector<16xf32>
        %swap3A_754 = arith.constant 0 : i32
        %swap3A_755 = arith.index_cast %add3A_655 : i32 to index
        %swap3A_756 = arith.index_cast %swap3A_754 : i32 to index
        %swap3A_757 = arith.constant 96 : index
        %swap3A_758 = tpu.vector_load %arg10[%swap3A_755, %swap3A_756, %swap3A_757] {strides = array<i32>} : memref<128x1x128xf32, #tpu.memory_space<vmem>>, vector<1x1x16xf32>,
        %swap3A_759 = vector.shape_cast %swap3A_758 : vector<1x1x16xf32> to vector<16xf32>
        %swap3A_760 = vector.shape_cast %add3A_753 : vector<16xf32> to vector<1x1x16xf32>
        tpu.vector_store %arg10[%swap3A_755, %swap3A_756, %swap3A_757], %swap3A_760 {strides = array<i32>} : memref<128x1x128xf32, #tpu.memory_space<vmem>>, vector<1x1x16xf32>,
        %get3A_761 = arith.index_cast %add3A_655 : i32 to index
        %get3A_762 = arith.constant 112 : index
        %get3A_763 = tpu.vector_load %arg8[%get3A_761, %get3A_762] {strides = array<i32>} : memref<128x128xf32, #tpu.memory_space<vmem>>, vector<1x16xf32>,
        %get3A_764 = vector.shape_cast %get3A_763 : vector<1x16xf32> to vector<16xf32>
        %mul3A_765 = arith.constant 11.3137083 : f32
        %mul3A_766 = vector.broadcast %mul3A_765 : f32 to vector<16xf32>
        %mul3A_767 = arith.mulf %get3A_764, %mul3A_766 : vector<16xf32>
        %add3A_768 = arith.addf %mul3A_767, %get3A_138 : vector<16xf32>
        %swap3A_769 = arith.constant 0 : i32
        %swap3A_770 = arith.index_cast %add3A_655 : i32 to index
        %swap3A_771 = arith.index_cast %swap3A_769 : i32 to index
        %swap3A_772 = arith.constant 112 : index
        %swap3A_773 = tpu.vector_load %arg10[%swap3A_770, %swap3A_771, %swap3A_772] {strides = array<i32>} : memref<128x1x128xf32, #tpu.memory_space<vmem>>, vector<1x1x16xf32>,
        %swap3A_774 = vector.shape_cast %swap3A_773 : vector<1x1x16xf32> to vector<16xf32>
        %swap3A_775 = vector.shape_cast %add3A_768 : vector<16xf32> to vector<1x1x16xf32>
        tpu.vector_store %arg10[%swap3A_770, %swap3A_771, %swap3A_772], %swap3A_775 {strides = array<i32>} : memref<128x1x128xf32, #tpu.memory_space<vmem>>, vector<1x1x16xf32>,
        %mul3A_776 = arith.constant 8 : i32
        %mul3A_777 = arith.muli %scan3A_156, %mul3A_776 : i32
        %add3A_778 = arith.constant 5 : i32
        %add3A_779 = arith.addi %mul3A_777, %add3A_778 : i32
        %get3A_780 = arith.index_cast %add3A_779 : i32 to index
        %get3A_781 = arith.constant 0 : index
        %get3A_782 = tpu.vector_load %arg8[%get3A_780, %get3A_781] {strides = array<i32>} : memref<128x128xf32, #tpu.memory_space<vmem>>, vector<1x16xf32>,
        %get3A_783 = vector.shape_cast %get3A_782 : vector<1x16xf32> to vector<16xf32>
        %mul3A_784 = arith.constant 11.3137083 : f32
        %mul3A_785 = vector.broadcast %mul3A_784 : f32 to vector<16xf32>
        %mul3A_786 = arith.mulf %get3A_783, %mul3A_785 : vector<16xf32>
        %add3A_787 = arith.addf %mul3A_786, %get3A_110 : vector<16xf32>
        %swap3A_788 = arith.constant 0 : i32
        %swap3A_789 = arith.index_cast %add3A_779 : i32 to index
        %swap3A_790 = arith.index_cast %swap3A_788 : i32 to index
        %swap3A_791 = arith.constant 0 : index
        %swap3A_792 = tpu.vector_load %arg10[%swap3A_789, %swap3A_790, %swap3A_791] {strides = array<i32>} : memref<128x1x128xf32, #tpu.memory_space<vmem>>, vector<1x1x16xf32>,
        %swap3A_793 = vector.shape_cast %swap3A_792 : vector<1x1x16xf32> to vector<16xf32>
        %swap3A_794 = vector.shape_cast %add3A_787 : vector<16xf32> to vector<1x1x16xf32>
        tpu.vector_store %arg10[%swap3A_789, %swap3A_790, %swap3A_791], %swap3A_794 {strides = array<i32>} : memref<128x1x128xf32, #tpu.memory_space<vmem>>, vector<1x1x16xf32>,
        %get3A_795 = arith.index_cast %add3A_779 : i32 to index
        %get3A_796 = arith.constant 16 : index
        %get3A_797 = tpu.vector_load %arg8[%get3A_795, %get3A_796] {strides = array<i32>} : memref<128x128xf32, #tpu.memory_space<vmem>>, vector<1x16xf32>,
        %get3A_798 = vector.shape_cast %get3A_797 : vector<1x16xf32> to vector<16xf32>
        %mul3A_799 = arith.constant 11.3137083 : f32
        %mul3A_800 = vector.broadcast %mul3A_799 : f32 to vector<16xf32>
        %mul3A_801 = arith.mulf %get3A_798, %mul3A_800 : vector<16xf32>
        %add3A_802 = arith.addf %mul3A_801, %get3A_114 : vector<16xf32>
        %swap3A_803 = arith.constant 0 : i32
        %swap3A_804 = arith.index_cast %add3A_779 : i32 to index
        %swap3A_805 = arith.index_cast %swap3A_803 : i32 to index
        %swap3A_806 = arith.constant 16 : index
        %swap3A_807 = tpu.vector_load %arg10[%swap3A_804, %swap3A_805, %swap3A_806] {strides = array<i32>} : memref<128x1x128xf32, #tpu.memory_space<vmem>>, vector<1x1x16xf32>,
        %swap3A_808 = vector.shape_cast %swap3A_807 : vector<1x1x16xf32> to vector<16xf32>
        %swap3A_809 = vector.shape_cast %add3A_802 : vector<16xf32> to vector<1x1x16xf32>
        tpu.vector_store %arg10[%swap3A_804, %swap3A_805, %swap3A_806], %swap3A_809 {strides = array<i32>} : memref<128x1x128xf32, #tpu.memory_space<vmem>>, vector<1x1x16xf32>,
        %get3A_810 = arith.index_cast %add3A_779 : i32 to index
        %get3A_811 = arith.constant 32 : index
        %get3A_812 = tpu.vector_load %arg8[%get3A_810, %get3A_811] {strides = array<i32>} : memref<128x128xf32, #tpu.memory_space<vmem>>, vector<1x16xf32>,
        %get3A_813 = vector.shape_cast %get3A_812 : vector<1x16xf32> to vector<16xf32>
        %mul3A_814 = arith.constant 11.3137083 : f32
        %mul3A_815 = vector.broadcast %mul3A_814 : f32 to vector<16xf32>
        %mul3A_816 = arith.mulf %get3A_813, %mul3A_815 : vector<16xf32>
        %add3A_817 = arith.addf %mul3A_816, %get3A_118 : vector<16xf32>
        %swap3A_818 = arith.constant 0 : i32
        %swap3A_819 = arith.index_cast %add3A_779 : i32 to index
        %swap3A_820 = arith.index_cast %swap3A_818 : i32 to index
        %swap3A_821 = arith.constant 32 : index
        %swap3A_822 = tpu.vector_load %arg10[%swap3A_819, %swap3A_820, %swap3A_821] {strides = array<i32>} : memref<128x1x128xf32, #tpu.memory_space<vmem>>, vector<1x1x16xf32>,
        %swap3A_823 = vector.shape_cast %swap3A_822 : vector<1x1x16xf32> to vector<16xf32>
        %swap3A_824 = vector.shape_cast %add3A_817 : vector<16xf32> to vector<1x1x16xf32>
        tpu.vector_store %arg10[%swap3A_819, %swap3A_820, %swap3A_821], %swap3A_824 {strides = array<i32>} : memref<128x1x128xf32, #tpu.memory_space<vmem>>, vector<1x1x16xf32>,
        %get3A_825 = arith.index_cast %add3A_779 : i32 to index
        %get3A_826 = arith.constant 48 : index
        %get3A_827 = tpu.vector_load %arg8[%get3A_825, %get3A_826] {strides = array<i32>} : memref<128x128xf32, #tpu.memory_space<vmem>>, vector<1x16xf32>,
        %get3A_828 = vector.shape_cast %get3A_827 : vector<1x16xf32> to vector<16xf32>
        %mul3A_829 = arith.constant 11.3137083 : f32
        %mul3A_830 = vector.broadcast %mul3A_829 : f32 to vector<16xf32>
        %mul3A_831 = arith.mulf %get3A_828, %mul3A_830 : vector<16xf32>
        %add3A_832 = arith.addf %mul3A_831, %get3A_122 : vector<16xf32>
        %swap3A_833 = arith.constant 0 : i32
        %swap3A_834 = arith.index_cast %add3A_779 : i32 to index
        %swap3A_835 = arith.index_cast %swap3A_833 : i32 to index
        %swap3A_836 = arith.constant 48 : index
        %swap3A_837 = tpu.vector_load %arg10[%swap3A_834, %swap3A_835, %swap3A_836] {strides = array<i32>} : memref<128x1x128xf32, #tpu.memory_space<vmem>>, vector<1x1x16xf32>,
        %swap3A_838 = vector.shape_cast %swap3A_837 : vector<1x1x16xf32> to vector<16xf32>
        %swap3A_839 = vector.shape_cast %add3A_832 : vector<16xf32> to vector<1x1x16xf32>
        tpu.vector_store %arg10[%swap3A_834, %swap3A_835, %swap3A_836], %swap3A_839 {strides = array<i32>} : memref<128x1x128xf32, #tpu.memory_space<vmem>>, vector<1x1x16xf32>,
        %get3A_840 = arith.index_cast %add3A_779 : i32 to index
        %get3A_841 = arith.constant 64 : index
        %get3A_842 = tpu.vector_load %arg8[%get3A_840, %get3A_841] {strides = array<i32>} : memref<128x128xf32, #tpu.memory_space<vmem>>, vector<1x16xf32>,
        %get3A_843 = vector.shape_cast %get3A_842 : vector<1x16xf32> to vector<16xf32>
        %mul3A_844 = arith.constant 11.3137083 : f32
        %mul3A_845 = vector.broadcast %mul3A_844 : f32 to vector<16xf32>
        %mul3A_846 = arith.mulf %get3A_843, %mul3A_845 : vector<16xf32>
        %add3A_847 = arith.addf %mul3A_846, %get3A_126 : vector<16xf32>
        %swap3A_848 = arith.constant 0 : i32
        %swap3A_849 = arith.index_cast %add3A_779 : i32 to index
        %swap3A_850 = arith.index_cast %swap3A_848 : i32 to index
        %swap3A_851 = arith.constant 64 : index
        %swap3A_852 = tpu.vector_load %arg10[%swap3A_849, %swap3A_850, %swap3A_851] {strides = array<i32>} : memref<128x1x128xf32, #tpu.memory_space<vmem>>, vector<1x1x16xf32>,
        %swap3A_853 = vector.shape_cast %swap3A_852 : vector<1x1x16xf32> to vector<16xf32>
        %swap3A_854 = vector.shape_cast %add3A_847 : vector<16xf32> to vector<1x1x16xf32>
        tpu.vector_store %arg10[%swap3A_849, %swap3A_850, %swap3A_851], %swap3A_854 {strides = array<i32>} : memref<128x1x128xf32, #tpu.memory_space<vmem>>, vector<1x1x16xf32>,
        %get3A_855 = arith.index_cast %add3A_779 : i32 to index
        %get3A_856 = arith.constant 80 : index
        %get3A_857 = tpu.vector_load %arg8[%get3A_855, %get3A_856] {strides = array<i32>} : memref<128x128xf32, #tpu.memory_space<vmem>>, vector<1x16xf32>,
        %get3A_858 = vector.shape_cast %get3A_857 : vector<1x16xf32> to vector<16xf32>
        %mul3A_859 = arith.constant 11.3137083 : f32
        %mul3A_860 = vector.broadcast %mul3A_859 : f32 to vector<16xf32>
        %mul3A_861 = arith.mulf %get3A_858, %mul3A_860 : vector<16xf32>
        %add3A_862 = arith.addf %mul3A_861, %get3A_130 : vector<16xf32>
        %swap3A_863 = arith.constant 0 : i32
        %swap3A_864 = arith.index_cast %add3A_779 : i32 to index
        %swap3A_865 = arith.index_cast %swap3A_863 : i32 to index
        %swap3A_866 = arith.constant 80 : index
        %swap3A_867 = tpu.vector_load %arg10[%swap3A_864, %swap3A_865, %swap3A_866] {strides = array<i32>} : memref<128x1x128xf32, #tpu.memory_space<vmem>>, vector<1x1x16xf32>,
        %swap3A_868 = vector.shape_cast %swap3A_867 : vector<1x1x16xf32> to vector<16xf32>
        %swap3A_869 = vector.shape_cast %add3A_862 : vector<16xf32> to vector<1x1x16xf32>
        tpu.vector_store %arg10[%swap3A_864, %swap3A_865, %swap3A_866], %swap3A_869 {strides = array<i32>} : memref<128x1x128xf32, #tpu.memory_space<vmem>>, vector<1x1x16xf32>,
        %get3A_870 = arith.index_cast %add3A_779 : i32 to index
        %get3A_871 = arith.constant 96 : index
        %get3A_872 = tpu.vector_load %arg8[%get3A_870, %get3A_871] {strides = array<i32>} : memref<128x128xf32, #tpu.memory_space<vmem>>, vector<1x16xf32>,
        %get3A_873 = vector.shape_cast %get3A_872 : vector<1x16xf32> to vector<16xf32>
        %mul3A_874 = arith.constant 11.3137083 : f32
        %mul3A_875 = vector.broadcast %mul3A_874 : f32 to vector<16xf32>
        %mul3A_876 = arith.mulf %get3A_873, %mul3A_875 : vector<16xf32>
        %add3A_877 = arith.addf %mul3A_876, %get3A_134 : vector<16xf32>
        %swap3A_878 = arith.constant 0 : i32
        %swap3A_879 = arith.index_cast %add3A_779 : i32 to index
        %swap3A_880 = arith.index_cast %swap3A_878 : i32 to index
        %swap3A_881 = arith.constant 96 : index
        %swap3A_882 = tpu.vector_load %arg10[%swap3A_879, %swap3A_880, %swap3A_881] {strides = array<i32>} : memref<128x1x128xf32, #tpu.memory_space<vmem>>, vector<1x1x16xf32>,
        %swap3A_883 = vector.shape_cast %swap3A_882 : vector<1x1x16xf32> to vector<16xf32>
        %swap3A_884 = vector.shape_cast %add3A_877 : vector<16xf32> to vector<1x1x16xf32>
        tpu.vector_store %arg10[%swap3A_879, %swap3A_880, %swap3A_881], %swap3A_884 {strides = array<i32>} : memref<128x1x128xf32, #tpu.memory_space<vmem>>, vector<1x1x16xf32>,
        %get3A_885 = arith.index_cast %add3A_779 : i32 to index
        %get3A_886 = arith.constant 112 : index
        %get3A_887 = tpu.vector_load %arg8[%get3A_885, %get3A_886] {strides = array<i32>} : memref<128x128xf32, #tpu.memory_space<vmem>>, vector<1x16xf32>,
        %get3A_888 = vector.shape_cast %get3A_887 : vector<1x16xf32> to vector<16xf32>
        %mul3A_889 = arith.constant 11.3137083 : f32
        %mul3A_890 = vector.broadcast %mul3A_889 : f32 to vector<16xf32>
        %mul3A_891 = arith.mulf %get3A_888, %mul3A_890 : vector<16xf32>
        %add3A_892 = arith.addf %mul3A_891, %get3A_138 : vector<16xf32>
        %swap3A_893 = arith.constant 0 : i32
        %swap3A_894 = arith.index_cast %add3A_779 : i32 to index
        %swap3A_895 = arith.index_cast %swap3A_893 : i32 to index
        %swap3A_896 = arith.constant 112 : index
        %swap3A_897 = tpu.vector_load %arg10[%swap3A_894, %swap3A_895, %swap3A_896] {strides = array<i32>} : memref<128x1x128xf32, #tpu.memory_space<vmem>>, vector<1x1x16xf32>,
        %swap3A_898 = vector.shape_cast %swap3A_897 : vector<1x1x16xf32> to vector<16xf32>
        %swap3A_899 = vector.shape_cast %add3A_892 : vector<16xf32> to vector<1x1x16xf32>
        tpu.vector_store %arg10[%swap3A_894, %swap3A_895, %swap3A_896], %swap3A_899 {strides = array<i32>} : memref<128x1x128xf32, #tpu.memory_space<vmem>>, vector<1x1x16xf32>,
        %mul3A_900 = arith.constant 8 : i32
        %mul3A_901 = arith.muli %scan3A_156, %mul3A_900 : i32
        %add3A_902 = arith.constant 6 : i32
        %add3A_903 = arith.addi %mul3A_901, %add3A_902 : i32
        %get3A_904 = arith.index_cast %add3A_903 : i32 to index
        %get3A_905 = arith.constant 0 : index
        %get3A_906 = tpu.vector_load %arg8[%get3A_904, %get3A_905] {strides = array<i32>} : memref<128x128xf32, #tpu.memory_space<vmem>>, vector<1x16xf32>,
        %get3A_907 = vector.shape_cast %get3A_906 : vector<1x16xf32> to vector<16xf32>
        %mul3A_908 = arith.constant 11.3137083 : f32
        %mul3A_909 = vector.broadcast %mul3A_908 : f32 to vector<16xf32>
        %mul3A_910 = arith.mulf %get3A_907, %mul3A_909 : vector<16xf32>
        %add3A_911 = arith.addf %mul3A_910, %get3A_110 : vector<16xf32>
        %swap3A_912 = arith.constant 0 : i32
        %swap3A_913 = arith.index_cast %add3A_903 : i32 to index
        %swap3A_914 = arith.index_cast %swap3A_912 : i32 to index
        %swap3A_915 = arith.constant 0 : index
        %swap3A_916 = tpu.vector_load %arg10[%swap3A_913, %swap3A_914, %swap3A_915] {strides = array<i32>} : memref<128x1x128xf32, #tpu.memory_space<vmem>>, vector<1x1x16xf32>,
        %swap3A_917 = vector.shape_cast %swap3A_916 : vector<1x1x16xf32> to vector<16xf32>
        %swap3A_918 = vector.shape_cast %add3A_911 : vector<16xf32> to vector<1x1x16xf32>
        tpu.vector_store %arg10[%swap3A_913, %swap3A_914, %swap3A_915], %swap3A_918 {strides = array<i32>} : memref<128x1x128xf32, #tpu.memory_space<vmem>>, vector<1x1x16xf32>,
        %get3A_919 = arith.index_cast %add3A_903 : i32 to index
        %get3A_920 = arith.constant 16 : index
        %get3A_921 = tpu.vector_load %arg8[%get3A_919, %get3A_920] {strides = array<i32>} : memref<128x128xf32, #tpu.memory_space<vmem>>, vector<1x16xf32>,
        %get3A_922 = vector.shape_cast %get3A_921 : vector<1x16xf32> to vector<16xf32>
        %mul3A_923 = arith.constant 11.3137083 : f32
        %mul3A_924 = vector.broadcast %mul3A_923 : f32 to vector<16xf32>
        %mul3A_925 = arith.mulf %get3A_922, %mul3A_924 : vector<16xf32>
        %add3A_926 = arith.addf %mul3A_925, %get3A_114 : vector<16xf32>
        %swap3A_927 = arith.constant 0 : i32
        %swap3A_928 = arith.index_cast %add3A_903 : i32 to index
        %swap3A_929 = arith.index_cast %swap3A_927 : i32 to index
        %swap3A_930 = arith.constant 16 : index
        %swap3A_931 = tpu.vector_load %arg10[%swap3A_928, %swap3A_929, %swap3A_930] {strides = array<i32>} : memref<128x1x128xf32, #tpu.memory_space<vmem>>, vector<1x1x16xf32>,
        %swap3A_932 = vector.shape_cast %swap3A_931 : vector<1x1x16xf32> to vector<16xf32>
        %swap3A_933 = vector.shape_cast %add3A_926 : vector<16xf32> to vector<1x1x16xf32>
        tpu.vector_store %arg10[%swap3A_928, %swap3A_929, %swap3A_930], %swap3A_933 {strides = array<i32>} : memref<128x1x128xf32, #tpu.memory_space<vmem>>, vector<1x1x16xf32>,
        %get3A_934 = arith.index_cast %add3A_903 : i32 to index
        %get3A_935 = arith.constant 32 : index
        %get3A_936 = tpu.vector_load %arg8[%get3A_934, %get3A_935] {strides = array<i32>} : memref<128x128xf32, #tpu.memory_space<vmem>>, vector<1x16xf32>,
        %get3A_937 = vector.shape_cast %get3A_936 : vector<1x16xf32> to vector<16xf32>
        %mul3A_938 = arith.constant 11.3137083 : f32
        %mul3A_939 = vector.broadcast %mul3A_938 : f32 to vector<16xf32>
        %mul3A_940 = arith.mulf %get3A_937, %mul3A_939 : vector<16xf32>
        %add3A_941 = arith.addf %mul3A_940, %get3A_118 : vector<16xf32>
        %swap3A_942 = arith.constant 0 : i32
        %swap3A_943 = arith.index_cast %add3A_903 : i32 to index
        %swap3A_944 = arith.index_cast %swap3A_942 : i32 to index
        %swap3A_945 = arith.constant 32 : index
        %swap3A_946 = tpu.vector_load %arg10[%swap3A_943, %swap3A_944, %swap3A_945] {strides = array<i32>} : memref<128x1x128xf32, #tpu.memory_space<vmem>>, vector<1x1x16xf32>,
        %swap3A_947 = vector.shape_cast %swap3A_946 : vector<1x1x16xf32> to vector<16xf32>
        %swap3A_948 = vector.shape_cast %add3A_941 : vector<16xf32> to vector<1x1x16xf32>
        tpu.vector_store %arg10[%swap3A_943, %swap3A_944, %swap3A_945], %swap3A_948 {strides = array<i32>} : memref<128x1x128xf32, #tpu.memory_space<vmem>>, vector<1x1x16xf32>,
        %get3A_949 = arith.index_cast %add3A_903 : i32 to index
        %get3A_950 = arith.constant 48 : index
        %get3A_951 = tpu.vector_load %arg8[%get3A_949, %get3A_950] {strides = array<i32>} : memref<128x128xf32, #tpu.memory_space<vmem>>, vector<1x16xf32>,
        %get3A_952 = vector.shape_cast %get3A_951 : vector<1x16xf32> to vector<16xf32>
        %mul3A_953 = arith.constant 11.3137083 : f32
        %mul3A_954 = vector.broadcast %mul3A_953 : f32 to vector<16xf32>
        %mul3A_955 = arith.mulf %get3A_952, %mul3A_954 : vector<16xf32>
        %add3A_956 = arith.addf %mul3A_955, %get3A_122 : vector<16xf32>
        %swap3A_957 = arith.constant 0 : i32
        %swap3A_958 = arith.index_cast %add3A_903 : i32 to index
        %swap3A_959 = arith.index_cast %swap3A_957 : i32 to index
        %swap3A_960 = arith.constant 48 : index
        %swap3A_961 = tpu.vector_load %arg10[%swap3A_958, %swap3A_959, %swap3A_960] {strides = array<i32>} : memref<128x1x128xf32, #tpu.memory_space<vmem>>, vector<1x1x16xf32>,
        %swap3A_962 = vector.shape_cast %swap3A_961 : vector<1x1x16xf32> to vector<16xf32>
        %swap3A_963 = vector.shape_cast %add3A_956 : vector<16xf32> to vector<1x1x16xf32>
        tpu.vector_store %arg10[%swap3A_958, %swap3A_959, %swap3A_960], %swap3A_963 {strides = array<i32>} : memref<128x1x128xf32, #tpu.memory_space<vmem>>, vector<1x1x16xf32>,
        %get3A_964 = arith.index_cast %add3A_903 : i32 to index
        %get3A_965 = arith.constant 64 : index
        %get3A_966 = tpu.vector_load %arg8[%get3A_964, %get3A_965] {strides = array<i32>} : memref<128x128xf32, #tpu.memory_space<vmem>>, vector<1x16xf32>,
        %get3A_967 = vector.shape_cast %get3A_966 : vector<1x16xf32> to vector<16xf32>
        %mul3A_968 = arith.constant 11.3137083 : f32
        %mul3A_969 = vector.broadcast %mul3A_968 : f32 to vector<16xf32>
        %mul3A_970 = arith.mulf %get3A_967, %mul3A_969 : vector<16xf32>
        %add3A_971 = arith.addf %mul3A_970, %get3A_126 : vector<16xf32>
        %swap3A_972 = arith.constant 0 : i32
        %swap3A_973 = arith.index_cast %add3A_903 : i32 to index
        %swap3A_974 = arith.index_cast %swap3A_972 : i32 to index
        %swap3A_975 = arith.constant 64 : index
        %swap3A_976 = tpu.vector_load %arg10[%swap3A_973, %swap3A_974, %swap3A_975] {strides = array<i32>} : memref<128x1x128xf32, #tpu.memory_space<vmem>>, vector<1x1x16xf32>,
        %swap3A_977 = vector.shape_cast %swap3A_976 : vector<1x1x16xf32> to vector<16xf32>
        %swap3A_978 = vector.shape_cast %add3A_971 : vector<16xf32> to vector<1x1x16xf32>
        tpu.vector_store %arg10[%swap3A_973, %swap3A_974, %swap3A_975], %swap3A_978 {strides = array<i32>} : memref<128x1x128xf32, #tpu.memory_space<vmem>>, vector<1x1x16xf32>,
        %get3A_979 = arith.index_cast %add3A_903 : i32 to index
        %get3A_980 = arith.constant 80 : index
        %get3A_981 = tpu.vector_load %arg8[%get3A_979, %get3A_980] {strides = array<i32>} : memref<128x128xf32, #tpu.memory_space<vmem>>, vector<1x16xf32>,
        %get3A_982 = vector.shape_cast %get3A_981 : vector<1x16xf32> to vector<16xf32>
        %mul3A_983 = arith.constant 11.3137083 : f32
        %mul3A_984 = vector.broadcast %mul3A_983 : f32 to vector<16xf32>
        %mul3A_985 = arith.mulf %get3A_982, %mul3A_984 : vector<16xf32>
        %add3A_986 = arith.addf %mul3A_985, %get3A_130 : vector<16xf32>
        %swap3A_987 = arith.constant 0 : i32
        %swap3A_988 = arith.index_cast %add3A_903 : i32 to index
        %swap3A_989 = arith.index_cast %swap3A_987 : i32 to index
        %swap3A_990 = arith.constant 80 : index
        %swap3A_991 = tpu.vector_load %arg10[%swap3A_988, %swap3A_989, %swap3A_990] {strides = array<i32>} : memref<128x1x128xf32, #tpu.memory_space<vmem>>, vector<1x1x16xf32>,
        %swap3A_992 = vector.shape_cast %swap3A_991 : vector<1x1x16xf32> to vector<16xf32>
        %swap3A_993 = vector.shape_cast %add3A_986 : vector<16xf32> to vector<1x1x16xf32>
        tpu.vector_store %arg10[%swap3A_988, %swap3A_989, %swap3A_990], %swap3A_993 {strides = array<i32>} : memref<128x1x128xf32, #tpu.memory_space<vmem>>, vector<1x1x16xf32>,
        %get3A_994 = arith.index_cast %add3A_903 : i32 to index
        %get3A_995 = arith.constant 96 : index
        %get3A_996 = tpu.vector_load %arg8[%get3A_994, %get3A_995] {strides = array<i32>} : memref<128x128xf32, #tpu.memory_space<vmem>>, vector<1x16xf32>,
        %get3A_997 = vector.shape_cast %get3A_996 : vector<1x16xf32> to vector<16xf32>
        %mul3A_998 = arith.constant 11.3137083 : f32
        %mul3A_999 = vector.broadcast %mul3A_998 : f32 to vector<16xf32>
        %mul3A_1000 = arith.mulf %get3A_997, %mul3A_999 : vector<16xf32>
        %add3A_1001 = arith.addf %mul3A_1000, %get3A_134 : vector<16xf32>
        %swap3A_1002 = arith.constant 0 : i32
        %swap3A_1003 = arith.index_cast %add3A_903 : i32 to index
        %swap3A_1004 = arith.index_cast %swap3A_1002 : i32 to index
        %swap3A_1005 = arith.constant 96 : index
        %swap3A_1006 = tpu.vector_load %arg10[%swap3A_1003, %swap3A_1004, %swap3A_1005] {strides = array<i32>} : memref<128x1x128xf32, #tpu.memory_space<vmem>>, vector<1x1x16xf32>,
        %swap3A_1007 = vector.shape_cast %swap3A_1006 : vector<1x1x16xf32> to vector<16xf32>
        %swap3A_1008 = vector.shape_cast %add3A_1001 : vector<16xf32> to vector<1x1x16xf32>
        tpu.vector_store %arg10[%swap3A_1003, %swap3A_1004, %swap3A_1005], %swap3A_1008 {strides = array<i32>} : memref<128x1x128xf32, #tpu.memory_space<vmem>>, vector<1x1x16xf32>,
        %get3A_1009 = arith.index_cast %add3A_903 : i32 to index
        %get3A_1010 = arith.constant 112 : index
        %get3A_1011 = tpu.vector_load %arg8[%get3A_1009, %get3A_1010] {strides = array<i32>} : memref<128x128xf32, #tpu.memory_space<vmem>>, vector<1x16xf32>,
        %get3A_1012 = vector.shape_cast %get3A_1011 : vector<1x16xf32> to vector<16xf32>
        %mul3A_1013 = arith.constant 11.3137083 : f32
        %mul3A_1014 = vector.broadcast %mul3A_1013 : f32 to vector<16xf32>
        %mul3A_1015 = arith.mulf %get3A_1012, %mul3A_1014 : vector<16xf32>
        %add3A_1016 = arith.addf %mul3A_1015, %get3A_138 : vector<16xf32>
        %swap3A_1017 = arith.constant 0 : i32
        %swap3A_1018 = arith.index_cast %add3A_903 : i32 to index
        %swap3A_1019 = arith.index_cast %swap3A_1017 : i32 to index
        %swap3A_1020 = arith.constant 112 : index
        %swap3A_1021 = tpu.vector_load %arg10[%swap3A_1018, %swap3A_1019, %swap3A_1020] {strides = array<i32>} : memref<128x1x128xf32, #tpu.memory_space<vmem>>, vector<1x1x16xf32>,
        %swap3A_1022 = vector.shape_cast %swap3A_1021 : vector<1x1x16xf32> to vector<16xf32>
        %swap3A_1023 = vector.shape_cast %add3A_1016 : vector<16xf32> to vector<1x1x16xf32>
        tpu.vector_store %arg10[%swap3A_1018, %swap3A_1019, %swap3A_1020], %swap3A_1023 {strides = array<i32>} : memref<128x1x128xf32, #tpu.memory_space<vmem>>, vector<1x1x16xf32>,
        %mul3A_1024 = arith.constant 8 : i32
        %mul3A_1025 = arith.muli %scan3A_156, %mul3A_1024 : i32
        %add3A_1026 = arith.constant 7 : i32
        %add3A_1027 = arith.addi %mul3A_1025, %add3A_1026 : i32
        %get3A_1028 = arith.index_cast %add3A_1027 : i32 to index
        %get3A_1029 = arith.constant 0 : index
        %get3A_1030 = tpu.vector_load %arg8[%get3A_1028, %get3A_1029] {strides = array<i32>} : memref<128x128xf32, #tpu.memory_space<vmem>>, vector<1x16xf32>,
        %get3A_1031 = vector.shape_cast %get3A_1030 : vector<1x16xf32> to vector<16xf32>
        %mul3A_1032 = arith.constant 11.3137083 : f32
        %mul3A_1033 = vector.broadcast %mul3A_1032 : f32 to vector<16xf32>
        %mul3A_1034 = arith.mulf %get3A_1031, %mul3A_1033 : vector<16xf32>
        %add3A_1035 = arith.addf %mul3A_1034, %get3A_110 : vector<16xf32>
        %swap3A_1036 = arith.constant 0 : i32
        %swap3A_1037 = arith.index_cast %add3A_1027 : i32 to index
        %swap3A_1038 = arith.index_cast %swap3A_1036 : i32 to index
        %swap3A_1039 = arith.constant 0 : index
        %swap3A_1040 = tpu.vector_load %arg10[%swap3A_1037, %swap3A_1038, %swap3A_1039] {strides = array<i32>} : memref<128x1x128xf32, #tpu.memory_space<vmem>>, vector<1x1x16xf32>,
        %swap3A_1041 = vector.shape_cast %swap3A_1040 : vector<1x1x16xf32> to vector<16xf32>
        %swap3A_1042 = vector.shape_cast %add3A_1035 : vector<16xf32> to vector<1x1x16xf32>
        tpu.vector_store %arg10[%swap3A_1037, %swap3A_1038, %swap3A_1039], %swap3A_1042 {strides = array<i32>} : memref<128x1x128xf32, #tpu.memory_space<vmem>>, vector<1x1x16xf32>,
        %get3A_1043 = arith.index_cast %add3A_1027 : i32 to index
        %get3A_1044 = arith.constant 16 : index
        %get3A_1045 = tpu.vector_load %arg8[%get3A_1043, %get3A_1044] {strides = array<i32>} : memref<128x128xf32, #tpu.memory_space<vmem>>, vector<1x16xf32>,
        %get3A_1046 = vector.shape_cast %get3A_1045 : vector<1x16xf32> to vector<16xf32>
        %mul3A_1047 = arith.constant 11.3137083 : f32
        %mul3A_1048 = vector.broadcast %mul3A_1047 : f32 to vector<16xf32>
        %mul3A_1049 = arith.mulf %get3A_1046, %mul3A_1048 : vector<16xf32>
        %add3A_1050 = arith.addf %mul3A_1049, %get3A_114 : vector<16xf32>
        %swap3A_1051 = arith.constant 0 : i32
        %swap3A_1052 = arith.index_cast %add3A_1027 : i32 to index
        %swap3A_1053 = arith.index_cast %swap3A_1051 : i32 to index
        %swap3A_1054 = arith.constant 16 : index
        %swap3A_1055 = tpu.vector_load %arg10[%swap3A_1052, %swap3A_1053, %swap3A_1054] {strides = array<i32>} : memref<128x1x128xf32, #tpu.memory_space<vmem>>, vector<1x1x16xf32>,
        %swap3A_1056 = vector.shape_cast %swap3A_1055 : vector<1x1x16xf32> to vector<16xf32>
        %swap3A_1057 = vector.shape_cast %add3A_1050 : vector<16xf32> to vector<1x1x16xf32>
        tpu.vector_store %arg10[%swap3A_1052, %swap3A_1053, %swap3A_1054], %swap3A_1057 {strides = array<i32>} : memref<128x1x128xf32, #tpu.memory_space<vmem>>, vector<1x1x16xf32>,
        %get3A_1058 = arith.index_cast %add3A_1027 : i32 to index
        %get3A_1059 = arith.constant 32 : index
        %get3A_1060 = tpu.vector_load %arg8[%get3A_1058, %get3A_1059] {strides = array<i32>} : memref<128x128xf32, #tpu.memory_space<vmem>>, vector<1x16xf32>,
        %get3A_1061 = vector.shape_cast %get3A_1060 : vector<1x16xf32> to vector<16xf32>
        %mul3A_1062 = arith.constant 11.3137083 : f32
        %mul3A_1063 = vector.broadcast %mul3A_1062 : f32 to vector<16xf32>
        %mul3A_1064 = arith.mulf %get3A_1061, %mul3A_1063 : vector<16xf32>
        %add3A_1065 = arith.addf %mul3A_1064, %get3A_118 : vector<16xf32>
        %swap3A_1066 = arith.constant 0 : i32
        %swap3A_1067 = arith.index_cast %add3A_1027 : i32 to index
        %swap3A_1068 = arith.index_cast %swap3A_1066 : i32 to index
        %swap3A_1069 = arith.constant 32 : index
        %swap3A_1070 = tpu.vector_load %arg10[%swap3A_1067, %swap3A_1068, %swap3A_1069] {strides = array<i32>} : memref<128x1x128xf32, #tpu.memory_space<vmem>>, vector<1x1x16xf32>,
        %swap3A_1071 = vector.shape_cast %swap3A_1070 : vector<1x1x16xf32> to vector<16xf32>
        %swap3A_1072 = vector.shape_cast %add3A_1065 : vector<16xf32> to vector<1x1x16xf32>
        tpu.vector_store %arg10[%swap3A_1067, %swap3A_1068, %swap3A_1069], %swap3A_1072 {strides = array<i32>} : memref<128x1x128xf32, #tpu.memory_space<vmem>>, vector<1x1x16xf32>,
        %get3A_1073 = arith.index_cast %add3A_1027 : i32 to index
        %get3A_1074 = arith.constant 48 : index
        %get3A_1075 = tpu.vector_load %arg8[%get3A_1073, %get3A_1074] {strides = array<i32>} : memref<128x128xf32, #tpu.memory_space<vmem>>, vector<1x16xf32>,
        %get3A_1076 = vector.shape_cast %get3A_1075 : vector<1x16xf32> to vector<16xf32>
        %mul3A_1077 = arith.constant 11.3137083 : f32
        %mul3A_1078 = vector.broadcast %mul3A_1077 : f32 to vector<16xf32>
        %mul3A_1079 = arith.mulf %get3A_1076, %mul3A_1078 : vector<16xf32>
        %add3A_1080 = arith.addf %mul3A_1079, %get3A_122 : vector<16xf32>
        %swap3A_1081 = arith.constant 0 : i32
        %swap3A_1082 = arith.index_cast %add3A_1027 : i32 to index
        %swap3A_1083 = arith.index_cast %swap3A_1081 : i32 to index
        %swap3A_1084 = arith.constant 48 : index
        %swap3A_1085 = tpu.vector_load %arg10[%swap3A_1082, %swap3A_1083, %swap3A_1084] {strides = array<i32>} : memref<128x1x128xf32, #tpu.memory_space<vmem>>, vector<1x1x16xf32>,
        %swap3A_1086 = vector.shape_cast %swap3A_1085 : vector<1x1x16xf32> to vector<16xf32>
        %swap3A_1087 = vector.shape_cast %add3A_1080 : vector<16xf32> to vector<1x1x16xf32>
        tpu.vector_store %arg10[%swap3A_1082, %swap3A_1083, %swap3A_1084], %swap3A_1087 {strides = array<i32>} : memref<128x1x128xf32, #tpu.memory_space<vmem>>, vector<1x1x16xf32>,
        %get3A_1088 = arith.index_cast %add3A_1027 : i32 to index
        %get3A_1089 = arith.constant 64 : index
        %get3A_1090 = tpu.vector_load %arg8[%get3A_1088, %get3A_1089] {strides = array<i32>} : memref<128x128xf32, #tpu.memory_space<vmem>>, vector<1x16xf32>,
        %get3A_1091 = vector.shape_cast %get3A_1090 : vector<1x16xf32> to vector<16xf32>
        %mul3A_1092 = arith.constant 11.3137083 : f32
        %mul3A_1093 = vector.broadcast %mul3A_1092 : f32 to vector<16xf32>
        %mul3A_1094 = arith.mulf %get3A_1091, %mul3A_1093 : vector<16xf32>
        %add3A_1095 = arith.addf %mul3A_1094, %get3A_126 : vector<16xf32>
        %swap3A_1096 = arith.constant 0 : i32
        %swap3A_1097 = arith.index_cast %add3A_1027 : i32 to index
        %swap3A_1098 = arith.index_cast %swap3A_1096 : i32 to index
        %swap3A_1099 = arith.constant 64 : index
        %swap3A_1100 = tpu.vector_load %arg10[%swap3A_1097, %swap3A_1098, %swap3A_1099] {strides = array<i32>} : memref<128x1x128xf32, #tpu.memory_space<vmem>>, vector<1x1x16xf32>,
        %swap3A_1101 = vector.shape_cast %swap3A_1100 : vector<1x1x16xf32> to vector<16xf32>
        %swap3A_1102 = vector.shape_cast %add3A_1095 : vector<16xf32> to vector<1x1x16xf32>
        tpu.vector_store %arg10[%swap3A_1097, %swap3A_1098, %swap3A_1099], %swap3A_1102 {strides = array<i32>} : memref<128x1x128xf32, #tpu.memory_space<vmem>>, vector<1x1x16xf32>,
        %get3A_1103 = arith.index_cast %add3A_1027 : i32 to index
        %get3A_1104 = arith.constant 80 : index
        %get3A_1105 = tpu.vector_load %arg8[%get3A_1103, %get3A_1104] {strides = array<i32>} : memref<128x128xf32, #tpu.memory_space<vmem>>, vector<1x16xf32>,
        %get3A_1106 = vector.shape_cast %get3A_1105 : vector<1x16xf32> to vector<16xf32>
        %mul3A_1107 = arith.constant 11.3137083 : f32
        %mul3A_1108 = vector.broadcast %mul3A_1107 : f32 to vector<16xf32>
        %mul3A_1109 = arith.mulf %get3A_1106, %mul3A_1108 : vector<16xf32>
        %add3A_1110 = arith.addf %mul3A_1109, %get3A_130 : vector<16xf32>
        %swap3A_1111 = arith.constant 0 : i32
        %swap3A_1112 = arith.index_cast %add3A_1027 : i32 to index
        %swap3A_1113 = arith.index_cast %swap3A_1111 : i32 to index
        %swap3A_1114 = arith.constant 80 : index
        %swap3A_1115 = tpu.vector_load %arg10[%swap3A_1112, %swap3A_1113, %swap3A_1114] {strides = array<i32>} : memref<128x1x128xf32, #tpu.memory_space<vmem>>, vector<1x1x16xf32>,
        %swap3A_1116 = vector.shape_cast %swap3A_1115 : vector<1x1x16xf32> to vector<16xf32>
        %swap3A_1117 = vector.shape_cast %add3A_1110 : vector<16xf32> to vector<1x1x16xf32>
        tpu.vector_store %arg10[%swap3A_1112, %swap3A_1113, %swap3A_1114], %swap3A_1117 {strides = array<i32>} : memref<128x1x128xf32, #tpu.memory_space<vmem>>, vector<1x1x16xf32>,
        %get3A_1118 = arith.index_cast %add3A_1027 : i32 to index
        %get3A_1119 = arith.constant 96 : index
        %get3A_1120 = tpu.vector_load %arg8[%get3A_1118, %get3A_1119] {strides = array<i32>} : memref<128x128xf32, #tpu.memory_space<vmem>>, vector<1x16xf32>,
        %get3A_1121 = vector.shape_cast %get3A_1120 : vector<1x16xf32> to vector<16xf32>
        %mul3A_1122 = arith.constant 11.3137083 : f32
        %mul3A_1123 = vector.broadcast %mul3A_1122 : f32 to vector<16xf32>
        %mul3A_1124 = arith.mulf %get3A_1121, %mul3A_1123 : vector<16xf32>
        %add3A_1125 = arith.addf %mul3A_1124, %get3A_134 : vector<16xf32>
        %swap3A_1126 = arith.constant 0 : i32
        %swap3A_1127 = arith.index_cast %add3A_1027 : i32 to index
        %swap3A_1128 = arith.index_cast %swap3A_1126 : i32 to index
        %swap3A_1129 = arith.constant 96 : index
        %swap3A_1130 = tpu.vector_load %arg10[%swap3A_1127, %swap3A_1128, %swap3A_1129] {strides = array<i32>} : memref<128x1x128xf32, #tpu.memory_space<vmem>>, vector<1x1x16xf32>,
        %swap3A_1131 = vector.shape_cast %swap3A_1130 : vector<1x1x16xf32> to vector<16xf32>
        %swap3A_1132 = vector.shape_cast %add3A_1125 : vector<16xf32> to vector<1x1x16xf32>
        tpu.vector_store %arg10[%swap3A_1127, %swap3A_1128, %swap3A_1129], %swap3A_1132 {strides = array<i32>} : memref<128x1x128xf32, #tpu.memory_space<vmem>>, vector<1x1x16xf32>,
        %get3A_1133 = arith.index_cast %add3A_1027 : i32 to index
        %get3A_1134 = arith.constant 112 : index
        %get3A_1135 = tpu.vector_load %arg8[%get3A_1133, %get3A_1134] {strides = array<i32>} : memref<128x128xf32, #tpu.memory_space<vmem>>, vector<1x16xf32>,
        %get3A_1136 = vector.shape_cast %get3A_1135 : vector<1x16xf32> to vector<16xf32>
        %mul3A_1137 = arith.constant 11.3137083 : f32
        %mul3A_1138 = vector.broadcast %mul3A_1137 : f32 to vector<16xf32>
        %mul3A_1139 = arith.mulf %get3A_1136, %mul3A_1138 : vector<16xf32>
        %add3A_1140 = arith.addf %mul3A_1139, %get3A_138 : vector<16xf32>
        %swap3A_1141 = arith.constant 0 : i32
        %swap3A_1142 = arith.index_cast %add3A_1027 : i32 to index
        %swap3A_1143 = arith.index_cast %swap3A_1141 : i32 to index
        %swap3A_1144 = arith.constant 112 : index
        %swap3A_1145 = tpu.vector_load %arg10[%swap3A_1142, %swap3A_1143, %swap3A_1144] {strides = array<i32>} : memref<128x1x128xf32, #tpu.memory_space<vmem>>, vector<1x1x16xf32>,
        %swap3A_1146 = vector.shape_cast %swap3A_1145 : vector<1x1x16xf32> to vector<16xf32>
        %swap3A_1147 = vector.shape_cast %add3A_1140 : vector<16xf32> to vector<1x1x16xf32>
        tpu.vector_store %arg10[%swap3A_1142, %swap3A_1143, %swap3A_1144], %swap3A_1147 {strides = array<i32>} : memref<128x1x128xf32, #tpu.memory_space<vmem>>, vector<1x1x16xf32>,
      }
      %scan3A_144 = arith.constant 16 : i32
      %dma_start3A_145 = arith.constant 0 : i32
      %dma_start3A_146 = tpu.memref_slice %arg5[%mul3A_2, %add3A_95, %dma_start3A_145] : memref<4096x200x128xf32, #tpu.memory_space<hbm>> -> memref<128x1x128xf32, #tpu.memory_space<hbm>>
      %dma_start3A_147 = arith.constant 0 : i32
      %dma_start3A_148 = tpu.memref_slice %arg5[%mul3A_2, %add3A_95, %dma_start3A_147] : memref<4096x200x128xf32, #tpu.memory_space<hbm>> -> memref<128x1x128xf32, #tpu.memory_space<hbm>>
      tpu.enqueue_dma source(%arg10 : memref<128x1x128xf32, #tpu.memory_space<vmem>>) target(%dma_start3A_148 : memref<128x1x128xf32, #tpu.memory_space<hbm>>) target_semaphore(%arg15 : memref<!tpu.dma_semaphore, #tpu.memory_space<semaphore_mem>>)
      %add3A_149 = arith.constant 2 : i32
      %add3A_150 = arith.addi %add3A_95, %add3A_149 : i32
      %lt3A_151 = arith.constant 200 : i32
      %lt3A_152 = arith.cmpi slt, %add3A_150, %lt3A_151 : i32
      %convert_element_type3A_153 = arith.extui %lt3A_152 : i1 to i32
      %cond3A_154 = arith.constant 0 : i32
      %cond3A_155 = arith.cmpi ne, %convert_element_type3A_153, %cond3A_154 : i32
      scf.if %cond3A_155 {
        %add3A_156 = arith.constant 2 : i32
        %add3A_157 = arith.addi %add3A_95, %add3A_156 : i32
        %dma_start3A_158 = arith.constant 0 : i32
        %dma_start3A_159 = tpu.memref_slice %arg6[%add3A_157, %dma_start3A_158] : memref<200x128xi32, #tpu.memory_space<vmem>> -> memref<1x128xi32, #tpu.memory_space<vmem>>
        %dma_start3A_160 = tpu.memref_squeeze %dma_start3A_159 : memref<1x128xi32, #tpu.memory_space<vmem>> -> memref<128xi32, #tpu.memory_space<vmem>>
        %dma_start3A_161 = arith.constant 0 : i32
        %dma_start3A_162 = arith.constant 0 : i32
        %dma_start3A_163 = tpu.memref_slice %arg2[%dma_start3A_161, %dma_start3A_162] : memref<1000000x128xf32, #tpu.memory_space<hbm>> -> memref<1000000x128xf32, #tpu.memory_space<hbm>>
        tpu.enqueue_indirect_dma source(%dma_start3A_163 : memref<1000000x128xf32, #tpu.memory_space<hbm>>) target(%arg8 : memref<128x128xf32, #tpu.memory_space<vmem>>) offsets(%dma_start3A_160 : memref<128xi32, #tpu.memory_space<vmem>>) semaphore(%arg13 : memref<!tpu.dma_semaphore, #tpu.memory_space<semaphore_mem>>)
      } else {
      }
    }
    %scan3A_20 = arith.constant 100 : i32
    %dma_wait3A = arith.constant 198 : i32
    %dma_wait3A_21 = arith.constant 0 : i32
    %dma_wait3A_22 = tpu.memref_slice %arg5[%mul3A_2, %dma_wait3A, %dma_wait3A_21] : memref<4096x200x128xf32, #tpu.memory_space<hbm>> -> memref<128x1x128xf32, #tpu.memory_space<hbm>>
    %dma_wait3A_23 = arith.constant 198 : i32
    %dma_wait3A_24 = arith.constant 0 : i32
    %dma_wait3A_25 = tpu.memref_slice %arg5[%mul3A_2, %dma_wait3A_23, %dma_wait3A_24] : memref<4096x200x128xf32, #tpu.memory_space<hbm>> -> memref<128x1x128xf32, #tpu.memory_space<hbm>>
    tpu.wait_dma2 semaphore(%arg14 : memref<!tpu.dma_semaphore, #tpu.memory_space<semaphore_mem>>) src(%arg9 : memref<128x1x128xf32, #tpu.memory_space<vmem>>) dst(%dma_wait3A_25 : memref<128x1x128xf32, #tpu.memory_space<hbm>>)
    %dma_wait3A_26 = arith.constant 199 : i32
    %dma_wait3A_27 = arith.constant 0 : i32
    %dma_wait3A_28 = tpu.memref_slice %arg5[%mul3A_2, %dma_wait3A_26, %dma_wait3A_27] : memref<4096x200x128xf32, #tpu.memory_space<hbm>> -> memref<128x1x128xf32, #tpu.memory_space<hbm>>
    %dma_wait3A_29 = arith.constant 199 : i32
    %dma_wait3A_30 = arith.constant 0 : i32
    %dma_wait3A_31 = tpu.memref_slice %arg5[%mul3A_2, %dma_wait3A_29, %dma_wait3A_30] : memref<4096x200x128xf32, #tpu.memory_space<hbm>> -> memref<128x1x128xf32, #tpu.memory_space<hbm>>
    tpu.wait_dma2 semaphore(%arg15 : memref<!tpu.dma_semaphore, #tpu.memory_space<semaphore_mem>>) src(%arg10 : memref<128x1x128xf32, #tpu.memory_space<vmem>>) dst(%dma_wait3A_31 : memref<128x1x128xf32, #tpu.memory_space<hbm>>)
    return
  }
}

</mosaic_0001>

<sc_bundles>
// kernel: kernel.3.cloned.1.call-start
scs
__scs_entry_jumppad:
0x0: {  	(pc) =	sbr.rel $0x88, $3  }
0x1: {  	(tag) =	ssettag $0x0;
	lr =	simm.s32 $0x1  }
0x2: {  	[smem:$0x3F9E] =	sst lr;
	_ =	strace $0xD0000000  }
0x3: {  	_ = 	snop  }
0x4: {  	_ = 	snop  }
0x5: {  	_ = 	snop  }
0x6: {  	_ = 	snop  }
0x7: {  	_ = 	snop  }
__scs_overlays_trampoline_lowered:
0x8: {  	[smem:$0x3FAD] =	sst s0  }
0x9: {  	[smem:$0x3FAE] =	sst s1  }
0xa: {  	[smem:$0x3FAF] =	sst s2  }
0xb: {  	[smem:$0x3FB0] =	sst s3  }
0xc: {  	[smem:$0x3FB1] =	sst s4  }
0xd: {  	[smem:$0x3FB2] =	sst s5  }
0xe: {  	[smem:$0x3FB3] =	sst s6  }
0xf: {  	[smem:$0x3FB4] =	sst s7  }
0x10: {  	[smem:$0x3FB5] =	sst s8  }
0x11: {  	[smem:$0x3FB6] =	sst s9;
	s0 =	simm.s32 @!p0 $0x0  }
0x12: {  	s1 =	sld [smem:$0x3F9C];
	s0 =	simm.s32 @p0 $0x1  }
0x13: {  	[smem:$0x3FB7] =	sst s0;
	s0 =	simm.s32 @!p1 $0x0  }
0x14: {  	s2 =	sld [smem:$0x3F9B];
	s0 =	simm.s32 @p1 $0x1  }
0x15: {  	[smem:$0x3FB8] =	sst s0;
	s0 =	simm.s32 @!p2 $0x0  }
0x16: {  	s3 =	sld [smem:$0x3FDB];
	s0 =	simm.s32 @p2 $0x1  }
0x17: {  	s4 =	simm.s32 $0x1BF5;
	[smem:$0x3FBA] =	sst s0  }
0x18: {  	s0 =	sld [smem:$0x3F9D];
	_ =	swait.ge [sflag:s4], $0x0  }
0x19: {  	s7 =	sld [smem:$0x3F9E]  }
0x1a: {  	s8 =	sadd.s32 $0xFFFFE003, lr  }
0x1b: {  	s9 =	sadd.s32 $0xFFFFFEF7, lr;
	s5 =	simm.s32 $0xFFFFFFFF;
	p2 =	slt.u32 s8, $0xFFFFF086  }
0x1c: {  	p1 =	slt.u32 s9, $0xF7A;
	s5 =	simm.s32 @!p2 $0x0  }
0x1d: {  	s5 =	simm.s32 @p1 $0x1;
	p0 =	seq.s32 s7, s2  }
0x1e: {  	s7 =	smul.u32 @!p0 $0xF7A, s2;
	p2 =	seq.s32 @!p0 s5, $0x0  }
0x1f: {  	s9 =	smul.u32 $0xF7A, s1;
	s8 =	simm.s32 @!p0 $0x1BF5;
	p2 =	por !p2, p0  }
0x20: {  	[sflag:s8] =	ssyncset.s32 @!p0 $0xFFFFF086;
	s6 =	sadd.s32 @!p0 s3, s7;
	s7 =	simm.s32 @!p0 $0x108  }
0x21: {  	s3 =	sadd.s32 s3, s9;
	s6 =	sadd.s32 @!p0 $0x88, s6;
	s7 =	simm.s32 @p2 $0x1082  }
0x22: {  	[simem:s7], [sflag:s8] =	dma.local @!p0 [hbm:s6], $0xF7A  }
0x23: {  	s9 =	sor.u32 $0xD0000000, s2;
	s6 =	simm.s32 $0x108;
	_ =	swait.ge @!p0 [sflag:s8], $0x0  }
0x24: {  	s3 =	sadd.s32 $0x88, s3;
	s6 =	simm.s32 @!p1 $0x1082;
	[sflag:s4] =	ssyncset.s32 $0xFFFFF086  }
0x25: {  	[simem:s6], [sflag:s4] =	dma.local [hbm:s3], $0xF7A  }
0x26: {  	[smem:$0x3F9E] =	sst s1;
	(tag) =	ssettag s2;
	_ =	strace s9  }
0x27: {  	s1 =	sld [smem:$0x3FAE]  }
0x28: {  	s2 =	sld [smem:$0x3FAF]  }
0x29: {  	s4 =	sld [smem:$0x3FB1]  }
0x2a: {  	p0 =	seq.s32 s5, $0x0;
	s5 =	sld [smem:$0x3FB2]  }
0x2b: {  	s6 =	sld [smem:$0x3FB3]  }
0x2c: {  	s7 =	sld [smem:$0x3FB4]  }
0x2d: {  	s3 =	simm.s32 $0x108;
	s8 =	sld [smem:$0x3FB5]  }
0x2e: {  	s3 =	simm.s32 @!p0 $0x1082;
	s9 =	sld [smem:$0x3FB6]  }
0x2f: {  	lr =	sadd.s32 s0, s3;
	s0 =	sld [smem:$0x3FAD]  }
0x30: {  	s3 =	sld [smem:$0x3FB0]  }
0x31: {  	[smem:$0x3FB9] =	sst s10  }
0x32: {  	s10 =	sld [smem:$0x3FB7];
	_ =	sdelay $0x3  }
0x33: {  	p0 =	seq.s32 s10, $0x1;
	s10 =	sld [smem:$0x3FB9];
	_ =	sdelay $0x3  }
0x34: {  	[smem:$0x3FB9] =	sst s10  }
0x35: {  	s10 =	sld [smem:$0x3FB8];
	_ =	sdelay $0x3  }
0x36: {  	p1 =	seq.s32 s10, $0x1;
	s10 =	sld [smem:$0x3FB9];
	_ =	sdelay $0x3  }
0x37: {  	[smem:$0x3FB9] =	sst s10  }
0x38: {  	s10 =	sld [smem:$0x3FBA]  }
0x39: {  	_ = 	snop;
	(pc) =	sbr.ind lr, $3  }
0x3a: {  	_ = 	snop  }
0x3b: {  	_ = 	snop  }
0x3c: {  	p2 =	seq.s32 s10, $0x1;
	s10 =	sld [smem:$0x3FB9]  }
0x3d: {  	_ =	shalt  }
0x3e: {  	_ =	shalt  }
0x3f: {  	_ =	shalt  }
0x40: {  	_ =	shalt  }
0x41: {  	_ =	shalt  }
0x42: {  	_ =	shalt  }
0x43: {  	_ =	shalt  }
0x44: {  	_ =	shalt  }
0x45: {  	_ =	shalt  }
0x46: {  	_ =	shalt  }
0x47: {  	_ =	shalt  }
0x48: {  	_ =	shalt  }
0x49: {  	_ =	shalt  }
0x4a: {  	_ =	shalt  }
0x4b: {  	_ =	shalt  }
0x4c: {  	_ =	shalt  }
0x4d: {  	_ =	shalt  }
0x4e: {  	_ =	shalt  }
0x4f: {  	_ =	shalt  }
0x50: {  	_ =	shalt  }
0x51: {  	_ =	shalt  }
0x52: {  	_ =	shalt  }
0x53: {  	_ =	shalt  }
0x54: {  	_ =	shalt  }
0x55: {  	_ =	shalt  }
0x56: {  	_ =	shalt  }
0x57: {  	_ =	shalt  }
0x58: {  	_ =	shalt  }
0x59: {  	_ =	shalt  }
0x5a: {  	_ =	shalt  }
0x5b: {  	_ =	shalt  }
0x5c: {  	_ =	shalt  }
0x5d: {  	_ =	shalt  }
0x5e: {  	_ =	shalt  }
0x5f: {  	_ =	shalt  }
0x60: {  	_ =	shalt  }
0x61: {  	_ =	shalt  }
0x62: {  	_ =	shalt  }
0x63: {  	_ =	shalt  }
0x64: {  	_ =	shalt  }
0x65: {  	_ =	shalt  }
0x66: {  	_ =	shalt  }
0x67: {  	_ =	shalt  }
0x68: {  	_ =	shalt  }
0x69: {  	_ =	shalt  }
0x6a: {  	_ =	shalt  }
0x6b: {  	_ =	shalt  }
0x6c: {  	_ =	shalt  }
0x6d: {  	_ =	shalt  }
0x6e: {  	_ =	shalt  }
0x6f: {  	_ =	shalt  }
0x70: {  	_ =	shalt  }
0x71: {  	_ =	shalt  }
0x72: {  	_ =	shalt  }
0x73: {  	_ =	shalt  }
0x74: {  	_ =	shalt  }
0x75: {  	_ =	shalt  }
0x76: {  	_ =	shalt  }
0x77: {  	_ =	shalt  }
0x78: {  	_ =	shalt  }
0x79: {  	_ =	shalt  }
0x7a: {  	_ =	shalt  }
0x7b: {  	_ =	shalt  }
0x7c: {  	_ =	shalt  }
0x7d: {  	_ =	shalt  }
0x7e: {  	_ =	shalt  }
0x7f: {  	_ =	shalt  }
0x80: {  	_ =	shalt  }
0x81: {  	_ =	shalt  }
0x82: {  	_ =	shalt  }
0x83: {  	_ =	shalt  }
0x84: {  	_ =	shalt  }
0x85: {  	_ =	shalt  }
0x86: {  	_ =	shalt  }
0x87: {  	_ =	shalt  }
.Lfunc_end0:
.L_simem_size_0:
called_computation_lowered:
.L_overlay_start_0:
0x88: {  	s2 =	sld [smem:$0x3FD9]  }
0x89: {  	s3 =	sld [smem:$0x3FFE];
	_ =	sdelay $0x1  }
0x8a: {  	s1 =	srdreg.scid  }
0x8b: {  	s0 =	sand.u32 $0x1, s1  }
0x8c: {  	s17 =	sshll.u32 s0, $0xA;
	s2 =	sadd.s32 s3, s2  }
0x8d: {  	s2 =	sadd.s32 s2, s17  }
0x8e: {  	[smem:$0x3FC5] =	sst s2  }
0x8f: {  	_ = 	snop  }
0x90: {  	s2 =	sld [smem:$0x3FC9]  }
0x91: {  	s18 =	sld [smem:$0x3FC7]  }
0x92: {  	s4 =	sld [smem:$0x3FD0];
	(tm) =	ssettm $0x1  }
0x93: {  	s5 =	sld [smem:$0x3FFB];
	_ =	sdelay $0x3  }
0x94: {  	_ =	strace s5  }
0x95: {  	s5 =	sld [smem:$0x3FFC];
	_ =	sdelay $0x3  }
0x96: {  	_ =	strace s5  }
0x97: {  	s5 =	sld [smem:$0x3FFD];
	_ =	sdelay $0x3  }
0x98: {  	_ =	strace s5  }
0x99: {  	_ =	strace $0x8FFFFFFF  }
0x9a: {  	s19 =	sld [smem:$0x3FDB];
	_ =	sdelay $0x1  }
0x9b: {  	s6 =	simm.s32 $_scs_section_size  }
0x9c: {  	s7 =	simm.s32 $_size__tile_overlayer_lowered;
	s8 =	simm.s32 $_tile_overlayer_lowered  }
0x9d: {  	s22 =	simm.s32 $0x1BFF;
	s21 =	sshll.u32 s8, $0x1;
	s5 =	sadd.s32 s6, s19  }
0x9e: {  	s9 =	simm.s32 $0x0;
	s20 =	sshll.u32 s7, $0x1;
	s7 =	sadd.s32 s21, s5  }
0x9f: {  	[timem:s9], [sflag:s22] =	dma.local [hbm:s7], s20  }
0xa0: {  	_ =	swait.ge [sflag:s22], s20  }
0xa1: {  	s6 =	ssub.s32 $0x0, s20;
	[sflag:s22] =	ssyncset.done $0x0  }
0xa2: {  	[sflag:s22] =	ssyncadd.s32 s6;
	_ =	sdelay $0x1  }
0xa3: {  	s23 =	simm.s32 $0x1B8B  }
0xa4: {  	_ =	swait.ge [sflag:s23], $0x1  }
0xa5: {  	[sflag:s23] =	ssyncset.done $0x0  }
0xa6: {  	s25 =	simm.s32 $0x1B8E;
	s24 =	sld [smem:$0x3FFE];
	[sflag:s23] =	ssyncadd.s32 $0xFFFFFFFF  }
0xa7: {  	s26 =	simm.s32 $execute0_lowered;
	[smem:$0x3FD2] =	sst s25  }
0xa8: {  	s7 =	sshll.u32 s26, $0x1;
	_ =	strace $0x80000046;
	[dreg:$0x1] =	wrdreg $0xFFFFFFFF  }
0xa9: {  	s28 =	simm.s32 $_size_execute0_lowered;
	s5 =	sadd.s32 s5, s7;
	[dreg:$0x0] =	wrdreg $0x0  }
0xaa: {  	s7 =	sshll.u32 s28, $0x1;
	[dreg:$0x2] =	wrdreg s5  }
0xab: {  	[dreg:$0x3] =	wrdreg s7  }
0xac: {  	[dreg:$0x4] =	wrdreg $0xC0  }
0xad: {  	_ =	task [dreg:s9], $0x5FFFF  }
0xae: {  	[dreg:$0x1] =	wrdreg $0xFFFFFFFF  }
0xaf: {  	[dreg:$0x0] =	wrdreg $0x60  }
0xb0: {  	[dreg:$0x2] =	wrdreg s18  }
0xb1: {  	[dreg:$0x3] =	wrdreg s2  }
0xb2: {  	[dreg:$0x4] =	wrdreg s24  }
0xb3: {  	[dreg:$0x5] =	wrdreg s4  }
0xb4: {  	[dreg:$0x6] =	wrdreg $0x9  }
0xb5: {  	_ =	task.clear_ibuf [dreg:s9], $0x7FFFF;
	_ =	strace $0x90000046  }
0xb6: {  	s29 =	simm.s32 $0x9;
	_ =	strace $0x80000048  }
0xb7: {  	_ =	swait.ge [sflag:s29], $0x1  }
0xb8: {  	[sflag:s29] =	ssyncadd.s32 $0xFFFFFFFF  }
0xb9: {  	_ =	strace $0x90000048  }
0xba: {  	_ =	sfence  }
0xbb: {  	s30 =	sld [smem:$0x0];
	_ =	sdelay $0x2  }
0xbc: {  	s31 =	sshll.u32 s1, $0xD;
	s1 =	sshrl.u32 s1, $0x2  }
0xbd: {  	s3 =	sand.u32 $0x4000, s31;
	s1 =	sadd.s32 s1, s30  }
0xbe: {  	s0 =	sor.u32 s3, s0;
	s1 =	sshll.u32 s1, $0x11  }
0xbf: {  	s0 =	sor.u32 s1, s0  }
0xc0: {  	s0 =	sadd.s32 $0x8F2B, s0  }
0xc1: {  	[sflag:s0] =	ssyncadd.remote.s32 $0x1  }
0xc2: {  	_ =	sfence.sel $0xFFFF  }
0xc3: {  	[dreg:$0x0] =	wrdreg $0xFFFFFFFF;
	(pc) =	sbr.abs _section_cstart, $3  }
0xc4: {  	[dreg:$0x1] =	wrdreg $0xFFFFFFFF  }
0xc5: {  	_ =	task.clear_ibuf [dreg:s9], $0x2FFFF;
	_ =	strace $0x9FFFFFFF  }
0xc6: {  	(tm) =	ssettm $0x7FFFFFFF  }
0xc7: {  	_ =	shalt  }
tec
execute0_lowered:
.L_overlay_start_1:
0x0: {  	(tag) =	ssettag $0x1  }
0x1: {  	s1 =	rddreg [dreg:$0x0]  }
0x2: {  	s6 =	rddreg [dreg:$0x1]  }
0x3: {  	s5 =	rddreg [dreg:$0x2]  }
0x4: {  	s3 =	rddreg [dreg:$0x3]  }
0x5: {  	s0 =	rddreg [dreg:$0x4];
	s4 =	simm.s32 $0x0  }
0x6: {  	s7 =	srdreg.scid;
	s2 =	stileid.u32;
	s11 =	simm.s32 $0x400  }
0x7: {  	s12 =	simm.s32 $0x8000;
	s13 =	simm.s32 $0x80;
	s14 =	simm.s32 $0x6400  }
0x8: {  	s15 =	simm.s32 $0xA400;
	s16 =	simm.s32 $0x1;
	s17 =	simm.s32 $0xE400  }
0x9: {  	s18 =	simm.s32 $0x2;
	s19 =	simm.s32 $0x12400;
	s20 =	simm.s32 $0x3  }
0xa: {  	s21 =	simm.s32 $0x4;
	s22 =	simm.s32 $0x0;
	[smem:$0x7FF] =	sst s4  }
.Ltmp0:
0xb: {  	s7 =	sand.u32 $0x1, s7;
	s8 =	sshll.u32 s2, $0x1;
	(pc) =	sbr.rel .LBB2_1-.Ltmp0, $4  }
0xc: {  	s5 =	sadd.s32 $0x400, s5;
	s9 =	ssub.s32 $0x2, s7;
	s7 =	sor.u32 s7, s8  }
0xd: {  	_ =	strace $0x80000047;
	s31 =	sshrl.u32 s9, $0x1;
	s10 =	sshll.u32 s7, $0x7  }
0xe: {  	s7 =	smul.u32 $0x320000, s7;
	s8 =	ssub.s32 s9, s31;
	s6 =	sadd.s32 s6, s10  }
0xf: {  	s9 =	simm.s32 $0x16400;
	s10 =	simm.s32 $0x5;
	s8 =	smax.u32 s8, $0x1  }
.LBB2_8:
0x10: {  	s22 =	sadd.s32 $0x1, s22  }
0x11: {  	_ =	swait.ge [sflag:s20], $0x4000;
	p0 =	sne.s32 s22, s8  }
.Ltmp1:
0x12: {  	[sflag:s20] =	ssyncset.done $0x0;
	(pc) =	sbr.rel @!p0 .LBB2_9-.Ltmp1, $4  }
0x13: {  	[sflag:s20] =	ssyncadd.s32 $0xFFFFC000  }
0x14: {  	_ =	swait.ge [sflag:s21], $0x4000  }
0x15: {  	[sflag:s21] =	ssyncset.done $0x0  }
0x16: {  	[sflag:s21] =	ssyncadd.s32 $0xFFFFC000  }
.LBB2_1:
0x17: {  	[tilespmem:s9], [sflag:$0x5] =	stream.linear.gather [hbm4b:s5+s4], $0x6400, $0x38;
	[tilespmem:$0x1C800] =	vst v63  }
0x18: {  	_ =	swait.ge [sflag:s10], $0x6400  }
0x19: {  	[sflag:s10] =	ssyncset.done $0x0  }
0x1a: {  	[sflag:s10] =	ssyncadd.s32 $0xFFFF9C00  }
0x1b: {  	[tilespmem:s4], [sflag:$0x5] =	stream.strided.gather [hbm4b:s6+s11], $0x6400, s12, s11, $0x38;
	[tilespmem:$0x1C800] =	vst v63  }
0x1c: {  	_ =	swait.ge [sflag:s10], $0x6400  }
0x1d: {  	[sflag:s10] =	ssyncset.done $0x0  }
0x1e: {  	[sflag:s10] =	ssyncadd.s32 $0xFFFF9C00  }
0x1f: {  	[tilespmem:s14], [sflag:$0x1] =	stream.indirect.gather [hbm4b:s1+s13], $0x80, s4, s13, $0xb8;
	[tilespmem:$0x1C800] =	vst v63  }
0x20: {  	s23 =	simm.s32 $0x0  }
0x21: {  	[tilespmem:s15], [sflag:$0x2] =	stream.indirect.gather [hbm4b:s1+s13], $0x80, s13, s13, $0xb8;
	[tilespmem:$0x1C800] =	vst v63  }
.LBB2_2:
0x22: {  	_ =	swait.ge [sflag:s16], $0x4000  }
0x23: {  	p0 =	seq.s32 s23, $0x0;
	[sflag:s16] =	ssyncset.done $0x0  }
0x24: {  	s25 =	simm.s32 @!p0 $0x3;
	[sflag:s16] =	ssyncadd.s32 $0xFFFFC000  }
0x25: {  	_ =	swait.ge @!p0 [sflag:s25], $0x4000  }
0x26: {  	[sflag:s25] =	ssyncset.done @!p0 $0x0  }
0x27: {  	s24 =	sshll.u32 s23, $0x8;
	[sflag:s25] =	ssyncadd.s32 @!p0 $0xFFFFC000  }
0x28: {  	v6 =	vld [tilespmem:s24+$0x16400]  }
0x29: {  	v5 =	vld [tilespmem:s24+$0x16410]  }
0x2a: {  	v4 =	vld [tilespmem:s24+$0x16420]  }
0x2b: {  	v3 =	vld [tilespmem:s24+$0x16430]  }
0x2c: {  	v2 =	vld [tilespmem:s24+$0x16440]  }
0x2d: {  	v1 =	vld [tilespmem:s24+$0x16450]  }
0x2e: {  	s25 =	simm.s32 $0x0;
	v7 =	vld [tilespmem:s24+$0x16470]  }
0x2f: {  	v8 =	vld [tilespmem:s25+$0x67F0]  }
0x30: {  	v9 =	vld [tilespmem:s25+$0x6400]  }
0x31: {  	v10 =	vld [tilespmem:s25+$0x6410]  }
0x32: {  	v0 =	vld [tilespmem:s24+$0x16460]  }
0x33: {  	v11 =	vld [tilespmem:s25+$0x6420]  }
0x34: {  	v12 =	vld [tilespmem:s25+$0x6430];
	v8 =	vmul.f32 $1.131370830e+01, v8  }
0x35: {  	v13 =	vld [tilespmem:s25+$0x6440];
	v9 =	vmul.f32 $1.131370830e+01, v9  }
0x36: {  	v14 =	vld [tilespmem:s25+$0x6450];
	v10 =	vmul.f32 $1.131370830e+01, v10;
	v8 =	vadd.f32 v8, v7  }
0x37: {  	v15 =	vld [tilespmem:s25+$0x6460];
	v9 =	vadd.f32 v9, v6  }
0x38: {  	v16 =	vld [tilespmem:s25+$0x6470];
	v10 =	vadd.f32 v10, v5;
	[tilespmem:s25+$0xE7F0] =	vst v8;
	v8 =	vmul.f32 $1.131370830e+01, v11  }
0x39: {  	[tilespmem:s25+$0xE400] =	vst v9;
	v9 =	vld [tilespmem:s25+$0x6490];
	v11 =	vmul.f32 $1.131370830e+01, v12  }
0x3a: {  	[tilespmem:s25+$0xE410] =	vst v10;
	v10 =	vld [tilespmem:s25+$0x64A0];
	v12 =	vmul.f32 $1.131370830e+01, v13;
	v8 =	vadd.f32 v8, v4  }
0x3b: {  	v17 =	vld [tilespmem:s25+$0x6480];
	v13 =	vmul.f32 $1.131370830e+01, v14;
	v11 =	vadd.f32 v11, v3  }
0x3c: {  	v14 =	vmul.f32 $1.131370830e+01, v15;
	v12 =	vadd.f32 v12, v2;
	[tilespmem:s25+$0xE420] =	vst v8;
	v8 =	vld [tilespmem:s25+$0x64B0]  }
0x3d: {  	v15 =	vmul.f32 $1.131370830e+01, v16;
	v13 =	vadd.f32 v13, v1;
	[tilespmem:s25+$0xE430] =	vst v11;
	v11 =	vld [tilespmem:s25+$0x64C0]  }
0x3e: {  	v14 =	vadd.f32 v14, v0;
	[tilespmem:s25+$0xE440] =	vst v12;
	v12 =	vld [tilespmem:s25+$0x64D0];
	v9 =	vmul.f32 $1.131370830e+01, v9  }
0x3f: {  	v15 =	vadd.f32 v15, v7;
	[tilespmem:s25+$0xE450] =	vst v13;
	v13 =	vld [tilespmem:s25+$0x64E0];
	v10 =	vmul.f32 $1.131370830e+01, v10  }
0x40: {  	v16 =	vmul.f32 $1.131370830e+01, v17;
	[tilespmem:s25+$0xE460] =	vst v14;
	v14 =	vld [tilespmem:s25+$0x64F0];
	v9 =	vadd.f32 v9, v5  }
0x41: {  	[tilespmem:s25+$0xE470] =	vst v15;
	v15 =	vld [tilespmem:s25+$0x6500];
	v10 =	vadd.f32 v10, v4;
	v8 =	vmul.f32 $1.131370830e+01, v8  }
0x42: {  	v16 =	vadd.f32 v16, v6;
	[tilespmem:s25+$0xE490] =	vst v9;
	v9 =	vld [tilespmem:s25+$0x6520];
	v11 =	vmul.f32 $1.131370830e+01, v11  }
0x43: {  	[tilespmem:s25+$0xE4A0] =	vst v10;
	v10 =	vld [tilespmem:s25+$0x6530];
	v12 =	vmul.f32 $1.131370830e+01, v12;
	v8 =	vadd.f32 v8, v3  }
0x44: {  	[tilespmem:s25+$0xE480] =	vst v16;
	v16 =	vld [tilespmem:s25+$0x6510];
	v13 =	vmul.f32 $1.131370830e+01, v13;
	v11 =	vadd.f32 v11, v2  }
0x45: {  	v14 =	vmul.f32 $1.131370830e+01, v14;
	v12 =	vadd.f32 v12, v1;
	[tilespmem:s25+$0xE4B0] =	vst v8;
	v8 =	vld [tilespmem:s25+$0x6540]  }
0x46: {  	v15 =	vmul.f32 $1.131370830e+01, v15;
	v13 =	vadd.f32 v13, v0;
	[tilespmem:s25+$0xE4C0] =	vst v11;
	v11 =	vld [tilespmem:s25+$0x6550]  }
0x47: {  	v14 =	vadd.f32 v14, v7;
	[tilespmem:s25+$0xE4D0] =	vst v12;
	v12 =	vld [tilespmem:s25+$0x6560];
	v9 =	vmul.f32 $1.131370830e+01, v9  }
0x48: {  	v15 =	vadd.f32 v15, v6;
	[tilespmem:s25+$0xE4E0] =	vst v13;
	v13 =	vld [tilespmem:s25+$0x6570];
	v10 =	vmul.f32 $1.131370830e+01, v10  }
0x49: {  	v16 =	vmul.f32 $1.131370830e+01, v16;
	[tilespmem:s25+$0xE4F0] =	vst v14;
	v14 =	vld [tilespmem:s25+$0x6580];
	v9 =	vadd.f32 v9, v4  }
0x4a: {  	[tilespmem:s25+$0xE500] =	vst v15;
	v15 =	vld [tilespmem:s25+$0x6590];
	v10 =	vadd.f32 v10, v3;
	v8 =	vmul.f32 $1.131370830e+01, v8  }
0x4b: {  	v16 =	vadd.f32 v16, v5;
	[tilespmem:s25+$0xE520] =	vst v9;
	v9 =	vld [tilespmem:s25+$0x65B0];
	v11 =	vmul.f32 $1.131370830e+01, v11  }
0x4c: {  	[tilespmem:s25+$0xE530] =	vst v10;
	v10 =	vld [tilespmem:s25+$0x65C0];
	v12 =	vmul.f32 $1.131370830e+01, v12;
	v8 =	vadd.f32 v8, v2  }
0x4d: {  	[tilespmem:s25+$0xE510] =	vst v16;
	v16 =	vld [tilespmem:s25+$0x65A0];
	v13 =	vmul.f32 $1.131370830e+01, v13;
	v11 =	vadd.f32 v11, v1  }
0x4e: {  	v14 =	vmul.f32 $1.131370830e+01, v14;
	v12 =	vadd.f32 v12, v0;
	[tilespmem:s25+$0xE540] =	vst v8;
	v8 =	vld [tilespmem:s25+$0x65D0]  }
0x4f: {  	v15 =	vmul.f32 $1.131370830e+01, v15;
	v13 =	vadd.f32 v13, v7;
	[tilespmem:s25+$0xE550] =	vst v11;
	v11 =	vld [tilespmem:s25+$0x65E0]  }
0x50: {  	v14 =	vadd.f32 v14, v6;
	[tilespmem:s25+$0xE560] =	vst v12;
	v12 =	vld [tilespmem:s25+$0x65F0];
	v9 =	vmul.f32 $1.131370830e+01, v9  }
0x51: {  	v15 =	vadd.f32 v15, v5;
	[tilespmem:s25+$0xE570] =	vst v13;
	v13 =	vld [tilespmem:s25+$0x6600];
	v10 =	vmul.f32 $1.131370830e+01, v10  }
0x52: {  	v16 =	vmul.f32 $1.131370830e+01, v16;
	[tilespmem:s25+$0xE580] =	vst v14;
	v14 =	vld [tilespmem:s25+$0x6610];
	v9 =	vadd.f32 v9, v3  }
0x53: {  	[tilespmem:s25+$0xE590] =	vst v15;
	v15 =	vld [tilespmem:s25+$0x6620];
	v10 =	vadd.f32 v10, v2;
	v8 =	vmul.f32 $1.131370830e+01, v8  }
0x54: {  	v16 =	vadd.f32 v16, v4;
	[tilespmem:s25+$0xE5B0] =	vst v9;
	v9 =	vld [tilespmem:s25+$0x6640];
	v11 =	vmul.f32 $1.131370830e+01, v11  }
0x55: {  	[tilespmem:s25+$0xE5C0] =	vst v10;
	v10 =	vld [tilespmem:s25+$0x6650];
	v12 =	vmul.f32 $1.131370830e+01, v12;
	v8 =	vadd.f32 v8, v1  }
0x56: {  	[tilespmem:s25+$0xE5A0] =	vst v16;
	v16 =	vld [tilespmem:s25+$0x6630];
	v13 =	vmul.f32 $1.131370830e+01, v13;
	v11 =	vadd.f32 v11, v0  }
0x57: {  	v14 =	vmul.f32 $1.131370830e+01, v14;
	v12 =	vadd.f32 v12, v7;
	[tilespmem:s25+$0xE5D0] =	vst v8;
	v8 =	vld [tilespmem:s25+$0x6660]  }
0x58: {  	v15 =	vmul.f32 $1.131370830e+01, v15;
	v13 =	vadd.f32 v13, v6;
	[tilespmem:s25+$0xE5E0] =	vst v11;
	v11 =	vld [tilespmem:s25+$0x6670]  }
0x59: {  	v14 =	vadd.f32 v14, v5;
	[tilespmem:s25+$0xE5F0] =	vst v12;
	v12 =	vld [tilespmem:s25+$0x6680];
	v9 =	vmul.f32 $1.131370830e+01, v9  }
0x5a: {  	v15 =	vadd.f32 v15, v4;
	[tilespmem:s25+$0xE600] =	vst v13;
	v13 =	vld [tilespmem:s25+$0x6690];
	v10 =	vmul.f32 $1.131370830e+01, v10  }
0x5b: {  	v16 =	vmul.f32 $1.131370830e+01, v16;
	[tilespmem:s25+$0xE610] =	vst v14;
	v14 =	vld [tilespmem:s25+$0x66A0];
	v9 =	vadd.f32 v9, v2  }
0x5c: {  	[tilespmem:s25+$0xE620] =	vst v15;
	v15 =	vld [tilespmem:s25+$0x66B0];
	v10 =	vadd.f32 v10, v1;
	v8 =	vmul.f32 $1.131370830e+01, v8  }
0x5d: {  	v16 =	vadd.f32 v16, v3;
	[tilespmem:s25+$0xE640] =	vst v9;
	v9 =	vld [tilespmem:s25+$0x66D0];
	v11 =	vmul.f32 $1.131370830e+01, v11  }
0x5e: {  	[tilespmem:s25+$0xE650] =	vst v10;
	v10 =	vld [tilespmem:s25+$0x66E0];
	v12 =	vmul.f32 $1.131370830e+01, v12;
	v8 =	vadd.f32 v8, v0  }
0x5f: {  	[tilespmem:s25+$0xE630] =	vst v16;
	v16 =	vld [tilespmem:s25+$0x66C0];
	v13 =	vmul.f32 $1.131370830e+01, v13;
	v11 =	vadd.f32 v11, v7  }
0x60: {  	v14 =	vmul.f32 $1.131370830e+01, v14;
	v12 =	vadd.f32 v12, v6;
	[tilespmem:s25+$0xE660] =	vst v8;
	v8 =	vld [tilespmem:s25+$0x66F0]  }
0x61: {  	v15 =	vmul.f32 $1.131370830e+01, v15;
	v13 =	vadd.f32 v13, v5;
	[tilespmem:s25+$0xE670] =	vst v11;
	v11 =	vld [tilespmem:s25+$0x6700]  }
0x62: {  	v14 =	vadd.f32 v14, v4;
	[tilespmem:s25+$0xE680] =	vst v12;
	v12 =	vld [tilespmem:s25+$0x6710];
	v9 =	vmul.f32 $1.131370830e+01, v9  }
0x63: {  	v15 =	vadd.f32 v15, v3;
	[tilespmem:s25+$0xE690] =	vst v13;
	v10 =	vmul.f32 $1.131370830e+01, v10  }
0x64: {  	v16 =	vmul.f32 $1.131370830e+01, v16;
	v13 =	vld [tilespmem:s25+$0x6720];
	[tilespmem:s25+$0xE6A0] =	vst v14;
	v9 =	vadd.f32 v9, v1  }
0x65: {  	v14 =	vld [tilespmem:s25+$0x6730];
	[tilespmem:s25+$0xE6B0] =	vst v15;
	v10 =	vadd.f32 v10, v0;
	v8 =	vmul.f32 $1.131370830e+01, v8  }
0x66: {  	v16 =	vadd.f32 v16, v2;
	v15 =	vld [tilespmem:s25+$0x6740];
	[tilespmem:s25+$0xE6D0] =	vst v9;
	v9 =	vmul.f32 $1.131370830e+01, v11  }
0x67: {  	[tilespmem:s25+$0xE6E0] =	vst v10;
	v10 =	vmul.f32 $1.131370830e+01, v12;
	v8 =	vadd.f32 v8, v7  }
0x68: {  	[tilespmem:s25+$0xE6C0] =	vst v16;
	v16 =	vld [tilespmem:s25+$0x6750];
	v9 =	vadd.f32 v9, v6  }
0x69: {  	v17 =	vld [tilespmem:s25+$0x6760];
	v10 =	vadd.f32 v10, v5;
	[tilespmem:s25+$0xE6F0] =	vst v8;
	v8 =	vmul.f32 $1.131370830e+01, v13  }
0x6a: {  	v11 =	vld [tilespmem:s25+$0x6770];
	[tilespmem:s25+$0xE700] =	vst v9;
	v9 =	vmul.f32 $1.131370830e+01, v14  }
0x6b: {  	v12 =	vld [tilespmem:s25+$0x6780];
	[tilespmem:s25+$0xE710] =	vst v10;
	v10 =	vmul.f32 $1.131370830e+01, v15;
	v13 =	vadd.f32 v8, v4  }
0x6c: {  	v18 =	vld [tilespmem:s25+$0x6790];
	v14 =	vadd.f32 v9, v3  }
0x6d: {  	v8 =	vld [tilespmem:s25+$0x67A0];
	v15 =	vadd.f32 v10, v2;
	[tilespmem:s25+$0xE720] =	vst v13;
	v13 =	vmul.f32 $1.131370830e+01, v16  }
0x6e: {  	v9 =	vld [tilespmem:s25+$0x67B0];
	[tilespmem:s25+$0xE730] =	vst v14;
	v14 =	vmul.f32 $1.131370830e+01, v17  }
0x6f: {  	v10 =	vld [tilespmem:s25+$0x67C0];
	[tilespmem:s25+$0xE740] =	vst v15;
	v15 =	vmul.f32 $1.131370830e+01, v11;
	v16 =	vadd.f32 v13, v1  }
0x70: {  	v11 =	vld [tilespmem:s25+$0x67D0];
	v13 =	vadd.f32 v14, v0;
	v14 =	vmul.f32 $1.131370830e+01, v12  }
0x71: {  	s26 =	simm.s32 $0x400;
	s28 =	simm.s32 $0x2000;
	v12 =	vld [tilespmem:s25+$0x67E0];
	[tilespmem:s25+$0xE750] =	vst v16;
	v16 =	vadd.f32 v15, v7;
	v15 =	vmul.f32 $1.131370830e+01, v18  }
.LBB2_3:
0x72: {  	p1 =	sne.s32 s28, $0xF000;
	v17 =	vld [tilespmem:s26+$0x67F0];
	[tilespmem:s25+$0xE760] =	vst v13;
	v13 =	vadd.f32 v14, v6;
	v8 =	vmul.f32 $1.131370830e+01, v8  }
0x73: {  	v14 =	vld [tilespmem:s26+$0x6400];
	[tilespmem:s25+$0xE770] =	vst v16;
	v15 =	vadd.f32 v15, v5;
	v9 =	vmul.f32 $1.131370830e+01, v9  }
0x74: {  	v16 =	vld [tilespmem:s26+$0x6410];
	[tilespmem:s25+$0xE780] =	vst v13;
	v8 =	vadd.f32 v8, v4;
	v10 =	vmul.f32 $1.131370830e+01, v10  }
0x75: {  	v13 =	vld [tilespmem:s26+$0x6420];
	[tilespmem:s25+$0xE790] =	vst v15;
	v9 =	vadd.f32 v9, v3;
	v11 =	vmul.f32 $1.131370830e+01, v11  }
0x76: {  	v15 =	vld [tilespmem:s26+$0x6430];
	[tilespmem:s25+$0xE7A0] =	vst v8;
	v8 =	vadd.f32 v10, v2;
	v10 =	vmul.f32 $1.131370830e+01, v12  }
0x77: {  	v12 =	vld [tilespmem:s26+$0x6440];
	v17 =	vmul.f32 $1.131370830e+01, v17;
	[tilespmem:s25+$0xE7B0] =	vst v9;
	v9 =	vadd.f32 v11, v1  }
0x78: {  	v11 =	vmul.f32 $1.131370830e+01, v14;
	v14 =	vld [tilespmem:s26+$0x6450];
	[tilespmem:s25+$0xE7C0] =	vst v8;
	v8 =	vadd.f32 v10, v0  }
0x79: {  	v10 =	vmul.f32 $1.131370830e+01, v16;
	v16 =	vld [tilespmem:s26+$0x6460];
	v17 =	vadd.f32 v17, v7;
	[tilespmem:s25+$0xE7D0] =	vst v9  }
0x7a: {  	v9 =	vadd.f32 v11, v6;
	v11 =	vmul.f32 $1.131370830e+01, v13;
	v13 =	vld [tilespmem:s26+$0x6470];
	[tilespmem:s25+$0xE7E0] =	vst v8;
	s25 =	smov.u32 s26  }
0x7b: {  	v8 =	vadd.f32 v10, v5;
	v10 =	vmul.f32 $1.131370830e+01, v15;
	v15 =	vld [tilespmem:s25+$0x6480];
	[tilespmem:s25+$0xE7F0] =	vst v17  }
0x7c: {  	[tilespmem:s25+$0xE400] =	vst v9;
	v9 =	vadd.f32 v11, v4;
	v11 =	vmul.f32 $1.131370830e+01, v12;
	v12 =	vld [tilespmem:s25+$0x6490]  }
0x7d: {  	[tilespmem:s25+$0xE410] =	vst v8;
	v8 =	vadd.f32 v10, v3;
	v10 =	vmul.f32 $1.131370830e+01, v14;
	v14 =	vld [tilespmem:s25+$0x64A0]  }
0x7e: {  	[tilespmem:s25+$0xE420] =	vst v9;
	v9 =	vadd.f32 v11, v2;
	v11 =	vmul.f32 $1.131370830e+01, v16;
	v16 =	vld [tilespmem:s25+$0x64B0]  }
0x7f: {  	[tilespmem:s25+$0xE430] =	vst v8;
	v8 =	vadd.f32 v10, v1;
	v10 =	vmul.f32 $1.131370830e+01, v13;
	v13 =	vld [tilespmem:s25+$0x64C0]  }
0x80: {  	[tilespmem:s25+$0xE440] =	vst v9;
	v9 =	vadd.f32 v11, v0;
	v11 =	vmul.f32 $1.131370830e+01, v15;
	v15 =	vld [tilespmem:s25+$0x64D0]  }
0x81: {  	[tilespmem:s25+$0xE450] =	vst v8;
	v8 =	vadd.f32 v10, v7;
	v10 =	vmul.f32 $1.131370830e+01, v12;
	v12 =	vld [tilespmem:s25+$0x64E0]  }
0x82: {  	[tilespmem:s25+$0xE460] =	vst v9;
	v9 =	vadd.f32 v11, v6;
	v11 =	vmul.f32 $1.131370830e+01, v14;
	v14 =	vld [tilespmem:s25+$0x64F0]  }
0x83: {  	[tilespmem:s25+$0xE470] =	vst v8;
	v8 =	vadd.f32 v10, v5;
	v10 =	vmul.f32 $1.131370830e+01, v16;
	v16 =	vld [tilespmem:s25+$0x6500]  }
0x84: {  	[tilespmem:s25+$0xE480] =	vst v9;
	v9 =	vadd.f32 v11, v4;
	v11 =	vmul.f32 $1.131370830e+01, v13;
	v13 =	vld [tilespmem:s25+$0x6510]  }
0x85: {  	[tilespmem:s25+$0xE490] =	vst v8;
	v8 =	vadd.f32 v10, v3;
	v10 =	vmul.f32 $1.131370830e+01, v15;
	v15 =	vld [tilespmem:s25+$0x6520]  }
0x86: {  	[tilespmem:s25+$0xE4A0] =	vst v9;
	v9 =	vadd.f32 v11, v2;
	v11 =	vmul.f32 $1.131370830e+01, v12;
	v12 =	vld [tilespmem:s25+$0x6530]  }
0x87: {  	[tilespmem:s25+$0xE4B0] =	vst v8;
	v8 =	vadd.f32 v10, v1;
	v10 =	vmul.f32 $1.131370830e+01, v14;
	v14 =	vld [tilespmem:s25+$0x6540]  }
0x88: {  	[tilespmem:s25+$0xE4C0] =	vst v9;
	v9 =	vadd.f32 v11, v0;
	v11 =	vmul.f32 $1.131370830e+01, v16;
	v16 =	vld [tilespmem:s25+$0x6550]  }
0x89: {  	[tilespmem:s25+$0xE4D0] =	vst v8;
	v8 =	vadd.f32 v10, v7;
	v10 =	vmul.f32 $1.131370830e+01, v13;
	v13 =	vld [tilespmem:s25+$0x6560]  }
0x8a: {  	[tilespmem:s25+$0xE4E0] =	vst v9;
	v9 =	vadd.f32 v11, v6;
	v11 =	vmul.f32 $1.131370830e+01, v15;
	v15 =	vld [tilespmem:s25+$0x6570]  }
0x8b: {  	[tilespmem:s25+$0xE4F0] =	vst v8;
	v8 =	vadd.f32 v10, v5;
	v10 =	vmul.f32 $1.131370830e+01, v12;
	v12 =	vld [tilespmem:s25+$0x6580]  }
0x8c: {  	[tilespmem:s25+$0xE500] =	vst v9;
	v9 =	vadd.f32 v11, v4;
	v11 =	vmul.f32 $1.131370830e+01, v14;
	v14 =	vld [tilespmem:s25+$0x6590]  }
0x8d: {  	[tilespmem:s25+$0xE510] =	vst v8;
	v8 =	vadd.f32 v10, v3;
	v10 =	vmul.f32 $1.131370830e+01, v16;
	v16 =	vld [tilespmem:s25+$0x65A0]  }
0x8e: {  	[tilespmem:s25+$0xE520] =	vst v9;
	v9 =	vadd.f32 v11, v2;
	v11 =	vmul.f32 $1.131370830e+01, v13;
	v13 =	vld [tilespmem:s25+$0x65B0]  }
0x8f: {  	[tilespmem:s25+$0xE530] =	vst v8;
	v8 =	vadd.f32 v10, v1;
	v10 =	vmul.f32 $1.131370830e+01, v15;
	v15 =	vld [tilespmem:s25+$0x65C0]  }
0x90: {  	[tilespmem:s25+$0xE540] =	vst v9;
	v9 =	vadd.f32 v11, v0;
	v11 =	vmul.f32 $1.131370830e+01, v12;
	v12 =	vld [tilespmem:s25+$0x65D0]  }
0x91: {  	[tilespmem:s25+$0xE550] =	vst v8;
	v8 =	vadd.f32 v10, v7;
	v10 =	vmul.f32 $1.131370830e+01, v14;
	v14 =	vld [tilespmem:s25+$0x65E0]  }
0x92: {  	[tilespmem:s25+$0xE560] =	vst v9;
	v9 =	vadd.f32 v11, v6;
	v11 =	vmul.f32 $1.131370830e+01, v16;
	v16 =	vld [tilespmem:s25+$0x65F0]  }
0x93: {  	[tilespmem:s25+$0xE570] =	vst v8;
	v8 =	vadd.f32 v10, v5;
	v10 =	vmul.f32 $1.131370830e+01, v13;
	v13 =	vld [tilespmem:s25+$0x6600]  }
0x94: {  	[tilespmem:s25+$0xE580] =	vst v9;
	v9 =	vadd.f32 v11, v4;
	v11 =	vmul.f32 $1.131370830e+01, v15;
	v15 =	vld [tilespmem:s25+$0x6610]  }
0x95: {  	[tilespmem:s25+$0xE590] =	vst v8;
	v8 =	vadd.f32 v10, v3;
	v10 =	vmul.f32 $1.131370830e+01, v12;
	v12 =	vld [tilespmem:s25+$0x6620]  }
0x96: {  	[tilespmem:s25+$0xE5A0] =	vst v9;
	v9 =	vadd.f32 v11, v2;
	v11 =	vmul.f32 $1.131370830e+01, v14;
	v14 =	vld [tilespmem:s25+$0x6630]  }
0x97: {  	[tilespmem:s25+$0xE5B0] =	vst v8;
	v8 =	vadd.f32 v10, v1;
	v10 =	vmul.f32 $1.131370830e+01, v16;
	v16 =	vld [tilespmem:s25+$0x6640]  }
0x98: {  	[tilespmem:s25+$0xE5C0] =	vst v9;
	v9 =	vadd.f32 v11, v0;
	v11 =	vmul.f32 $1.131370830e+01, v13;
	v13 =	vld [tilespmem:s25+$0x6650]  }
0x99: {  	[tilespmem:s25+$0xE5D0] =	vst v8;
	v8 =	vadd.f32 v10, v7;
	v10 =	vmul.f32 $1.131370830e+01, v15;
	v15 =	vld [tilespmem:s25+$0x6660]  }
0x9a: {  	[tilespmem:s25+$0xE5E0] =	vst v9;
	v9 =	vadd.f32 v11, v6;
	v11 =	vmul.f32 $1.131370830e+01, v12;
	v12 =	vld [tilespmem:s25+$0x6670]  }
0x9b: {  	[tilespmem:s25+$0xE5F0] =	vst v8;
	v8 =	vadd.f32 v10, v5;
	v10 =	vmul.f32 $1.131370830e+01, v14;
	v14 =	vld [tilespmem:s25+$0x6680]  }
0x9c: {  	[tilespmem:s25+$0xE600] =	vst v9;
	v9 =	vadd.f32 v11, v4;
	v11 =	vmul.f32 $1.131370830e+01, v16;
	v16 =	vld [tilespmem:s25+$0x6690]  }
0x9d: {  	[tilespmem:s25+$0xE610] =	vst v8;
	v8 =	vadd.f32 v10, v3;
	v10 =	vmul.f32 $1.131370830e+01, v13;
	v13 =	vld [tilespmem:s25+$0x66A0]  }
0x9e: {  	[tilespmem:s25+$0xE620] =	vst v9;
	v9 =	vadd.f32 v11, v2;
	v11 =	vmul.f32 $1.131370830e+01, v15;
	v15 =	vld [tilespmem:s25+$0x66B0]  }
0x9f: {  	[tilespmem:s25+$0xE630] =	vst v8;
	v8 =	vadd.f32 v10, v1;
	v10 =	vmul.f32 $1.131370830e+01, v12;
	v12 =	vld [tilespmem:s25+$0x66C0]  }
0xa0: {  	[tilespmem:s25+$0xE640] =	vst v9;
	v9 =	vadd.f32 v11, v0;
	v11 =	vmul.f32 $1.131370830e+01, v14;
	v14 =	vld [tilespmem:s25+$0x66D0]  }
0xa1: {  	[tilespmem:s25+$0xE650] =	vst v8;
	v8 =	vadd.f32 v10, v7;
	v10 =	vmul.f32 $1.131370830e+01, v16;
	v16 =	vld [tilespmem:s25+$0x66E0]  }
0xa2: {  	[tilespmem:s25+$0xE660] =	vst v9;
	v9 =	vadd.f32 v11, v6;
	v11 =	vmul.f32 $1.131370830e+01, v13;
	v13 =	vld [tilespmem:s25+$0x66F0]  }
0xa3: {  	[tilespmem:s25+$0xE670] =	vst v8;
	v8 =	vadd.f32 v10, v5;
	v10 =	vmul.f32 $1.131370830e+01, v15;
	v15 =	vld [tilespmem:s25+$0x6700]  }
0xa4: {  	[tilespmem:s25+$0xE680] =	vst v9;
	v9 =	vadd.f32 v11, v4;
	v11 =	vmul.f32 $1.131370830e+01, v12;
	v12 =	vld [tilespmem:s25+$0x6710]  }
0xa5: {  	[tilespmem:s25+$0xE690] =	vst v8;
	v8 =	vadd.f32 v10, v3;
	v10 =	vmul.f32 $1.131370830e+01, v14;
	v14 =	vld [tilespmem:s25+$0x6720]  }
0xa6: {  	[tilespmem:s25+$0xE6A0] =	vst v9;
	v9 =	vadd.f32 v11, v2;
	v11 =	vmul.f32 $1.131370830e+01, v16;
	v16 =	vld [tilespmem:s25+$0x6730]  }
0xa7: {  	[tilespmem:s25+$0xE6B0] =	vst v8;
	v8 =	vadd.f32 v10, v1;
	v10 =	vmul.f32 $1.131370830e+01, v13;
	v13 =	vld [tilespmem:s25+$0x6740]  }
0xa8: {  	[tilespmem:s25+$0xE6C0] =	vst v9;
	v9 =	vadd.f32 v11, v0;
	v11 =	vmul.f32 $1.131370830e+01, v15;
	v15 =	vld [tilespmem:s25+$0x6750]  }
0xa9: {  	[tilespmem:s25+$0xE6D0] =	vst v8;
	v8 =	vadd.f32 v10, v7;
	v10 =	vmul.f32 $1.131370830e+01, v12;
	v12 =	vld [tilespmem:s25+$0x6760]  }
0xaa: {  	[tilespmem:s25+$0xE6E0] =	vst v9;
	v9 =	vadd.f32 v11, v6;
	v11 =	vmul.f32 $1.131370830e+01, v14;
	v14 =	vld [tilespmem:s25+$0x6770]  }
0xab: {  	[tilespmem:s25+$0xE6F0] =	vst v8;
	v8 =	vadd.f32 v10, v5;
	v10 =	vmul.f32 $1.131370830e+01, v16;
	v16 =	vld [tilespmem:s25+$0x6780]  }
0xac: {  	[tilespmem:s25+$0xE700] =	vst v9;
	v9 =	vadd.f32 v11, v4;
	v11 =	vmul.f32 $1.131370830e+01, v13;
	v17 =	vld [tilespmem:s25+$0x6790]  }
.Ltmp2:
0xad: {  	[tilespmem:s25+$0xE710] =	vst v8;
	v10 =	vadd.f32 v10, v3;
	v13 =	vmul.f32 $1.131370830e+01, v15;
	v8 =	vld [tilespmem:s25+$0x67A0];
	(pc) =	sbr.rel @p1 .LBB2_3-.Ltmp2, $4  }
0xae: {  	[tilespmem:s25+$0xE720] =	vst v9;
	v11 =	vadd.f32 v11, v2;
	v12 =	vmul.f32 $1.131370830e+01, v12;
	v9 =	vld [tilespmem:s25+$0x67B0]  }
0xaf: {  	[tilespmem:s25+$0xE730] =	vst v10;
	v15 =	vadd.f32 v13, v1;
	v18 =	vmul.f32 $1.131370830e+01, v14;
	v10 =	vld [tilespmem:s25+$0x67C0]  }
0xb0: {  	[tilespmem:s25+$0xE740] =	vst v11;
	v13 =	vadd.f32 v12, v0;
	v14 =	vmul.f32 $1.131370830e+01, v16;
	v11 =	vld [tilespmem:s25+$0x67D0]  }
0xb1: {  	s26 =	sshra.s32 s28, $0x2;
	s28 =	sadd.s32 $0x1000, s28;
	[tilespmem:s25+$0xE750] =	vst v15;
	v16 =	vadd.f32 v18, v7;
	v15 =	vmul.f32 $1.131370830e+01, v17;
	v12 =	vld [tilespmem:s25+$0x67E0]  }
0xb2: {  	v17 =	vld [tilespmem:s26+$0x67F0];
	[tilespmem:s25+$0xE760] =	vst v13;
	v14 =	vadd.f32 v14, v6;
	v8 =	vmul.f32 $1.131370830e+01, v8  }
0xb3: {  	v13 =	vld [tilespmem:s26+$0x6400];
	[tilespmem:s25+$0xE770] =	vst v16;
	v15 =	vadd.f32 v15, v5;
	v9 =	vmul.f32 $1.131370830e+01, v9  }
0xb4: {  	v16 =	vld [tilespmem:s26+$0x6410];
	[tilespmem:s25+$0xE780] =	vst v14;
	v8 =	vadd.f32 v8, v4;
	v10 =	vmul.f32 $1.131370830e+01, v10  }
0xb5: {  	v14 =	vld [tilespmem:s26+$0x6420];
	[tilespmem:s25+$0xE790] =	vst v15;
	v9 =	vadd.f32 v9, v3;
	v11 =	vmul.f32 $1.131370830e+01, v11  }
0xb6: {  	v15 =	vld [tilespmem:s26+$0x6430];
	[tilespmem:s25+$0xE7A0] =	vst v8;
	v10 =	vadd.f32 v10, v2;
	v12 =	vmul.f32 $1.131370830e+01, v12  }
0xb7: {  	v8 =	vld [tilespmem:s26+$0x6440];
	[tilespmem:s25+$0xE7B0] =	vst v9;
	v11 =	vadd.f32 v11, v1  }
0xb8: {  	v17 =	vmul.f32 $1.131370830e+01, v17;
	v9 =	vld [tilespmem:s26+$0x6450];
	[tilespmem:s25+$0xE7C0] =	vst v10;
	v12 =	vadd.f32 v12, v0  }
0xb9: {  	v10 =	vld [tilespmem:s26+$0x6460];
	[tilespmem:s25+$0xE7D0] =	vst v11;
	v11 =	vmul.f32 $1.131370830e+01, v13  }
0xba: {  	v17 =	vadd.f32 v17, v7;
	v13 =	vld [tilespmem:s26+$0x6470];
	[tilespmem:s25+$0xE7E0] =	vst v12;
	v12 =	vmul.f32 $1.131370830e+01, v16  }
0xbb: {  	v14 =	vmul.f32 $1.131370830e+01, v14;
	v11 =	vadd.f32 v11, v6  }
0xbc: {  	v16 =	vld [tilespmem:s26+$0x6480];
	[tilespmem:s26+$0xE7F0] =	vst v17;
	v15 =	vmul.f32 $1.131370830e+01, v15;
	v12 =	vadd.f32 v12, v5  }
0xbd: {  	v14 =	vadd.f32 v14, v4;
	v8 =	vmul.f32 $1.131370830e+01, v8;
	[tilespmem:s26+$0xE400] =	vst v11;
	v11 =	vld [tilespmem:s26+$0x6490]  }
0xbe: {  	v15 =	vadd.f32 v15, v3;
	v9 =	vmul.f32 $1.131370830e+01, v9;
	[tilespmem:s26+$0xE410] =	vst v12;
	v12 =	vld [tilespmem:s26+$0x64A0]  }
0xbf: {  	[tilespmem:s26+$0xE420] =	vst v14;
	v14 =	vld [tilespmem:s26+$0x64B0];
	v8 =	vadd.f32 v8, v2;
	v10 =	vmul.f32 $1.131370830e+01, v10  }
0xc0: {  	[tilespmem:s26+$0xE430] =	vst v15;
	v15 =	vld [tilespmem:s26+$0x64C0];
	v9 =	vadd.f32 v9, v1;
	v13 =	vmul.f32 $1.131370830e+01, v13  }
0xc1: {  	[tilespmem:s26+$0xE440] =	vst v8;
	v8 =	vld [tilespmem:s26+$0x64D0];
	v10 =	vadd.f32 v10, v0;
	v16 =	vmul.f32 $1.131370830e+01, v16  }
0xc2: {  	[tilespmem:s26+$0xE450] =	vst v9;
	v9 =	vld [tilespmem:s26+$0x64E0];
	v13 =	vadd.f32 v13, v7;
	v11 =	vmul.f32 $1.131370830e+01, v11  }
0xc3: {  	[tilespmem:s26+$0xE460] =	vst v10;
	v10 =	vld [tilespmem:s26+$0x64F0];
	v16 =	vadd.f32 v16, v6;
	v12 =	vmul.f32 $1.131370830e+01, v12  }
0xc4: {  	[tilespmem:s26+$0xE470] =	vst v13;
	v13 =	vld [tilespmem:s26+$0x6500];
	v14 =	vmul.f32 $1.131370830e+01, v14;
	v11 =	vadd.f32 v11, v5  }
0xc5: {  	[tilespmem:s26+$0xE480] =	vst v16;
	v16 =	vld [tilespmem:s26+$0x6510];
	v15 =	vmul.f32 $1.131370830e+01, v15;
	v12 =	vadd.f32 v12, v4  }
0xc6: {  	v14 =	vadd.f32 v14, v3;
	v8 =	vmul.f32 $1.131370830e+01, v8;
	[tilespmem:s26+$0xE490] =	vst v11;
	v11 =	vld [tilespmem:s26+$0x6520]  }
0xc7: {  	v15 =	vadd.f32 v15, v2;
	v9 =	vmul.f32 $1.131370830e+01, v9;
	[tilespmem:s26+$0xE4A0] =	vst v12;
	v12 =	vld [tilespmem:s26+$0x6530]  }
0xc8: {  	[tilespmem:s26+$0xE4B0] =	vst v14;
	v14 =	vld [tilespmem:s26+$0x6540];
	v8 =	vadd.f32 v8, v1;
	v10 =	vmul.f32 $1.131370830e+01, v10  }
0xc9: {  	[tilespmem:s26+$0xE4C0] =	vst v15;
	v15 =	vld [tilespmem:s26+$0x6550];
	v9 =	vadd.f32 v9, v0;
	v13 =	vmul.f32 $1.131370830e+01, v13  }
0xca: {  	[tilespmem:s26+$0xE4D0] =	vst v8;
	v8 =	vld [tilespmem:s26+$0x6560];
	v10 =	vadd.f32 v10, v7;
	v16 =	vmul.f32 $1.131370830e+01, v16  }
0xcb: {  	[tilespmem:s26+$0xE4E0] =	vst v9;
	v9 =	vld [tilespmem:s26+$0x6570];
	v13 =	vadd.f32 v13, v6;
	v11 =	vmul.f32 $1.131370830e+01, v11  }
0xcc: {  	[tilespmem:s26+$0xE4F0] =	vst v10;
	v10 =	vld [tilespmem:s26+$0x6580];
	v16 =	vadd.f32 v16, v5;
	v12 =	vmul.f32 $1.131370830e+01, v12  }
0xcd: {  	[tilespmem:s26+$0xE500] =	vst v13;
	v13 =	vld [tilespmem:s26+$0x6590];
	v14 =	vmul.f32 $1.131370830e+01, v14;
	v11 =	vadd.f32 v11, v4  }
0xce: {  	[tilespmem:s26+$0xE510] =	vst v16;
	v16 =	vld [tilespmem:s26+$0x65A0];
	v15 =	vmul.f32 $1.131370830e+01, v15;
	v12 =	vadd.f32 v12, v3  }
0xcf: {  	v14 =	vadd.f32 v14, v2;
	v8 =	vmul.f32 $1.131370830e+01, v8;
	[tilespmem:s26+$0xE520] =	vst v11;
	v11 =	vld [tilespmem:s26+$0x65B0]  }
0xd0: {  	v15 =	vadd.f32 v15, v1;
	v9 =	vmul.f32 $1.131370830e+01, v9;
	[tilespmem:s26+$0xE530] =	vst v12;
	v12 =	vld [tilespmem:s26+$0x65C0]  }
0xd1: {  	[tilespmem:s26+$0xE540] =	vst v14;
	v14 =	vld [tilespmem:s26+$0x65D0];
	v8 =	vadd.f32 v8, v0;
	v10 =	vmul.f32 $1.131370830e+01, v10  }
0xd2: {  	[tilespmem:s26+$0xE550] =	vst v15;
	v15 =	vld [tilespmem:s26+$0x65E0];
	v9 =	vadd.f32 v9, v7;
	v13 =	vmul.f32 $1.131370830e+01, v13  }
0xd3: {  	[tilespmem:s26+$0xE560] =	vst v8;
	v8 =	vld [tilespmem:s26+$0x65F0];
	v10 =	vadd.f32 v10, v6;
	v16 =	vmul.f32 $1.131370830e+01, v16  }
0xd4: {  	[tilespmem:s26+$0xE570] =	vst v9;
	v9 =	vld [tilespmem:s26+$0x6600];
	v13 =	vadd.f32 v13, v5;
	v11 =	vmul.f32 $1.131370830e+01, v11  }
0xd5: {  	[tilespmem:s26+$0xE580] =	vst v10;
	v10 =	vld [tilespmem:s26+$0x6610];
	v16 =	vadd.f32 v16, v4;
	v12 =	vmul.f32 $1.131370830e+01, v12  }
0xd6: {  	[tilespmem:s26+$0xE590] =	vst v13;
	v13 =	vld [tilespmem:s26+$0x6620];
	v14 =	vmul.f32 $1.131370830e+01, v14;
	v11 =	vadd.f32 v11, v3  }
0xd7: {  	[tilespmem:s26+$0xE5A0] =	vst v16;
	v16 =	vld [tilespmem:s26+$0x6630];
	v15 =	vmul.f32 $1.131370830e+01, v15;
	v12 =	vadd.f32 v12, v2  }
0xd8: {  	v14 =	vadd.f32 v14, v1;
	v8 =	vmul.f32 $1.131370830e+01, v8;
	[tilespmem:s26+$0xE5B0] =	vst v11;
	v11 =	vld [tilespmem:s26+$0x6640]  }
0xd9: {  	v15 =	vadd.f32 v15, v0;
	v9 =	vmul.f32 $1.131370830e+01, v9;
	[tilespmem:s26+$0xE5C0] =	vst v12;
	v12 =	vld [tilespmem:s26+$0x6650]  }
0xda: {  	[tilespmem:s26+$0xE5D0] =	vst v14;
	v14 =	vld [tilespmem:s26+$0x6660];
	v8 =	vadd.f32 v8, v7;
	v10 =	vmul.f32 $1.131370830e+01, v10  }
0xdb: {  	[tilespmem:s26+$0xE5E0] =	vst v15;
	v15 =	vld [tilespmem:s26+$0x6670];
	v9 =	vadd.f32 v9, v6;
	v13 =	vmul.f32 $1.131370830e+01, v13  }
0xdc: {  	[tilespmem:s26+$0xE5F0] =	vst v8;
	v8 =	vld [tilespmem:s26+$0x6680];
	v10 =	vadd.f32 v10, v5;
	v16 =	vmul.f32 $1.131370830e+01, v16  }
0xdd: {  	[tilespmem:s26+$0xE600] =	vst v9;
	v9 =	vld [tilespmem:s26+$0x6690];
	v13 =	vadd.f32 v13, v4;
	v11 =	vmul.f32 $1.131370830e+01, v11  }
0xde: {  	[tilespmem:s26+$0xE610] =	vst v10;
	v10 =	vld [tilespmem:s26+$0x66A0];
	v16 =	vadd.f32 v16, v3;
	v12 =	vmul.f32 $1.131370830e+01, v12  }
0xdf: {  	[tilespmem:s26+$0xE620] =	vst v13;
	v13 =	vld [tilespmem:s26+$0x66B0];
	v14 =	vmul.f32 $1.131370830e+01, v14;
	v11 =	vadd.f32 v11, v2  }
0xe0: {  	[tilespmem:s26+$0xE630] =	vst v16;
	v16 =	vld [tilespmem:s26+$0x66C0];
	v15 =	vmul.f32 $1.131370830e+01, v15;
	v12 =	vadd.f32 v12, v1  }
0xe1: {  	v14 =	vadd.f32 v14, v0;
	v8 =	vmul.f32 $1.131370830e+01, v8;
	[tilespmem:s26+$0xE640] =	vst v11;
	v11 =	vld [tilespmem:s26+$0x66D0]  }
0xe2: {  	v15 =	vadd.f32 v15, v7;
	v9 =	vmul.f32 $1.131370830e+01, v9;
	[tilespmem:s26+$0xE650] =	vst v12;
	v12 =	vld [tilespmem:s26+$0x66E0]  }
0xe3: {  	[tilespmem:s26+$0xE660] =	vst v14;
	v14 =	vld [tilespmem:s26+$0x66F0];
	v8 =	vadd.f32 v8, v6;
	v10 =	vmul.f32 $1.131370830e+01, v10  }
0xe4: {  	[tilespmem:s26+$0xE670] =	vst v15;
	v15 =	vld [tilespmem:s26+$0x6700];
	v9 =	vadd.f32 v9, v5;
	v13 =	vmul.f32 $1.131370830e+01, v13  }
0xe5: {  	[tilespmem:s26+$0xE680] =	vst v8;
	v8 =	vld [tilespmem:s26+$0x6710];
	v10 =	vadd.f32 v10, v4;
	v16 =	vmul.f32 $1.131370830e+01, v16  }
0xe6: {  	[tilespmem:s26+$0xE690] =	vst v9;
	v9 =	vld [tilespmem:s26+$0x6720];
	v13 =	vadd.f32 v13, v3;
	v11 =	vmul.f32 $1.131370830e+01, v11  }
0xe7: {  	[tilespmem:s26+$0xE6A0] =	vst v10;
	v10 =	vld [tilespmem:s26+$0x6730];
	v16 =	vadd.f32 v16, v2;
	v12 =	vmul.f32 $1.131370830e+01, v12  }
0xe8: {  	[tilespmem:s26+$0xE6B0] =	vst v13;
	v13 =	vld [tilespmem:s26+$0x6740];
	v14 =	vmul.f32 $1.131370830e+01, v14;
	v11 =	vadd.f32 v11, v1  }
0xe9: {  	[tilespmem:s26+$0xE6C0] =	vst v16;
	v16 =	vld [tilespmem:s26+$0x6750];
	v15 =	vmul.f32 $1.131370830e+01, v15;
	v12 =	vadd.f32 v12, v0  }
0xea: {  	v14 =	vadd.f32 v14, v7;
	v8 =	vmul.f32 $1.131370830e+01, v8;
	[tilespmem:s26+$0xE6D0] =	vst v11;
	v11 =	vld [tilespmem:s26+$0x6760]  }
0xeb: {  	v15 =	vadd.f32 v15, v6;
	v9 =	vmul.f32 $1.131370830e+01, v9;
	[tilespmem:s26+$0xE6E0] =	vst v12;
	v12 =	vld [tilespmem:s26+$0x6770]  }
0xec: {  	[tilespmem:s26+$0xE6F0] =	vst v14;
	v14 =	vld [tilespmem:s26+$0x6780];
	v8 =	vadd.f32 v8, v5;
	v10 =	vmul.f32 $1.131370830e+01, v10  }
0xed: {  	[tilespmem:s26+$0xE700] =	vst v15;
	v15 =	vld [tilespmem:s26+$0x6790];
	v9 =	vadd.f32 v9, v4;
	v13 =	vmul.f32 $1.131370830e+01, v13  }
0xee: {  	[tilespmem:s26+$0xE710] =	vst v8;
	v8 =	vld [tilespmem:s26+$0x67A0];
	v10 =	vadd.f32 v10, v3;
	v16 =	vmul.f32 $1.131370830e+01, v16  }
0xef: {  	[tilespmem:s26+$0xE720] =	vst v9;
	v9 =	vld [tilespmem:s26+$0x67B0];
	v13 =	vadd.f32 v13, v2;
	v11 =	vmul.f32 $1.131370830e+01, v11  }
0xf0: {  	[tilespmem:s26+$0xE730] =	vst v10;
	v10 =	vld [tilespmem:s26+$0x67C0];
	v16 =	vadd.f32 v16, v1;
	v12 =	vmul.f32 $1.131370830e+01, v12  }
0xf1: {  	[tilespmem:s26+$0xE740] =	vst v13;
	v13 =	vld [tilespmem:s26+$0x67D0];
	v14 =	vmul.f32 $1.131370830e+01, v14;
	v11 =	vadd.f32 v11, v0  }
0xf2: {  	[tilespmem:s26+$0xE750] =	vst v16;
	v7 =	vadd.f32 v12, v7;
	v12 =	vmul.f32 $1.131370830e+01, v15;
	v15 =	vld [tilespmem:s26+$0x67E0]  }
0xf3: {  	v6 =	vadd.f32 v14, v6;
	v8 =	vmul.f32 $1.131370830e+01, v8;
	[tilespmem:s26+$0xE760] =	vst v11  }
0xf4: {  	[tilespmem:s26+$0xE770] =	vst v7;
	v5 =	vadd.f32 v12, v5;
	v7 =	vmul.f32 $1.131370830e+01, v9  }
0xf5: {  	[tilespmem:s26+$0xE780] =	vst v6;
	v4 =	vadd.f32 v8, v4;
	v6 =	vmul.f32 $1.131370830e+01, v10  }
0xf6: {  	[tilespmem:s26+$0xE790] =	vst v5;
	v3 =	vadd.f32 v7, v3;
	v5 =	vmul.f32 $1.131370830e+01, v13  }
0xf7: {  	[tilespmem:s26+$0xE7A0] =	vst v4;
	v2 =	vadd.f32 v6, v2;
	v4 =	vmul.f32 $1.131370830e+01, v15  }
0xf8: {  	[tilespmem:s26+$0xE7B0] =	vst v3;
	v1 =	vadd.f32 v5, v1  }
0xf9: {  	s31 =	sor.u32 s7, s24;
	[tilespmem:s26+$0xE7C0] =	vst v2;
	v0 =	vadd.f32 v4, v0  }
0xfa: {  	s25 =	sshrl.u32 s31, $0x3;
	[tilespmem:s26+$0xE7D0] =	vst v1  }
0xfb: {  	p1 =	seq.s32 s23, $0x63;
	s25 =	sadd.s32 s3, s25;
	[tilespmem:s26+$0xE7E0] =	vst v0  }
0xfc: {  	[hbm4b:s25+s13] =	stream.strided.scatter [tilespmem:s17], [sflag:$0x3], $0x4000, s14, s13, $0x38;
	[tilespmem:$0x1C800] =	vst v63  }
0xfd: {  	s25 =	sshll.u32 @!p1 s23, $0x8  }
0xfe: {  	s25 =	sand.u32 @!p1 $0x3FFFFF00, s25  }
0xff: {  	s28 =	simm.s32 @!p1 $0x6400;
	s26 =	simm.s32 @!p1 $0x80;
	s25 =	sadd.s32 @!p1 $0x100, s25  }
0x100: {  	[tilespmem:s28], [sflag:$0x1] =	stream.indirect.gather @!p1 [hbm4b:s1+s26], $0x80, s25, s26, $0xb8;
	[tilespmem:$0x1C800] =	vst v63  }
0x101: {  	_ =	swait.ge [sflag:s18], $0x4000  }
0x102: {  	[sflag:s18] =	ssyncset.done $0x0  }
0x103: {  	s26 =	simm.s32 @!p0 $0x4;
	[sflag:s18] =	ssyncadd.s32 $0xFFFFC000  }
0x104: {  	_ =	swait.ge @!p0 [sflag:s26], $0x4000  }
0x105: {  	[sflag:s26] =	ssyncset.done @!p0 $0x0  }
0x106: {  	s25 =	sor.u32 $0x80, s24;
	[sflag:s26] =	ssyncadd.s32 @!p0 $0xFFFFC000  }
0x107: {  	v6 =	vld [tilespmem:s25+$0x16400]  }
0x108: {  	v5 =	vld [tilespmem:s25+$0x16410]  }
0x109: {  	v4 =	vld [tilespmem:s25+$0x16420]  }
0x10a: {  	v3 =	vld [tilespmem:s25+$0x16430]  }
0x10b: {  	v2 =	vld [tilespmem:s25+$0x16440]  }
0x10c: {  	v1 =	vld [tilespmem:s25+$0x16450]  }
0x10d: {  	s26 =	simm.s32 $0x0;
	v7 =	vld [tilespmem:s25+$0x16470]  }
0x10e: {  	v8 =	vld [tilespmem:s26+$0xA7F0]  }
0x10f: {  	v9 =	vld [tilespmem:s26+$0xA400]  }
0x110: {  	v10 =	vld [tilespmem:s26+$0xA410]  }
0x111: {  	v0 =	vld [tilespmem:s25+$0x16460]  }
0x112: {  	v11 =	vld [tilespmem:s26+$0xA420]  }
0x113: {  	v12 =	vld [tilespmem:s26+$0xA430];
	v8 =	vmul.f32 $1.131370830e+01, v8  }
0x114: {  	v13 =	vld [tilespmem:s26+$0xA440];
	v9 =	vmul.f32 $1.131370830e+01, v9  }
0x115: {  	v14 =	vld [tilespmem:s26+$0xA450];
	v10 =	vmul.f32 $1.131370830e+01, v10;
	v8 =	vadd.f32 v8, v7  }
0x116: {  	v15 =	vld [tilespmem:s26+$0xA460];
	v9 =	vadd.f32 v9, v6  }
0x117: {  	v16 =	vld [tilespmem:s26+$0xA470];
	v10 =	vadd.f32 v10, v5;
	[tilespmem:s26+$0x127F0] =	vst v8;
	v8 =	vmul.f32 $1.131370830e+01, v11  }
0x118: {  	[tilespmem:s26+$0x12400] =	vst v9;
	v9 =	vld [tilespmem:s26+$0xA490];
	v11 =	vmul.f32 $1.131370830e+01, v12  }
0x119: {  	[tilespmem:s26+$0x12410] =	vst v10;
	v10 =	vld [tilespmem:s26+$0xA4A0];
	v12 =	vmul.f32 $1.131370830e+01, v13;
	v8 =	vadd.f32 v8, v4  }
0x11a: {  	v17 =	vld [tilespmem:s26+$0xA480];
	v13 =	vmul.f32 $1.131370830e+01, v14;
	v11 =	vadd.f32 v11, v3  }
0x11b: {  	v14 =	vmul.f32 $1.131370830e+01, v15;
	v12 =	vadd.f32 v12, v2;
	[tilespmem:s26+$0x12420] =	vst v8;
	v8 =	vld [tilespmem:s26+$0xA4B0]  }
0x11c: {  	v15 =	vmul.f32 $1.131370830e+01, v16;
	v13 =	vadd.f32 v13, v1;
	[tilespmem:s26+$0x12430] =	vst v11;
	v11 =	vld [tilespmem:s26+$0xA4C0]  }
0x11d: {  	v14 =	vadd.f32 v14, v0;
	[tilespmem:s26+$0x12440] =	vst v12;
	v12 =	vld [tilespmem:s26+$0xA4D0];
	v9 =	vmul.f32 $1.131370830e+01, v9  }
0x11e: {  	v15 =	vadd.f32 v15, v7;
	[tilespmem:s26+$0x12450] =	vst v13;
	v13 =	vld [tilespmem:s26+$0xA4E0];
	v10 =	vmul.f32 $1.131370830e+01, v10  }
0x11f: {  	v16 =	vmul.f32 $1.131370830e+01, v17;
	[tilespmem:s26+$0x12460] =	vst v14;
	v14 =	vld [tilespmem:s26+$0xA4F0];
	v9 =	vadd.f32 v9, v5  }
0x120: {  	[tilespmem:s26+$0x12470] =	vst v15;
	v15 =	vld [tilespmem:s26+$0xA500];
	v10 =	vadd.f32 v10, v4;
	v8 =	vmul.f32 $1.131370830e+01, v8  }
0x121: {  	v16 =	vadd.f32 v16, v6;
	[tilespmem:s26+$0x12490] =	vst v9;
	v9 =	vld [tilespmem:s26+$0xA520];
	v11 =	vmul.f32 $1.131370830e+01, v11  }
0x122: {  	[tilespmem:s26+$0x124A0] =	vst v10;
	v10 =	vld [tilespmem:s26+$0xA530];
	v12 =	vmul.f32 $1.131370830e+01, v12;
	v8 =	vadd.f32 v8, v3  }
0x123: {  	[tilespmem:s26+$0x12480] =	vst v16;
	v16 =	vld [tilespmem:s26+$0xA510];
	v13 =	vmul.f32 $1.131370830e+01, v13;
	v11 =	vadd.f32 v11, v2  }
0x124: {  	v14 =	vmul.f32 $1.131370830e+01, v14;
	v12 =	vadd.f32 v12, v1;
	[tilespmem:s26+$0x124B0] =	vst v8;
	v8 =	vld [tilespmem:s26+$0xA540]  }
0x125: {  	v15 =	vmul.f32 $1.131370830e+01, v15;
	v13 =	vadd.f32 v13, v0;
	[tilespmem:s26+$0x124C0] =	vst v11;
	v11 =	vld [tilespmem:s26+$0xA550]  }
0x126: {  	v14 =	vadd.f32 v14, v7;
	[tilespmem:s26+$0x124D0] =	vst v12;
	v12 =	vld [tilespmem:s26+$0xA560];
	v9 =	vmul.f32 $1.131370830e+01, v9  }
0x127: {  	v15 =	vadd.f32 v15, v6;
	[tilespmem:s26+$0x124E0] =	vst v13;
	v13 =	vld [tilespmem:s26+$0xA570];
	v10 =	vmul.f32 $1.131370830e+01, v10  }
0x128: {  	v16 =	vmul.f32 $1.131370830e+01, v16;
	[tilespmem:s26+$0x124F0] =	vst v14;
	v14 =	vld [tilespmem:s26+$0xA580];
	v9 =	vadd.f32 v9, v4  }
0x129: {  	[tilespmem:s26+$0x12500] =	vst v15;
	v15 =	vld [tilespmem:s26+$0xA590];
	v10 =	vadd.f32 v10, v3;
	v8 =	vmul.f32 $1.131370830e+01, v8  }
0x12a: {  	v16 =	vadd.f32 v16, v5;
	[tilespmem:s26+$0x12520] =	vst v9;
	v9 =	vld [tilespmem:s26+$0xA5B0];
	v11 =	vmul.f32 $1.131370830e+01, v11  }
0x12b: {  	[tilespmem:s26+$0x12530] =	vst v10;
	v10 =	vld [tilespmem:s26+$0xA5C0];
	v12 =	vmul.f32 $1.131370830e+01, v12;
	v8 =	vadd.f32 v8, v2  }
0x12c: {  	[tilespmem:s26+$0x12510] =	vst v16;
	v16 =	vld [tilespmem:s26+$0xA5A0];
	v13 =	vmul.f32 $1.131370830e+01, v13;
	v11 =	vadd.f32 v11, v1  }
0x12d: {  	v14 =	vmul.f32 $1.131370830e+01, v14;
	v12 =	vadd.f32 v12, v0;
	[tilespmem:s26+$0x12540] =	vst v8;
	v8 =	vld [tilespmem:s26+$0xA5D0]  }
0x12e: {  	v15 =	vmul.f32 $1.131370830e+01, v15;
	v13 =	vadd.f32 v13, v7;
	[tilespmem:s26+$0x12550] =	vst v11;
	v11 =	vld [tilespmem:s26+$0xA5E0]  }
0x12f: {  	v14 =	vadd.f32 v14, v6;
	[tilespmem:s26+$0x12560] =	vst v12;
	v12 =	vld [tilespmem:s26+$0xA5F0];
	v9 =	vmul.f32 $1.131370830e+01, v9  }
0x130: {  	v15 =	vadd.f32 v15, v5;
	[tilespmem:s26+$0x12570] =	vst v13;
	v13 =	vld [tilespmem:s26+$0xA600];
	v10 =	vmul.f32 $1.131370830e+01, v10  }
0x131: {  	v16 =	vmul.f32 $1.131370830e+01, v16;
	[tilespmem:s26+$0x12580] =	vst v14;
	v14 =	vld [tilespmem:s26+$0xA610];
	v9 =	vadd.f32 v9, v3  }
0x132: {  	[tilespmem:s26+$0x12590] =	vst v15;
	v15 =	vld [tilespmem:s26+$0xA620];
	v10 =	vadd.f32 v10, v2;
	v8 =	vmul.f32 $1.131370830e+01, v8  }
0x133: {  	v16 =	vadd.f32 v16, v4;
	[tilespmem:s26+$0x125B0] =	vst v9;
	v9 =	vld [tilespmem:s26+$0xA640];
	v11 =	vmul.f32 $1.131370830e+01, v11  }
0x134: {  	[tilespmem:s26+$0x125C0] =	vst v10;
	v10 =	vld [tilespmem:s26+$0xA650];
	v12 =	vmul.f32 $1.131370830e+01, v12;
	v8 =	vadd.f32 v8, v1  }
0x135: {  	[tilespmem:s26+$0x125A0] =	vst v16;
	v16 =	vld [tilespmem:s26+$0xA630];
	v13 =	vmul.f32 $1.131370830e+01, v13;
	v11 =	vadd.f32 v11, v0  }
0x136: {  	v14 =	vmul.f32 $1.131370830e+01, v14;
	v12 =	vadd.f32 v12, v7;
	[tilespmem:s26+$0x125D0] =	vst v8;
	v8 =	vld [tilespmem:s26+$0xA660]  }
0x137: {  	v15 =	vmul.f32 $1.131370830e+01, v15;
	v13 =	vadd.f32 v13, v6;
	[tilespmem:s26+$0x125E0] =	vst v11;
	v11 =	vld [tilespmem:s26+$0xA670]  }
0x138: {  	v14 =	vadd.f32 v14, v5;
	[tilespmem:s26+$0x125F0] =	vst v12;
	v12 =	vld [tilespmem:s26+$0xA680];
	v9 =	vmul.f32 $1.131370830e+01, v9  }
0x139: {  	v15 =	vadd.f32 v15, v4;
	[tilespmem:s26+$0x12600] =	vst v13;
	v13 =	vld [tilespmem:s26+$0xA690];
	v10 =	vmul.f32 $1.131370830e+01, v10  }
0x13a: {  	v16 =	vmul.f32 $1.131370830e+01, v16;
	[tilespmem:s26+$0x12610] =	vst v14;
	v14 =	vld [tilespmem:s26+$0xA6A0];
	v9 =	vadd.f32 v9, v2  }
0x13b: {  	[tilespmem:s26+$0x12620] =	vst v15;
	v15 =	vld [tilespmem:s26+$0xA6B0];
	v10 =	vadd.f32 v10, v1;
	v8 =	vmul.f32 $1.131370830e+01, v8  }
0x13c: {  	v16 =	vadd.f32 v16, v3;
	[tilespmem:s26+$0x12640] =	vst v9;
	v9 =	vld [tilespmem:s26+$0xA6D0];
	v11 =	vmul.f32 $1.131370830e+01, v11  }
0x13d: {  	[tilespmem:s26+$0x12650] =	vst v10;
	v10 =	vld [tilespmem:s26+$0xA6E0];
	v12 =	vmul.f32 $1.131370830e+01, v12;
	v8 =	vadd.f32 v8, v0  }
0x13e: {  	[tilespmem:s26+$0x12630] =	vst v16;
	v16 =	vld [tilespmem:s26+$0xA6C0];
	v13 =	vmul.f32 $1.131370830e+01, v13;
	v11 =	vadd.f32 v11, v7  }
0x13f: {  	v14 =	vmul.f32 $1.131370830e+01, v14;
	v12 =	vadd.f32 v12, v6;
	[tilespmem:s26+$0x12660] =	vst v8;
	v8 =	vld [tilespmem:s26+$0xA6F0]  }
0x140: {  	v15 =	vmul.f32 $1.131370830e+01, v15;
	v13 =	vadd.f32 v13, v5;
	[tilespmem:s26+$0x12670] =	vst v11;
	v11 =	vld [tilespmem:s26+$0xA700]  }
0x141: {  	v14 =	vadd.f32 v14, v4;
	[tilespmem:s26+$0x12680] =	vst v12;
	v12 =	vld [tilespmem:s26+$0xA710];
	v9 =	vmul.f32 $1.131370830e+01, v9  }
0x142: {  	v15 =	vadd.f32 v15, v3;
	[tilespmem:s26+$0x12690] =	vst v13;
	v10 =	vmul.f32 $1.131370830e+01, v10  }
0x143: {  	v16 =	vmul.f32 $1.131370830e+01, v16;
	v13 =	vld [tilespmem:s26+$0xA720];
	[tilespmem:s26+$0x126A0] =	vst v14;
	v9 =	vadd.f32 v9, v1  }
0x144: {  	v14 =	vld [tilespmem:s26+$0xA730];
	[tilespmem:s26+$0x126B0] =	vst v15;
	v10 =	vadd.f32 v10, v0;
	v8 =	vmul.f32 $1.131370830e+01, v8  }
0x145: {  	v16 =	vadd.f32 v16, v2;
	v15 =	vld [tilespmem:s26+$0xA740];
	[tilespmem:s26+$0x126D0] =	vst v9;
	v9 =	vmul.f32 $1.131370830e+01, v11  }
0x146: {  	[tilespmem:s26+$0x126E0] =	vst v10;
	v10 =	vmul.f32 $1.131370830e+01, v12;
	v8 =	vadd.f32 v8, v7  }
0x147: {  	[tilespmem:s26+$0x126C0] =	vst v16;
	v16 =	vld [tilespmem:s26+$0xA750];
	v9 =	vadd.f32 v9, v6  }
0x148: {  	v17 =	vld [tilespmem:s26+$0xA760];
	v10 =	vadd.f32 v10, v5;
	[tilespmem:s26+$0x126F0] =	vst v8;
	v8 =	vmul.f32 $1.131370830e+01, v13  }
0x149: {  	v11 =	vld [tilespmem:s26+$0xA770];
	[tilespmem:s26+$0x12700] =	vst v9;
	v9 =	vmul.f32 $1.131370830e+01, v14  }
0x14a: {  	v12 =	vld [tilespmem:s26+$0xA780];
	[tilespmem:s26+$0x12710] =	vst v10;
	v10 =	vmul.f32 $1.131370830e+01, v15;
	v13 =	vadd.f32 v8, v4  }
0x14b: {  	v18 =	vld [tilespmem:s26+$0xA790];
	v14 =	vadd.f32 v9, v3  }
0x14c: {  	v8 =	vld [tilespmem:s26+$0xA7A0];
	v15 =	vadd.f32 v10, v2;
	[tilespmem:s26+$0x12720] =	vst v13;
	v13 =	vmul.f32 $1.131370830e+01, v16  }
0x14d: {  	v9 =	vld [tilespmem:s26+$0xA7B0];
	[tilespmem:s26+$0x12730] =	vst v14;
	v14 =	vmul.f32 $1.131370830e+01, v17  }
0x14e: {  	v10 =	vld [tilespmem:s26+$0xA7C0];
	[tilespmem:s26+$0x12740] =	vst v15;
	v15 =	vmul.f32 $1.131370830e+01, v11;
	v16 =	vadd.f32 v13, v1  }
0x14f: {  	v11 =	vld [tilespmem:s26+$0xA7D0];
	v13 =	vadd.f32 v14, v0;
	v14 =	vmul.f32 $1.131370830e+01, v12  }
0x150: {  	s29 =	simm.s32 $0x2000;
	s28 =	simm.s32 $0x400;
	v12 =	vld [tilespmem:s26+$0xA7E0];
	[tilespmem:s26+$0x12750] =	vst v16;
	v16 =	vadd.f32 v15, v7;
	v15 =	vmul.f32 $1.131370830e+01, v18  }
.LBB2_5:
0x151: {  	p0 =	sne.s32 s29, $0xF000;
	v17 =	vld [tilespmem:s28+$0xA7F0];
	[tilespmem:s26+$0x12760] =	vst v13;
	v13 =	vadd.f32 v14, v6;
	v8 =	vmul.f32 $1.131370830e+01, v8  }
0x152: {  	v14 =	vld [tilespmem:s28+$0xA400];
	[tilespmem:s26+$0x12770] =	vst v16;
	v15 =	vadd.f32 v15, v5;
	v9 =	vmul.f32 $1.131370830e+01, v9  }
0x153: {  	v16 =	vld [tilespmem:s28+$0xA410];
	[tilespmem:s26+$0x12780] =	vst v13;
	v8 =	vadd.f32 v8, v4;
	v10 =	vmul.f32 $1.131370830e+01, v10  }
0x154: {  	v13 =	vld [tilespmem:s28+$0xA420];
	[tilespmem:s26+$0x12790] =	vst v15;
	v9 =	vadd.f32 v9, v3;
	v11 =	vmul.f32 $1.131370830e+01, v11  }
0x155: {  	v15 =	vld [tilespmem:s28+$0xA430];
	[tilespmem:s26+$0x127A0] =	vst v8;
	v8 =	vadd.f32 v10, v2;
	v10 =	vmul.f32 $1.131370830e+01, v12  }
0x156: {  	v12 =	vld [tilespmem:s28+$0xA440];
	v17 =	vmul.f32 $1.131370830e+01, v17;
	[tilespmem:s26+$0x127B0] =	vst v9;
	v9 =	vadd.f32 v11, v1  }
0x157: {  	v11 =	vmul.f32 $1.131370830e+01, v14;
	v14 =	vld [tilespmem:s28+$0xA450];
	[tilespmem:s26+$0x127C0] =	vst v8;
	v8 =	vadd.f32 v10, v0  }
0x158: {  	v10 =	vmul.f32 $1.131370830e+01, v16;
	v16 =	vld [tilespmem:s28+$0xA460];
	v17 =	vadd.f32 v17, v7;
	[tilespmem:s26+$0x127D0] =	vst v9  }
0x159: {  	v9 =	vadd.f32 v11, v6;
	v11 =	vmul.f32 $1.131370830e+01, v13;
	v13 =	vld [tilespmem:s28+$0xA470];
	[tilespmem:s26+$0x127E0] =	vst v8;
	s26 =	smov.u32 s28  }
0x15a: {  	v8 =	vadd.f32 v10, v5;
	v10 =	vmul.f32 $1.131370830e+01, v15;
	v15 =	vld [tilespmem:s26+$0xA480];
	[tilespmem:s26+$0x127F0] =	vst v17  }
0x15b: {  	[tilespmem:s26+$0x12400] =	vst v9;
	v9 =	vadd.f32 v11, v4;
	v11 =	vmul.f32 $1.131370830e+01, v12;
	v12 =	vld [tilespmem:s26+$0xA490]  }
0x15c: {  	[tilespmem:s26+$0x12410] =	vst v8;
	v8 =	vadd.f32 v10, v3;
	v10 =	vmul.f32 $1.131370830e+01, v14;
	v14 =	vld [tilespmem:s26+$0xA4A0]  }
0x15d: {  	[tilespmem:s26+$0x12420] =	vst v9;
	v9 =	vadd.f32 v11, v2;
	v11 =	vmul.f32 $1.131370830e+01, v16;
	v16 =	vld [tilespmem:s26+$0xA4B0]  }
0x15e: {  	[tilespmem:s26+$0x12430] =	vst v8;
	v8 =	vadd.f32 v10, v1;
	v10 =	vmul.f32 $1.131370830e+01, v13;
	v13 =	vld [tilespmem:s26+$0xA4C0]  }
0x15f: {  	[tilespmem:s26+$0x12440] =	vst v9;
	v9 =	vadd.f32 v11, v0;
	v11 =	vmul.f32 $1.131370830e+01, v15;
	v15 =	vld [tilespmem:s26+$0xA4D0]  }
0x160: {  	[tilespmem:s26+$0x12450] =	vst v8;
	v8 =	vadd.f32 v10, v7;
	v10 =	vmul.f32 $1.131370830e+01, v12;
	v12 =	vld [tilespmem:s26+$0xA4E0]  }
0x161: {  	[tilespmem:s26+$0x12460] =	vst v9;
	v9 =	vadd.f32 v11, v6;
	v11 =	vmul.f32 $1.131370830e+01, v14;
	v14 =	vld [tilespmem:s26+$0xA4F0]  }
0x162: {  	[tilespmem:s26+$0x12470] =	vst v8;
	v8 =	vadd.f32 v10, v5;
	v10 =	vmul.f32 $1.131370830e+01, v16;
	v16 =	vld [tilespmem:s26+$0xA500]  }
0x163: {  	[tilespmem:s26+$0x12480] =	vst v9;
	v9 =	vadd.f32 v11, v4;
	v11 =	vmul.f32 $1.131370830e+01, v13;
	v13 =	vld [tilespmem:s26+$0xA510]  }
0x164: {  	[tilespmem:s26+$0x12490] =	vst v8;
	v8 =	vadd.f32 v10, v3;
	v10 =	vmul.f32 $1.131370830e+01, v15;
	v15 =	vld [tilespmem:s26+$0xA520]  }
0x165: {  	[tilespmem:s26+$0x124A0] =	vst v9;
	v9 =	vadd.f32 v11, v2;
	v11 =	vmul.f32 $1.131370830e+01, v12;
	v12 =	vld [tilespmem:s26+$0xA530]  }
0x166: {  	[tilespmem:s26+$0x124B0] =	vst v8;
	v8 =	vadd.f32 v10, v1;
	v10 =	vmul.f32 $1.131370830e+01, v14;
	v14 =	vld [tilespmem:s26+$0xA540]  }
0x167: {  	[tilespmem:s26+$0x124C0] =	vst v9;
	v9 =	vadd.f32 v11, v0;
	v11 =	vmul.f32 $1.131370830e+01, v16;
	v16 =	vld [tilespmem:s26+$0xA550]  }
0x168: {  	[tilespmem:s26+$0x124D0] =	vst v8;
	v8 =	vadd.f32 v10, v7;
	v10 =	vmul.f32 $1.131370830e+01, v13;
	v13 =	vld [tilespmem:s26+$0xA560]  }
0x169: {  	[tilespmem:s26+$0x124E0] =	vst v9;
	v9 =	vadd.f32 v11, v6;
	v11 =	vmul.f32 $1.131370830e+01, v15;
	v15 =	vld [tilespmem:s26+$0xA570]  }
0x16a: {  	[tilespmem:s26+$0x124F0] =	vst v8;
	v8 =	vadd.f32 v10, v5;
	v10 =	vmul.f32 $1.131370830e+01, v12;
	v12 =	vld [tilespmem:s26+$0xA580]  }
0x16b: {  	[tilespmem:s26+$0x12500] =	vst v9;
	v9 =	vadd.f32 v11, v4;
	v11 =	vmul.f32 $1.131370830e+01, v14;
	v14 =	vld [tilespmem:s26+$0xA590]  }
0x16c: {  	[tilespmem:s26+$0x12510] =	vst v8;
	v8 =	vadd.f32 v10, v3;
	v10 =	vmul.f32 $1.131370830e+01, v16;
	v16 =	vld [tilespmem:s26+$0xA5A0]  }
0x16d: {  	[tilespmem:s26+$0x12520] =	vst v9;
	v9 =	vadd.f32 v11, v2;
	v11 =	vmul.f32 $1.131370830e+01, v13;
	v13 =	vld [tilespmem:s26+$0xA5B0]  }
0x16e: {  	[tilespmem:s26+$0x12530] =	vst v8;
	v8 =	vadd.f32 v10, v1;
	v10 =	vmul.f32 $1.131370830e+01, v15;
	v15 =	vld [tilespmem:s26+$0xA5C0]  }
0x16f: {  	[tilespmem:s26+$0x12540] =	vst v9;
	v9 =	vadd.f32 v11, v0;
	v11 =	vmul.f32 $1.131370830e+01, v12;
	v12 =	vld [tilespmem:s26+$0xA5D0]  }
0x170: {  	[tilespmem:s26+$0x12550] =	vst v8;
	v8 =	vadd.f32 v10, v7;
	v10 =	vmul.f32 $1.131370830e+01, v14;
	v14 =	vld [tilespmem:s26+$0xA5E0]  }
0x171: {  	[tilespmem:s26+$0x12560] =	vst v9;
	v9 =	vadd.f32 v11, v6;
	v11 =	vmul.f32 $1.131370830e+01, v16;
	v16 =	vld [tilespmem:s26+$0xA5F0]  }
0x172: {  	[tilespmem:s26+$0x12570] =	vst v8;
	v8 =	vadd.f32 v10, v5;
	v10 =	vmul.f32 $1.131370830e+01, v13;
	v13 =	vld [tilespmem:s26+$0xA600]  }
0x173: {  	[tilespmem:s26+$0x12580] =	vst v9;
	v9 =	vadd.f32 v11, v4;
	v11 =	vmul.f32 $1.131370830e+01, v15;
	v15 =	vld [tilespmem:s26+$0xA610]  }
0x174: {  	[tilespmem:s26+$0x12590] =	vst v8;
	v8 =	vadd.f32 v10, v3;
	v10 =	vmul.f32 $1.131370830e+01, v12;
	v12 =	vld [tilespmem:s26+$0xA620]  }
0x175: {  	[tilespmem:s26+$0x125A0] =	vst v9;
	v9 =	vadd.f32 v11, v2;
	v11 =	vmul.f32 $1.131370830e+01, v14;
	v14 =	vld [tilespmem:s26+$0xA630]  }
0x176: {  	[tilespmem:s26+$0x125B0] =	vst v8;
	v8 =	vadd.f32 v10, v1;
	v10 =	vmul.f32 $1.131370830e+01, v16;
	v16 =	vld [tilespmem:s26+$0xA640]  }
0x177: {  	[tilespmem:s26+$0x125C0] =	vst v9;
	v9 =	vadd.f32 v11, v0;
	v11 =	vmul.f32 $1.131370830e+01, v13;
	v13 =	vld [tilespmem:s26+$0xA650]  }
0x178: {  	[tilespmem:s26+$0x125D0] =	vst v8;
	v8 =	vadd.f32 v10, v7;
	v10 =	vmul.f32 $1.131370830e+01, v15;
	v15 =	vld [tilespmem:s26+$0xA660]  }
0x179: {  	[tilespmem:s26+$0x125E0] =	vst v9;
	v9 =	vadd.f32 v11, v6;
	v11 =	vmul.f32 $1.131370830e+01, v12;
	v12 =	vld [tilespmem:s26+$0xA670]  }
0x17a: {  	[tilespmem:s26+$0x125F0] =	vst v8;
	v8 =	vadd.f32 v10, v5;
	v10 =	vmul.f32 $1.131370830e+01, v14;
	v14 =	vld [tilespmem:s26+$0xA680]  }
0x17b: {  	[tilespmem:s26+$0x12600] =	vst v9;
	v9 =	vadd.f32 v11, v4;
	v11 =	vmul.f32 $1.131370830e+01, v16;
	v16 =	vld [tilespmem:s26+$0xA690]  }
0x17c: {  	[tilespmem:s26+$0x12610] =	vst v8;
	v8 =	vadd.f32 v10, v3;
	v10 =	vmul.f32 $1.131370830e+01, v13;
	v13 =	vld [tilespmem:s26+$0xA6A0]  }
0x17d: {  	[tilespmem:s26+$0x12620] =	vst v9;
	v9 =	vadd.f32 v11, v2;
	v11 =	vmul.f32 $1.131370830e+01, v15;
	v15 =	vld [tilespmem:s26+$0xA6B0]  }
0x17e: {  	[tilespmem:s26+$0x12630] =	vst v8;
	v8 =	vadd.f32 v10, v1;
	v10 =	vmul.f32 $1.131370830e+01, v12;
	v12 =	vld [tilespmem:s26+$0xA6C0]  }
0x17f: {  	[tilespmem:s26+$0x12640] =	vst v9;
	v9 =	vadd.f32 v11, v0;
	v11 =	vmul.f32 $1.131370830e+01, v14;
	v14 =	vld [tilespmem:s26+$0xA6D0]  }
0x180: {  	[tilespmem:s26+$0x12650] =	vst v8;
	v8 =	vadd.f32 v10, v7;
	v10 =	vmul.f32 $1.131370830e+01, v16;
	v16 =	vld [tilespmem:s26+$0xA6E0]  }
0x181: {  	[tilespmem:s26+$0x12660] =	vst v9;
	v9 =	vadd.f32 v11, v6;
	v11 =	vmul.f32 $1.131370830e+01, v13;
	v13 =	vld [tilespmem:s26+$0xA6F0]  }
0x182: {  	[tilespmem:s26+$0x12670] =	vst v8;
	v8 =	vadd.f32 v10, v5;
	v10 =	vmul.f32 $1.131370830e+01, v15;
	v15 =	vld [tilespmem:s26+$0xA700]  }
0x183: {  	[tilespmem:s26+$0x12680] =	vst v9;
	v9 =	vadd.f32 v11, v4;
	v11 =	vmul.f32 $1.131370830e+01, v12;
	v12 =	vld [tilespmem:s26+$0xA710]  }
0x184: {  	[tilespmem:s26+$0x12690] =	vst v8;
	v8 =	vadd.f32 v10, v3;
	v10 =	vmul.f32 $1.131370830e+01, v14;
	v14 =	vld [tilespmem:s26+$0xA720]  }
0x185: {  	[tilespmem:s26+$0x126A0] =	vst v9;
	v9 =	vadd.f32 v11, v2;
	v11 =	vmul.f32 $1.131370830e+01, v16;
	v16 =	vld [tilespmem:s26+$0xA730]  }
0x186: {  	[tilespmem:s26+$0x126B0] =	vst v8;
	v8 =	vadd.f32 v10, v1;
	v10 =	vmul.f32 $1.131370830e+01, v13;
	v13 =	vld [tilespmem:s26+$0xA740]  }
0x187: {  	[tilespmem:s26+$0x126C0] =	vst v9;
	v9 =	vadd.f32 v11, v0;
	v11 =	vmul.f32 $1.131370830e+01, v15;
	v15 =	vld [tilespmem:s26+$0xA750]  }
0x188: {  	[tilespmem:s26+$0x126D0] =	vst v8;
	v8 =	vadd.f32 v10, v7;
	v10 =	vmul.f32 $1.131370830e+01, v12;
	v12 =	vld [tilespmem:s26+$0xA760]  }
0x189: {  	[tilespmem:s26+$0x126E0] =	vst v9;
	v9 =	vadd.f32 v11, v6;
	v11 =	vmul.f32 $1.131370830e+01, v14;
	v14 =	vld [tilespmem:s26+$0xA770]  }
0x18a: {  	[tilespmem:s26+$0x126F0] =	vst v8;
	v8 =	vadd.f32 v10, v5;
	v10 =	vmul.f32 $1.131370830e+01, v16;
	v16 =	vld [tilespmem:s26+$0xA780]  }
0x18b: {  	[tilespmem:s26+$0x12700] =	vst v9;
	v9 =	vadd.f32 v11, v4;
	v11 =	vmul.f32 $1.131370830e+01, v13;
	v17 =	vld [tilespmem:s26+$0xA790]  }
.Ltmp3:
0x18c: {  	[tilespmem:s26+$0x12710] =	vst v8;
	v10 =	vadd.f32 v10, v3;
	v13 =	vmul.f32 $1.131370830e+01, v15;
	v8 =	vld [tilespmem:s26+$0xA7A0];
	(pc) =	sbr.rel @p0 .LBB2_5-.Ltmp3, $4  }
0x18d: {  	[tilespmem:s26+$0x12720] =	vst v9;
	v11 =	vadd.f32 v11, v2;
	v12 =	vmul.f32 $1.131370830e+01, v12;
	v9 =	vld [tilespmem:s26+$0xA7B0]  }
0x18e: {  	[tilespmem:s26+$0x12730] =	vst v10;
	v15 =	vadd.f32 v13, v1;
	v18 =	vmul.f32 $1.131370830e+01, v14;
	v10 =	vld [tilespmem:s26+$0xA7C0]  }
0x18f: {  	[tilespmem:s26+$0x12740] =	vst v11;
	v13 =	vadd.f32 v12, v0;
	v14 =	vmul.f32 $1.131370830e+01, v16;
	v11 =	vld [tilespmem:s26+$0xA7D0]  }
0x190: {  	s28 =	sshra.s32 s29, $0x2;
	s29 =	sadd.s32 $0x1000, s29;
	[tilespmem:s26+$0x12750] =	vst v15;
	v16 =	vadd.f32 v18, v7;
	v15 =	vmul.f32 $1.131370830e+01, v17;
	v12 =	vld [tilespmem:s26+$0xA7E0]  }
0x191: {  	v17 =	vld [tilespmem:s28+$0xA7F0];
	[tilespmem:s26+$0x12760] =	vst v13;
	v14 =	vadd.f32 v14, v6;
	v8 =	vmul.f32 $1.131370830e+01, v8  }
0x192: {  	v13 =	vld [tilespmem:s28+$0xA400];
	[tilespmem:s26+$0x12770] =	vst v16;
	v15 =	vadd.f32 v15, v5;
	v9 =	vmul.f32 $1.131370830e+01, v9  }
0x193: {  	v16 =	vld [tilespmem:s28+$0xA410];
	[tilespmem:s26+$0x12780] =	vst v14;
	v8 =	vadd.f32 v8, v4;
	v10 =	vmul.f32 $1.131370830e+01, v10  }
0x194: {  	v14 =	vld [tilespmem:s28+$0xA420];
	[tilespmem:s26+$0x12790] =	vst v15;
	v9 =	vadd.f32 v9, v3;
	v11 =	vmul.f32 $1.131370830e+01, v11  }
0x195: {  	v15 =	vld [tilespmem:s28+$0xA430];
	[tilespmem:s26+$0x127A0] =	vst v8;
	v10 =	vadd.f32 v10, v2;
	v12 =	vmul.f32 $1.131370830e+01, v12  }
0x196: {  	v8 =	vld [tilespmem:s28+$0xA440];
	[tilespmem:s26+$0x127B0] =	vst v9;
	v11 =	vadd.f32 v11, v1;
	v17 =	vmul.f32 $1.131370830e+01, v17  }
0x197: {  	v9 =	vld [tilespmem:s28+$0xA450];
	[tilespmem:s26+$0x127C0] =	vst v10;
	v12 =	vadd.f32 v12, v0;
	v37 =	vmul.f32 $1.131370830e+01, v13  }
0x198: {  	v10 =	vld [tilespmem:s28+$0xA460];
	[tilespmem:s26+$0x127D0] =	vst v11;
	v17 =	vadd.f32 v17, v7;
	v39 =	vmul.f32 $1.131370830e+01, v16  }
0x199: {  	v38 =	vld [tilespmem:s28+$0xA470];
	[tilespmem:s26+$0x127E0] =	vst v12;
	v11 =	vadd.f32 v37, v6;
	v14 =	vmul.f32 $1.131370830e+01, v14  }
0x19a: {  	v40 =	vld [tilespmem:s28+$0xA480];
	[tilespmem:s28+$0x127F0] =	vst v17;
	v12 =	vadd.f32 v39, v5;
	v15 =	vmul.f32 $1.131370830e+01, v15  }
0x19b: {  	v41 =	vld [tilespmem:s28+$0xA490];
	[tilespmem:s28+$0x12400] =	vst v11;
	v14 =	vadd.f32 v14, v4;
	v8 =	vmul.f32 $1.131370830e+01, v8  }
0x19c: {  	v42 =	vld [tilespmem:s28+$0xA4A0];
	[tilespmem:s28+$0x12410] =	vst v12;
	v15 =	vadd.f32 v15, v3;
	v9 =	vmul.f32 $1.131370830e+01, v9  }
0x19d: {  	v43 =	vld [tilespmem:s28+$0xA4B0];
	[tilespmem:s28+$0x12420] =	vst v14;
	v8 =	vadd.f32 v8, v2;
	v10 =	vmul.f32 $1.131370830e+01, v10  }
0x19e: {  	v44 =	vld [tilespmem:s28+$0xA4C0];
	[tilespmem:s28+$0x12430] =	vst v15;
	v9 =	vadd.f32 v9, v1;
	v13 =	vmul.f32 $1.131370830e+01, v38  }
0x19f: {  	v45 =	vld [tilespmem:s28+$0xA4D0];
	[tilespmem:s28+$0x12440] =	vst v8;
	v10 =	vadd.f32 v10, v0;
	v16 =	vmul.f32 $1.131370830e+01, v40  }
0x1a0: {  	v46 =	vld [tilespmem:s28+$0xA4E0];
	v11 =	vmul.f32 $1.131370830e+01, v41;
	[tilespmem:s28+$0x12450] =	vst v9;
	v13 =	vadd.f32 v13, v7  }
0x1a1: {  	v47 =	vld [tilespmem:s28+$0xA4F0];
	v12 =	vmul.f32 $1.131370830e+01, v42;
	[tilespmem:s28+$0x12460] =	vst v10;
	v16 =	vadd.f32 v16, v6  }
0x1a2: {  	v48 =	vld [tilespmem:s28+$0xA500];
	v14 =	vmul.f32 $1.131370830e+01, v43;
	v11 =	vadd.f32 v11, v5;
	[tilespmem:s28+$0x12470] =	vst v13  }
0x1a3: {  	v49 =	vld [tilespmem:s28+$0xA510];
	v15 =	vmul.f32 $1.131370830e+01, v44;
	v12 =	vadd.f32 v12, v4;
	[tilespmem:s28+$0x12480] =	vst v16  }
0x1a4: {  	v50 =	vld [tilespmem:s28+$0xA520];
	v8 =	vmul.f32 $1.131370830e+01, v45;
	v14 =	vadd.f32 v14, v3;
	[tilespmem:s28+$0x12490] =	vst v11  }
0x1a5: {  	v51 =	vld [tilespmem:s28+$0xA530];
	v9 =	vmul.f32 $1.131370830e+01, v46;
	v15 =	vadd.f32 v15, v2;
	[tilespmem:s28+$0x124A0] =	vst v12  }
0x1a6: {  	v52 =	vld [tilespmem:s28+$0xA540];
	v8 =	vadd.f32 v8, v1;
	v10 =	vmul.f32 $1.131370830e+01, v47;
	[tilespmem:s28+$0x124B0] =	vst v14  }
0x1a7: {  	v53 =	vld [tilespmem:s28+$0xA550];
	v9 =	vadd.f32 v9, v0;
	v13 =	vmul.f32 $1.131370830e+01, v48;
	[tilespmem:s28+$0x124C0] =	vst v15  }
0x1a8: {  	v54 =	vld [tilespmem:s28+$0xA560];
	[tilespmem:s28+$0x124D0] =	vst v8;
	v10 =	vadd.f32 v10, v7;
	v16 =	vmul.f32 $1.131370830e+01, v49  }
0x1a9: {  	v55 =	vld [tilespmem:s28+$0xA570];
	v11 =	vmul.f32 $1.131370830e+01, v50;
	[tilespmem:s28+$0x124E0] =	vst v9;
	v13 =	vadd.f32 v13, v6  }
0x1aa: {  	v45 =	vld [tilespmem:s28+$0xA790];
	v12 =	vmul.f32 $1.131370830e+01, v51;
	[tilespmem:s28+$0x124F0] =	vst v10;
	v16 =	vadd.f32 v16, v5  }
0x1ab: {  	v56 =	vld [tilespmem:s28+$0xA580];
	v14 =	vmul.f32 $1.131370830e+01, v52;
	v11 =	vadd.f32 v11, v4;
	[tilespmem:s28+$0x12500] =	vst v13  }
0x1ac: {  	v57 =	vld [tilespmem:s28+$0xA590];
	v15 =	vmul.f32 $1.131370830e+01, v53;
	v12 =	vadd.f32 v12, v3;
	[tilespmem:s28+$0x12510] =	vst v16  }
0x1ad: {  	v47 =	vld [tilespmem:s28+$0xA7B0];
	v8 =	vmul.f32 $1.131370830e+01, v54;
	v14 =	vadd.f32 v14, v2;
	[tilespmem:s28+$0x12520] =	vst v11  }
0x1ae: {  	v58 =	vld [tilespmem:s28+$0xA5A0];
	v9 =	vmul.f32 $1.131370830e+01, v55;
	v15 =	vadd.f32 v15, v1;
	[tilespmem:s28+$0x12530] =	vst v12  }
0x1af: {  	v59 =	vld [tilespmem:s28+$0xA5B0];
	v51 =	vmul.f32 $1.131370830e+01, v45;
	v8 =	vadd.f32 v8, v0;
	[tilespmem:s28+$0x12540] =	vst v14  }
0x1b0: {  	v60 =	vld [tilespmem:s28+$0xA5C0];
	v10 =	vmul.f32 $1.131370830e+01, v56;
	v9 =	vadd.f32 v9, v7;
	[tilespmem:s28+$0x12550] =	vst v15  }
0x1b1: {  	v61 =	vld [tilespmem:s28+$0xA5D0];
	v13 =	vmul.f32 $1.131370830e+01, v57;
	v54 =	vadd.f32 v51, v5;
	[tilespmem:s28+$0x12560] =	vst v8  }
0x1b2: {  	v62 =	vld [tilespmem:s28+$0xA5E0];
	v55 =	vmul.f32 $1.131370830e+01, v47;
	v10 =	vadd.f32 v10, v6;
	[tilespmem:s28+$0x12570] =	vst v9  }
0x1b3: {  	v63 =	vld [tilespmem:s28+$0xA5F0];
	v16 =	vmul.f32 $1.131370830e+01, v58;
	v13 =	vadd.f32 v13, v5;
	[tilespmem:s28+$0x12790] =	vst v54  }
0x1b4: {  	v48 =	vld [tilespmem:s28+$0xA7C0];
	v11 =	vmul.f32 $1.131370830e+01, v59;
	v58 =	vadd.f32 v55, v3;
	[tilespmem:s28+$0x12580] =	vst v10  }
0x1b5: {  	v20 =	vld [tilespmem:s28+$0xA600];
	v12 =	vmul.f32 $1.131370830e+01, v60;
	v16 =	vadd.f32 v16, v4;
	[tilespmem:s28+$0x12590] =	vst v13  }
0x1b6: {  	v49 =	vld [tilespmem:s28+$0xA7D0];
	v14 =	vmul.f32 $1.131370830e+01, v61;
	v11 =	vadd.f32 v11, v3;
	[tilespmem:s28+$0x127B0] =	vst v58  }
0x1b7: {  	v52 =	vld [tilespmem:s28+$0xA7E0];
	v15 =	vmul.f32 $1.131370830e+01, v62;
	v12 =	vadd.f32 v12, v2;
	[tilespmem:s28+$0x125A0] =	vst v16  }
0x1b8: {  	v21 =	vld [tilespmem:s28+$0xA610];
	v8 =	vmul.f32 $1.131370830e+01, v63;
	v14 =	vadd.f32 v14, v1;
	[tilespmem:s28+$0x125B0] =	vst v11  }
0x1b9: {  	v22 =	vld [tilespmem:s28+$0xA620];
	v57 =	vmul.f32 $1.131370830e+01, v48;
	v15 =	vadd.f32 v15, v0;
	[tilespmem:s28+$0x125C0] =	vst v12  }
0x1ba: {  	v23 =	vld [tilespmem:s28+$0xA630];
	v9 =	vmul.f32 $1.131370830e+01, v20;
	v8 =	vadd.f32 v8, v7;
	[tilespmem:s28+$0x125D0] =	vst v14  }
0x1bb: {  	v24 =	vld [tilespmem:s28+$0xA640];
	v59 =	vmul.f32 $1.131370830e+01, v49;
	v60 =	vadd.f32 v57, v2;
	[tilespmem:s28+$0x125E0] =	vst v15  }
0x1bc: {  	v25 =	vld [tilespmem:s28+$0xA650];
	v61 =	vmul.f32 $1.131370830e+01, v52;
	v9 =	vadd.f32 v9, v6;
	[tilespmem:s28+$0x125F0] =	vst v8  }
0x1bd: {  	v26 =	vld [tilespmem:s28+$0xA660];
	v10 =	vmul.f32 $1.131370830e+01, v21;
	v62 =	vadd.f32 v59, v1;
	[tilespmem:s28+$0x127C0] =	vst v60  }
0x1be: {  	v27 =	vld [tilespmem:s28+$0xA670];
	v13 =	vmul.f32 $1.131370830e+01, v22;
	v63 =	vadd.f32 v61, v0;
	[tilespmem:s28+$0x12600] =	vst v9  }
0x1bf: {  	v28 =	vld [tilespmem:s28+$0xA680];
	v10 =	vadd.f32 v10, v5;
	v16 =	vmul.f32 $1.131370830e+01, v23;
	[tilespmem:s28+$0x127D0] =	vst v62  }
0x1c0: {  	v29 =	vld [tilespmem:s28+$0xA690];
	v11 =	vmul.f32 $1.131370830e+01, v24;
	v13 =	vadd.f32 v13, v4;
	[tilespmem:s28+$0x127E0] =	vst v63  }
0x1c1: {  	v30 =	vld [tilespmem:s28+$0xA6A0];
	v12 =	vmul.f32 $1.131370830e+01, v25;
	[tilespmem:s28+$0x12610] =	vst v10;
	v16 =	vadd.f32 v16, v3  }
0x1c2: {  	v31 =	vld [tilespmem:s28+$0xA6B0];
	v14 =	vmul.f32 $1.131370830e+01, v26;
	v11 =	vadd.f32 v11, v2;
	[tilespmem:s28+$0x12620] =	vst v13  }
0x1c3: {  	v32 =	vld [tilespmem:s28+$0xA6C0];
	v15 =	vmul.f32 $1.131370830e+01, v27;
	v12 =	vadd.f32 v12, v1;
	[tilespmem:s28+$0x12630] =	vst v16  }
0x1c4: {  	v33 =	vld [tilespmem:s28+$0xA6D0];
	v8 =	vmul.f32 $1.131370830e+01, v28;
	v14 =	vadd.f32 v14, v0;
	[tilespmem:s28+$0x12640] =	vst v11  }
0x1c5: {  	v34 =	vld [tilespmem:s28+$0xA6E0];
	v9 =	vmul.f32 $1.131370830e+01, v29;
	v15 =	vadd.f32 v15, v7;
	[tilespmem:s28+$0x12650] =	vst v12  }
0x1c6: {  	v35 =	vld [tilespmem:s28+$0xA6F0];
	v8 =	vadd.f32 v8, v6;
	v10 =	vmul.f32 $1.131370830e+01, v30;
	[tilespmem:s28+$0x12660] =	vst v14  }
0x1c7: {  	v36 =	vld [tilespmem:s28+$0xA700];
	v9 =	vadd.f32 v9, v5;
	v13 =	vmul.f32 $1.131370830e+01, v31;
	[tilespmem:s28+$0x12670] =	vst v15  }
0x1c8: {  	v37 =	vld [tilespmem:s28+$0xA710];
	[tilespmem:s28+$0x12680] =	vst v8;
	v10 =	vadd.f32 v10, v4;
	v16 =	vmul.f32 $1.131370830e+01, v32  }
0x1c9: {  	v38 =	vld [tilespmem:s28+$0xA720];
	v11 =	vmul.f32 $1.131370830e+01, v33;
	[tilespmem:s28+$0x12690] =	vst v9;
	v13 =	vadd.f32 v13, v3  }
0x1ca: {  	v39 =	vld [tilespmem:s28+$0xA730];
	v12 =	vmul.f32 $1.131370830e+01, v34;
	[tilespmem:s28+$0x126A0] =	vst v10;
	v16 =	vadd.f32 v16, v2  }
0x1cb: {  	v40 =	vld [tilespmem:s28+$0xA740];
	v14 =	vmul.f32 $1.131370830e+01, v35;
	v11 =	vadd.f32 v11, v1;
	[tilespmem:s28+$0x126B0] =	vst v13  }
0x1cc: {  	v41 =	vld [tilespmem:s28+$0xA750];
	v15 =	vmul.f32 $1.131370830e+01, v36;
	v12 =	vadd.f32 v12, v0;
	[tilespmem:s28+$0x126C0] =	vst v16  }
0x1cd: {  	v42 =	vld [tilespmem:s28+$0xA760];
	v8 =	vmul.f32 $1.131370830e+01, v37;
	v14 =	vadd.f32 v14, v7;
	[tilespmem:s28+$0x126D0] =	vst v11  }
0x1ce: {  	v43 =	vld [tilespmem:s28+$0xA770];
	v9 =	vmul.f32 $1.131370830e+01, v38;
	v15 =	vadd.f32 v15, v6;
	[tilespmem:s28+$0x126E0] =	vst v12  }
0x1cf: {  	v44 =	vld [tilespmem:s28+$0xA780];
	v8 =	vadd.f32 v8, v5;
	v10 =	vmul.f32 $1.131370830e+01, v39;
	[tilespmem:s28+$0x126F0] =	vst v14  }
0x1d0: {  	v46 =	vld [tilespmem:s28+$0xA7A0];
	v9 =	vadd.f32 v9, v4;
	v13 =	vmul.f32 $1.131370830e+01, v40;
	[tilespmem:s28+$0x12700] =	vst v15  }
0x1d1: {  	[tilespmem:s28+$0x12710] =	vst v8;
	v10 =	vadd.f32 v10, v3;
	v16 =	vmul.f32 $1.131370830e+01, v41  }
0x1d2: {  	v11 =	vmul.f32 $1.131370830e+01, v42;
	[tilespmem:s28+$0x12720] =	vst v9;
	v13 =	vadd.f32 v13, v2  }
0x1d3: {  	v12 =	vmul.f32 $1.131370830e+01, v43;
	[tilespmem:s28+$0x12730] =	vst v10;
	v16 =	vadd.f32 v16, v1  }
0x1d4: {  	v14 =	vmul.f32 $1.131370830e+01, v44;
	v11 =	vadd.f32 v11, v0;
	[tilespmem:s28+$0x12740] =	vst v13  }
0x1d5: {  	v8 =	vmul.f32 $1.131370830e+01, v46;
	v50 =	vadd.f32 v12, v7;
	[tilespmem:s28+$0x12750] =	vst v16  }
.Ltmp4:
0x1d6: {  	s25 =	sand.u32 $0x7F80, s25;
	v53 =	vadd.f32 v14, v6;
	[tilespmem:s28+$0x12760] =	vst v11;
	(pc) =	sbr.rel @p1 .LBB2_8-.Ltmp4, $4  }
0x1d7: {  	s25 =	sor.u32 s7, s25;
	v56 =	vadd.f32 v8, v4;
	[tilespmem:s28+$0x12770] =	vst v50  }
0x1d8: {  	s25 =	sshrl.u32 s25, $0x3;
	[tilespmem:s28+$0x12780] =	vst v53  }
0x1d9: {  	s25 =	sadd.s32 s3, s25;
	[tilespmem:s28+$0x127A0] =	vst v56  }
0x1da: {  	[hbm4b:s25+s13] =	stream.strided.scatter [tilespmem:s19], [sflag:$0x4], $0x4000, s14, s13, $0x38;
	[tilespmem:$0x1C800] =	vst v63  }
.Ltmp5:
0x1db: {  	(pc) =	sbr.rel .LBB2_2-.Ltmp5, $4  }
0x1dc: {  	_ = 	snop  }
0x1dd: {  	s24 =	sand.u32 $0x3FFFFF00, s24  }
0x1de: {  	s23 =	sadd.s32 $0x1, s23;
	s24 =	sadd.s32 $0x180, s24  }
0x1df: {  	[tilespmem:s15], [sflag:$0x2] =	stream.indirect.gather [hbm4b:s1+s13], $0x80, s24, s13, $0xb8;
	[tilespmem:$0x1C800] =	vst v63  }
.LBB2_9:
0x1e0: {  	_ =	sfence.sel $0x180000  }
0x1e1: {  	[bflag:$0x0] =	sbarrier.arrive $0xFFFF  }
0x1e2: {  	p0 =	sne.s32 s2, $0x0;
	_ =	strace $0x90000047  }
0x1e3: {  	s0 =	sadd.s32 @!p0 $0x100000, s0;
	[bflag:$0x2] =	sbarrier.arrive $0xFFFF  }
0x1e4: {  	[sflag:s0] =	ssyncadd.tile.s32 @!p0 $0x1;
	_ =	shalt  }
.Lfunc_end2:
_tile_overlayer_lowered:
.L_overlay_start_2:
0x1e5: {  	(tag) =	ssettag $0x2  }
0x1e6: {  	s0 =	rddreg [dreg:$0x0];
	s2 =	stileid.u32  }
0x1e7: {  	s1 =	rddreg [dreg:$0x1];
	p0 =	sne.s32 s2, $0x0  }
0x1e8: {  	s3 =	rddreg [dreg:$0x2];
	[bflag:$0x3] =	sbarrier.arrive $0xFFFF;
	s2 =	simm.s32 @!p0 $0x1C05  }
0x1e9: {  	[timem:s3], [sflag:s2] =	dma.local @!p0 [hbm:s0], s1  }
0x1ea: {  	s0 =	simm.s32 @!p0 $0x5  }
0x1eb: {  	_ =	swait.ge @!p0 [sflag:s0], s1  }
0x1ec: {  	s1 =	ssub.s32 @!p0 $0x0, s1;
	[sflag:s0] =	ssyncset.done @!p0 $0x0  }
0x1ed: {  	[sflag:s0] =	ssyncadd.s32 @!p0 s1  }
0x1ee: {  	[bflag:$0x3] =	sbarrier.arrive $0xFFFF  }
0x1ef: {  	_ =	shalt  }

</sc_bundles>
